<compile_context>
chip_gen: v7x
topology: tpu7x:2x2x1
jax: 0.10.2.dev20260603
libtpu: 0.0.44.dev20260713+nightly
codegen_flags: <defaults>
</compile_context>

<pallas_src>
import functools

import jax
import jax.numpy as jnp
from jax import lax
from jax.experimental import pallas as pl
from jax.experimental.pallas import tpu as pltpu
from jax.experimental.pallas import tpu_sc as plsc


TILE_T = 1024


def topk_body(pt_ref, ps_ref, ssq_ref, idx_ref, w_ref):
    pt = pt_ref[...]
    ps = ps_ref[...]
    ssq = ssq_ref[...]
    dot = lax.dot_general(pt, ps, (((1,), (1,)), ((), ())),
                          preferred_element_type=jnp.float32)
    tsq = jnp.sum(pt * pt, axis=1, keepdims=True)
    d = tsq + ssq - 2.0 * dot

    L = 128
    NG = d.shape[1] // L
    HALF = NG // 2
    INF = jnp.float32(jnp.inf)
    lane = lax.broadcasted_iota(jnp.int32, (1, L), 1).astype(jnp.float32)
    cands_v = []
    cands_i = []
    for half in range(2):
        base = half * HALF
        t1 = d[:, base * L:(base + 1) * L]
        g1 = jnp.full_like(t1, jnp.float32(base))
        t2 = jnp.full_like(t1, INF)
        g2 = jnp.zeros_like(t1)
        for g in range(base + 1, base + HALF):
            x = d[:, g * L:(g + 1) * L]
            gf = jnp.float32(g)
            x_wins = x < t1
            lose_v = jnp.maximum(t1, x)
            lose_g = jnp.where(x_wins, g1, gf)
            t1 = jnp.minimum(t1, x)
            g1 = jnp.where(x_wins, gf, g1)
            l_wins = lose_v < t2
            g2 = jnp.where(l_wins, lose_g, g2)
            t2 = jnp.minimum(t2, lose_v)
        cands_v += [t1, t2]
        cands_i += [g1 * jnp.float32(L) + lane, g2 * jnp.float32(L) + lane]

    v = jnp.concatenate(cands_v, axis=1)
    gi = jnp.concatenate(cands_i, axis=1)
    gi_i = gi.astype(jnp.int32)
    big_f = jnp.float32(2 ** 30)
    idxs = []
    dists = []
    for k in range(3):
        m = jnp.min(v, axis=1, keepdims=True)
        hit = v == m
        ik_f = jnp.min(jnp.where(hit, gi, big_f), axis=1, keepdims=True)
        ik = ik_f.astype(jnp.int32)
        idxs.append(ik)
        dists.append(jnp.sqrt(jnp.maximum(m, 0.0)) + 1e-8)
        if k < 2:
            v = jnp.where(gi_i == ik, INF, v)
    ws = [1.0 / dk for dk in dists]
    wsum = ws[0] + ws[1] + ws[2]
    ws = [wk / wsum for wk in ws]
    zi = jnp.zeros_like(idxs[0])
    zw = jnp.zeros_like(ws[0])
    idx_ref[...] = jnp.transpose(
        jnp.concatenate(idxs + [zi] * 5, axis=1), (1, 0))
    w_ref[...] = jnp.concatenate(ws + [zw] * 5, axis=1)


def mlp_body(g0_ref, g1_ref, g2_ref, xs_ref, w_ref, W1a_ref, W1b_ref,
             b1_ref, W2_ref, b2_ref, out_ref):
    w = w_ref[...]
    interp = (g0_ref[...] * w[:, 0:1] + g1_ref[...] * w[:, 1:2]
              + g2_ref[...] * w[:, 2:3])
    h = (jnp.dot(interp, W1a_ref[...], preferred_element_type=jnp.float32)
         + jnp.dot(xs_ref[...], W1b_ref[...], preferred_element_type=jnp.float32)
         + b1_ref[...])
    h = jnp.maximum(h, 0.0)
    out_ref[...] = (jnp.dot(h, W2_ref[...], preferred_element_type=jnp.float32)
                    + b2_ref[...])


def _make_gather3(N_src, D, N_tgt):
    info = plsc.get_sparse_core_info()
    NC, NS = info.num_cores, info.num_subcores
    NW = NC * NS
    CHUNK = 128
    rows_total = N_tgt // CHUNK
    rows_per_w = rows_total // NW
    mesh = plsc.VectorSubcoreMesh(core_axis_name="c", subcore_axis_name="s")

    @functools.partial(
        pl.kernel, mesh=mesh,
        out_type=tuple(jax.ShapeDtypeStruct((N_tgt, D), jnp.float32)
                       for _ in range(3)),
        scratch_types=[
            pltpu.VMEM((3, rows_per_w, CHUNK), jnp.int32),
            pltpu.VMEM((2, CHUNK, D), jnp.float32),
            pltpu.SemaphoreType.DMA,
            pltpu.SemaphoreType.DMA,
        ],
    )
    def gather3(xs_hbm, idx3_hbm, g0_hbm, g1_hbm, g2_hbm,
                idx_v, rows_v, sem0, sem1):
        wid = lax.axis_index("s") * NC + lax.axis_index("c")
        row0 = wid * rows_per_w
        sems = (sem0, sem1)
        for j in range(3):
            pltpu.sync_copy(idx3_hbm.at[j, pl.ds(row0, rows_per_w)],
                            idx_v.at[j])
        tasks = [(j, c, g_hbm)
                 for j, g_hbm in enumerate((g0_hbm, g1_hbm, g2_hbm))
                 for c in range(rows_per_w)]
        pending = [None, None]
        for t, (j, c, g_hbm) in enumerate(tasks):
            b = t % 2
            if pending[b] is not None:
                desc, pg, pc = pending[b]
                desc.wait()
                pltpu.sync_copy(rows_v.at[b],
                                pg.at[pl.ds((row0 + pc) * CHUNK, CHUNK)])
            pending[b] = (
                pltpu.async_copy(xs_hbm.at[idx_v.at[j, c]], rows_v.at[b],
                                 sems[b]),
                g_hbm, c)
        for b in (len(tasks) % 2, (len(tasks) + 1) % 2):
            desc, pg, pc = pending[b]
            desc.wait()
            pltpu.sync_copy(rows_v.at[b],
                            pg.at[pl.ds((row0 + pc) * CHUNK, CHUNK)])

    return gather3


def _stage_a(pos_tgt, pos_src, ssq, N_src, n, row_off):
    grid = n // TILE_T
    off = row_off // TILE_T
    return pl.pallas_call(
        topk_body,
        grid=(grid,),
        in_specs=[
            pl.BlockSpec((TILE_T, 3), lambda i: (i + off, 0)),
            pl.BlockSpec((N_src, 3), lambda i: (0, 0)),
            pl.BlockSpec((1, N_src), lambda i: (0, 0)),
        ],
        out_specs=[
            pl.BlockSpec((8, TILE_T), lambda i: (0, i)),
            pl.BlockSpec((TILE_T, 8), lambda i: (i, 0)),
        ],
        out_shape=[
            jax.ShapeDtypeStruct((8, n), jnp.int32),
            jax.ShapeDtypeStruct((n, 8), jnp.float32),
        ],
    )(pos_tgt, pos_src, ssq)


def _stage_c(gs, x_skip, row_off, w8_h, W1a, W1b, b1, W2, b2):
    n, C = gs[0].shape
    Cs = x_skip.shape[1]
    Co = W2.shape[1]
    grid = n // TILE_T
    off = row_off // TILE_T
    return pl.pallas_call(
        mlp_body,
        grid=(grid,),
        in_specs=[
            pl.BlockSpec((TILE_T, C), lambda i: (i, 0)),
            pl.BlockSpec((TILE_T, C), lambda i: (i, 0)),
            pl.BlockSpec((TILE_T, C), lambda i: (i, 0)),
            pl.BlockSpec((TILE_T, Cs), lambda i: (i + off, 0)),
            pl.BlockSpec((TILE_T, 8), lambda i: (i, 0)),
            pl.BlockSpec((C, Co), lambda i: (0, 0)),
            pl.BlockSpec((Cs, Co), lambda i: (0, 0)),
            pl.BlockSpec((1, Co), lambda i: (0, 0)),
            pl.BlockSpec((Co, Co), lambda i: (0, 0)),
            pl.BlockSpec((1, Co), lambda i: (0, 0)),
        ],
        out_specs=pl.BlockSpec((TILE_T, Co), lambda i: (i, 0)),
        out_shape=jax.ShapeDtypeStruct((n, Co), jnp.float32),
    )(*gs, x_skip, w8_h, W1a, W1b, b1, W2, b2)


def kernel(x_src, pos_src, pos_tgt, x_skip, W1, b1, W2, b2):
    N_src, C = x_src.shape
    N_tgt = pos_tgt.shape[0]
    Co = W2.shape[1]
    CHUNK = 128

    ssq = jnp.sum(pos_src * pos_src, axis=1)[None, :]
    W1a = W1[:C]
    W1b = W1[C:]
    b1r = b1.reshape(1, Co)
    b2r = b2.reshape(1, Co)

    H = N_tgt // 2
    gather = _make_gather3(N_src, C, H)
    idxw = [_stage_a(pos_tgt, pos_src, ssq, N_src, H, h * H)
            for h in range(2)]
    gs = [None, None]
    for h in range(2):
        idx3 = idxw[h][0][:3].reshape(3, H // CHUNK, CHUNK)
        gs[h] = gather(x_src, idx3)
    outs = [_stage_c(gs[h], x_skip, h * H, idxw[h][1],
                     W1a, W1b, b1r, W2, b2r) for h in range(2)]
    return jnp.concatenate(outs, axis=0)

# --- scband reference (transcript-rebuilt; emitter-appended) ---
"""Pipeline reference for scband-topo-fpmodule-11098195493236 (READ-ONLY COPY).

The authoritative reference and input builder live on the scoring server;
editing this copy changes nothing except your own understanding.
"""

import jax, jax.numpy as jnp
import numpy as np


def setup_inputs(seed: int = 0) -> dict:
    key = jax.random.key(seed)
    ks = jax.random.split(key, 8)
    N_src, N_tgt, C, Cs, Co = 4096, 16384, 128, 128, 128
    x_src = jax.random.normal(ks[0], (N_src, C), dtype=jnp.float32)
    pos_src = jax.random.normal(ks[1], (N_src, 3), dtype=jnp.float32)
    pos_tgt = jax.random.normal(ks[2], (N_tgt, 3), dtype=jnp.float32)
    x_skip = jax.random.normal(ks[3], (N_tgt, Cs), dtype=jnp.float32)
    s1 = 1.0 / np.sqrt(C + Cs)
    W1 = jax.random.uniform(ks[4], (C + Cs, Co), dtype=jnp.float32, minval=-s1, maxval=s1)
    b1 = jax.random.uniform(ks[5], (Co,), dtype=jnp.float32, minval=-s1, maxval=s1)
    s2 = 1.0 / np.sqrt(Co)
    W2 = jax.random.uniform(ks[6], (Co, Co), dtype=jnp.float32, minval=-s2, maxval=s2)
    b2 = jax.random.uniform(ks[7], (Co,), dtype=jnp.float32, minval=-s2, maxval=s2)
    return {"x_src": x_src, "pos_src": pos_src, "pos_tgt": pos_tgt, "x_skip": x_skip,
            "W1": W1, "b1": b1, "W2": W2, "b2": b2}


def reference(x_src, pos_src, pos_tgt, x_skip, W1, b1, W2, b2):
    # pairwise euclidean distances (torch.cdist, p=2) via expansion
    sq = (jnp.sum(pos_tgt ** 2, axis=1, keepdims=True)
          + jnp.sum(pos_src ** 2, axis=1)[None, :]
          - 2.0 * (pos_tgt @ pos_src.T))
    dists = jnp.sqrt(jnp.clip(sq, 0.0, None)) + 1e-08
    k = 3
    _, knn_idx = jax.lax.top_k(-dists, k)  # 3 smallest distances
    knn_dists = jnp.take_along_axis(dists, knn_idx, axis=1)
    weight = 1.0 / knn_dists
    weight = weight / jnp.sum(weight, axis=1, keepdims=True)
    interpolated = jnp.sum(x_src[knn_idx] * weight[..., None], axis=1)
    feat_cat = jnp.concatenate([interpolated, x_skip], axis=1)
    h = jax.nn.relu(feat_cat @ W1 + b1)
    out = h @ W2 + b2
    return out

if __name__ == "__main__":
    import jax
    _d = setup_inputs()
    print(jax.jit(kernel)(*tuple(_d.values())))

</pallas_src>

<mosaic_0001>
#map = affine_map<(d0, d1) -> (0, 0)>
#map1 = affine_map<(d0, d1) -> (0, 0, 0)>
module attributes {stable_mosaic.version = 14 : i64} {
  func.func @gather3(%arg0: i32, %arg1: i32, %arg2: memref<4096x128xf32, #tpu.memory_space<hbm>>, %arg3: memref<3x64x128xi32, #tpu.memory_space<hbm>>, %arg4: memref<8192x128xf32, #tpu.memory_space<hbm>>, %arg5: memref<8192x128xf32, #tpu.memory_space<hbm>>, %arg6: memref<8192x128xf32, #tpu.memory_space<hbm>>, %arg7: memref<3x2x128xi32, #tpu.memory_space<vmem>>, %arg8: memref<2x128x128xf32, #tpu.memory_space<vmem>>, %arg9: memref<!tpu.dma_semaphore, #tpu.memory_space<semaphore_mem>>, %arg10: memref<!tpu.dma_semaphore, #tpu.memory_space<semaphore_mem>>) attributes {dimension_semantics = [#tpu.dimension_semantics<core_parallel>, #tpu.dimension_semantics<subcore_parallel>], iteration_bounds = array<i64: 2, 16>, scalar_prefetch = 0 : i64, scratch_operands = 4 : i64, tpu.core_type = #tpu.core_type<sc_vector_subcore>, window_params = [{transform_indices = #map}, {transform_indices = #map1}, {transform_indices = #map}, {transform_indices = #map}, {transform_indices = #map}]} {
    %mul3A = arith.constant 2 : i32
    %mul3A_0 = arith.muli %arg1, %mul3A : i32
    %add3A = arith.addi %mul3A_0, %arg0 : i32
    %mul3A_1 = arith.constant 2 : i32
    %mul3A_2 = arith.muli %add3A, %mul3A_1 : i32
    %run_scoped3A = arith.constant 0 : i32
    %run_scoped3A_3 = arith.constant 0 : i32
    "tpu.region"() ({
      %run_scoped3A_192 = tpu.sem_alloc : memref<!tpu.dma_semaphore, #tpu.memory_space<semaphore_mem>>
      %dma_start3A_193 = arith.constant 0 : i32
      %dma_start3A_194 = arith.constant 0 : i32
      %dma_start3A_195 = tpu.memref_slice %arg7[%run_scoped3A_3, %dma_start3A_193, %dma_start3A_194] : memref<3x2x128xi32, #tpu.memory_space<vmem>> -> memref<1x2x128xi32, #tpu.memory_space<vmem>>
      %dma_start3A_196 = tpu.memref_squeeze %dma_start3A_195 : memref<1x2x128xi32, #tpu.memory_space<vmem>> -> memref<2x128xi32, #tpu.memory_space<vmem>>
      %dma_start3A_197 = arith.constant 0 : i32
      %dma_start3A_198 = tpu.memref_slice %arg3[%run_scoped3A, %mul3A_2, %dma_start3A_197] : memref<3x64x128xi32, #tpu.memory_space<hbm>> -> memref<1x2x128xi32, #tpu.memory_space<hbm>>
      %dma_start3A_199 = tpu.memref_squeeze %dma_start3A_198 : memref<1x2x128xi32, #tpu.memory_space<hbm>> -> memref<2x128xi32, #tpu.memory_space<hbm>>
      %dma_start3A_200 = arith.constant 0 : i32
      %dma_start3A_201 = arith.constant 0 : i32
      %dma_start3A_202 = tpu.memref_slice %arg7[%run_scoped3A_3, %dma_start3A_200, %dma_start3A_201] : memref<3x2x128xi32, #tpu.memory_space<vmem>> -> memref<1x2x128xi32, #tpu.memory_space<vmem>>
      %dma_start3A_203 = tpu.memref_squeeze %dma_start3A_202 : memref<1x2x128xi32, #tpu.memory_space<vmem>> -> memref<2x128xi32, #tpu.memory_space<vmem>>
      %dma_start3A_204 = arith.constant 0 : i32
      %dma_start3A_205 = tpu.memref_slice %arg3[%run_scoped3A, %mul3A_2, %dma_start3A_204] : memref<3x64x128xi32, #tpu.memory_space<hbm>> -> memref<1x2x128xi32, #tpu.memory_space<hbm>>
      %dma_start3A_206 = tpu.memref_squeeze %dma_start3A_205 : memref<1x2x128xi32, #tpu.memory_space<hbm>> -> memref<2x128xi32, #tpu.memory_space<hbm>>
      tpu.enqueue_dma source(%dma_start3A_206 : memref<2x128xi32, #tpu.memory_space<hbm>>) target(%dma_start3A_203 : memref<2x128xi32, #tpu.memory_space<vmem>>) target_semaphore(%run_scoped3A_192 : memref<!tpu.dma_semaphore, #tpu.memory_space<semaphore_mem>>)
      %dma_wait3A_207 = arith.constant 0 : i32
      %dma_wait3A_208 = arith.constant 0 : i32
      %dma_wait3A_209 = tpu.memref_slice %arg7[%run_scoped3A_3, %dma_wait3A_207, %dma_wait3A_208] : memref<3x2x128xi32, #tpu.memory_space<vmem>> -> memref<1x2x128xi32, #tpu.memory_space<vmem>>
      %dma_wait3A_210 = tpu.memref_squeeze %dma_wait3A_209 : memref<1x2x128xi32, #tpu.memory_space<vmem>> -> memref<2x128xi32, #tpu.memory_space<vmem>>
      %dma_wait3A_211 = arith.constant 0 : i32
      %dma_wait3A_212 = tpu.memref_slice %arg3[%run_scoped3A, %mul3A_2, %dma_wait3A_211] : memref<3x64x128xi32, #tpu.memory_space<hbm>> -> memref<1x2x128xi32, #tpu.memory_space<hbm>>
      %dma_wait3A_213 = tpu.memref_squeeze %dma_wait3A_212 : memref<1x2x128xi32, #tpu.memory_space<hbm>> -> memref<2x128xi32, #tpu.memory_space<hbm>>
      %dma_wait3A_214 = arith.constant 0 : i32
      %dma_wait3A_215 = arith.constant 0 : i32
      %dma_wait3A_216 = tpu.memref_slice %arg7[%run_scoped3A_3, %dma_wait3A_214, %dma_wait3A_215] : memref<3x2x128xi32, #tpu.memory_space<vmem>> -> memref<1x2x128xi32, #tpu.memory_space<vmem>>
      %dma_wait3A_217 = tpu.memref_squeeze %dma_wait3A_216 : memref<1x2x128xi32, #tpu.memory_space<vmem>> -> memref<2x128xi32, #tpu.memory_space<vmem>>
      %dma_wait3A_218 = arith.constant 0 : i32
      %dma_wait3A_219 = tpu.memref_slice %arg3[%run_scoped3A, %mul3A_2, %dma_wait3A_218] : memref<3x64x128xi32, #tpu.memory_space<hbm>> -> memref<1x2x128xi32, #tpu.memory_space<hbm>>
      %dma_wait3A_220 = tpu.memref_squeeze %dma_wait3A_219 : memref<1x2x128xi32, #tpu.memory_space<hbm>> -> memref<2x128xi32, #tpu.memory_space<hbm>>
      tpu.wait_dma2 semaphore(%run_scoped3A_192 : memref<!tpu.dma_semaphore, #tpu.memory_space<semaphore_mem>>) src(%dma_wait3A_220 : memref<2x128xi32, #tpu.memory_space<hbm>>) dst(%dma_wait3A_217 : memref<2x128xi32, #tpu.memory_space<vmem>>)
      tpu.yield
    }) : () -> ()
    %run_scoped3A_4 = arith.constant 1 : i32
    %run_scoped3A_5 = arith.constant 1 : i32
    "tpu.region"() ({
      %run_scoped3A_192 = tpu.sem_alloc : memref<!tpu.dma_semaphore, #tpu.memory_space<semaphore_mem>>
      %dma_start3A_193 = arith.constant 0 : i32
      %dma_start3A_194 = arith.constant 0 : i32
      %dma_start3A_195 = tpu.memref_slice %arg7[%run_scoped3A_5, %dma_start3A_193, %dma_start3A_194] : memref<3x2x128xi32, #tpu.memory_space<vmem>> -> memref<1x2x128xi32, #tpu.memory_space<vmem>>
      %dma_start3A_196 = tpu.memref_squeeze %dma_start3A_195 : memref<1x2x128xi32, #tpu.memory_space<vmem>> -> memref<2x128xi32, #tpu.memory_space<vmem>>
      %dma_start3A_197 = arith.constant 0 : i32
      %dma_start3A_198 = tpu.memref_slice %arg3[%run_scoped3A_4, %mul3A_2, %dma_start3A_197] : memref<3x64x128xi32, #tpu.memory_space<hbm>> -> memref<1x2x128xi32, #tpu.memory_space<hbm>>
      %dma_start3A_199 = tpu.memref_squeeze %dma_start3A_198 : memref<1x2x128xi32, #tpu.memory_space<hbm>> -> memref<2x128xi32, #tpu.memory_space<hbm>>
      %dma_start3A_200 = arith.constant 0 : i32
      %dma_start3A_201 = arith.constant 0 : i32
      %dma_start3A_202 = tpu.memref_slice %arg7[%run_scoped3A_5, %dma_start3A_200, %dma_start3A_201] : memref<3x2x128xi32, #tpu.memory_space<vmem>> -> memref<1x2x128xi32, #tpu.memory_space<vmem>>
      %dma_start3A_203 = tpu.memref_squeeze %dma_start3A_202 : memref<1x2x128xi32, #tpu.memory_space<vmem>> -> memref<2x128xi32, #tpu.memory_space<vmem>>
      %dma_start3A_204 = arith.constant 0 : i32
      %dma_start3A_205 = tpu.memref_slice %arg3[%run_scoped3A_4, %mul3A_2, %dma_start3A_204] : memref<3x64x128xi32, #tpu.memory_space<hbm>> -> memref<1x2x128xi32, #tpu.memory_space<hbm>>
      %dma_start3A_206 = tpu.memref_squeeze %dma_start3A_205 : memref<1x2x128xi32, #tpu.memory_space<hbm>> -> memref<2x128xi32, #tpu.memory_space<hbm>>
      tpu.enqueue_dma source(%dma_start3A_206 : memref<2x128xi32, #tpu.memory_space<hbm>>) target(%dma_start3A_203 : memref<2x128xi32, #tpu.memory_space<vmem>>) target_semaphore(%run_scoped3A_192 : memref<!tpu.dma_semaphore, #tpu.memory_space<semaphore_mem>>)
      %dma_wait3A_207 = arith.constant 0 : i32
      %dma_wait3A_208 = arith.constant 0 : i32
      %dma_wait3A_209 = tpu.memref_slice %arg7[%run_scoped3A_5, %dma_wait3A_207, %dma_wait3A_208] : memref<3x2x128xi32, #tpu.memory_space<vmem>> -> memref<1x2x128xi32, #tpu.memory_space<vmem>>
      %dma_wait3A_210 = tpu.memref_squeeze %dma_wait3A_209 : memref<1x2x128xi32, #tpu.memory_space<vmem>> -> memref<2x128xi32, #tpu.memory_space<vmem>>
      %dma_wait3A_211 = arith.constant 0 : i32
      %dma_wait3A_212 = tpu.memref_slice %arg3[%run_scoped3A_4, %mul3A_2, %dma_wait3A_211] : memref<3x64x128xi32, #tpu.memory_space<hbm>> -> memref<1x2x128xi32, #tpu.memory_space<hbm>>
      %dma_wait3A_213 = tpu.memref_squeeze %dma_wait3A_212 : memref<1x2x128xi32, #tpu.memory_space<hbm>> -> memref<2x128xi32, #tpu.memory_space<hbm>>
      %dma_wait3A_214 = arith.constant 0 : i32
      %dma_wait3A_215 = arith.constant 0 : i32
      %dma_wait3A_216 = tpu.memref_slice %arg7[%run_scoped3A_5, %dma_wait3A_214, %dma_wait3A_215] : memref<3x2x128xi32, #tpu.memory_space<vmem>> -> memref<1x2x128xi32, #tpu.memory_space<vmem>>
      %dma_wait3A_217 = tpu.memref_squeeze %dma_wait3A_216 : memref<1x2x128xi32, #tpu.memory_space<vmem>> -> memref<2x128xi32, #tpu.memory_space<vmem>>
      %dma_wait3A_218 = arith.constant 0 : i32
      %dma_wait3A_219 = tpu.memref_slice %arg3[%run_scoped3A_4, %mul3A_2, %dma_wait3A_218] : memref<3x64x128xi32, #tpu.memory_space<hbm>> -> memref<1x2x128xi32, #tpu.memory_space<hbm>>
      %dma_wait3A_220 = tpu.memref_squeeze %dma_wait3A_219 : memref<1x2x128xi32, #tpu.memory_space<hbm>> -> memref<2x128xi32, #tpu.memory_space<hbm>>
      tpu.wait_dma2 semaphore(%run_scoped3A_192 : memref<!tpu.dma_semaphore, #tpu.memory_space<semaphore_mem>>) src(%dma_wait3A_220 : memref<2x128xi32, #tpu.memory_space<hbm>>) dst(%dma_wait3A_217 : memref<2x128xi32, #tpu.memory_space<vmem>>)
      tpu.yield
    }) : () -> ()
    %run_scoped3A_6 = arith.constant 2 : i32
    %run_scoped3A_7 = arith.constant 2 : i32
    "tpu.region"() ({
      %run_scoped3A_192 = tpu.sem_alloc : memref<!tpu.dma_semaphore, #tpu.memory_space<semaphore_mem>>
      %dma_start3A_193 = arith.constant 0 : i32
      %dma_start3A_194 = arith.constant 0 : i32
      %dma_start3A_195 = tpu.memref_slice %arg7[%run_scoped3A_7, %dma_start3A_193, %dma_start3A_194] : memref<3x2x128xi32, #tpu.memory_space<vmem>> -> memref<1x2x128xi32, #tpu.memory_space<vmem>>
      %dma_start3A_196 = tpu.memref_squeeze %dma_start3A_195 : memref<1x2x128xi32, #tpu.memory_space<vmem>> -> memref<2x128xi32, #tpu.memory_space<vmem>>
      %dma_start3A_197 = arith.constant 0 : i32
      %dma_start3A_198 = tpu.memref_slice %arg3[%run_scoped3A_6, %mul3A_2, %dma_start3A_197] : memref<3x64x128xi32, #tpu.memory_space<hbm>> -> memref<1x2x128xi32, #tpu.memory_space<hbm>>
      %dma_start3A_199 = tpu.memref_squeeze %dma_start3A_198 : memref<1x2x128xi32, #tpu.memory_space<hbm>> -> memref<2x128xi32, #tpu.memory_space<hbm>>
      %dma_start3A_200 = arith.constant 0 : i32
      %dma_start3A_201 = arith.constant 0 : i32
      %dma_start3A_202 = tpu.memref_slice %arg7[%run_scoped3A_7, %dma_start3A_200, %dma_start3A_201] : memref<3x2x128xi32, #tpu.memory_space<vmem>> -> memref<1x2x128xi32, #tpu.memory_space<vmem>>
      %dma_start3A_203 = tpu.memref_squeeze %dma_start3A_202 : memref<1x2x128xi32, #tpu.memory_space<vmem>> -> memref<2x128xi32, #tpu.memory_space<vmem>>
      %dma_start3A_204 = arith.constant 0 : i32
      %dma_start3A_205 = tpu.memref_slice %arg3[%run_scoped3A_6, %mul3A_2, %dma_start3A_204] : memref<3x64x128xi32, #tpu.memory_space<hbm>> -> memref<1x2x128xi32, #tpu.memory_space<hbm>>
      %dma_start3A_206 = tpu.memref_squeeze %dma_start3A_205 : memref<1x2x128xi32, #tpu.memory_space<hbm>> -> memref<2x128xi32, #tpu.memory_space<hbm>>
      tpu.enqueue_dma source(%dma_start3A_206 : memref<2x128xi32, #tpu.memory_space<hbm>>) target(%dma_start3A_203 : memref<2x128xi32, #tpu.memory_space<vmem>>) target_semaphore(%run_scoped3A_192 : memref<!tpu.dma_semaphore, #tpu.memory_space<semaphore_mem>>)
      %dma_wait3A_207 = arith.constant 0 : i32
      %dma_wait3A_208 = arith.constant 0 : i32
      %dma_wait3A_209 = tpu.memref_slice %arg7[%run_scoped3A_7, %dma_wait3A_207, %dma_wait3A_208] : memref<3x2x128xi32, #tpu.memory_space<vmem>> -> memref<1x2x128xi32, #tpu.memory_space<vmem>>
      %dma_wait3A_210 = tpu.memref_squeeze %dma_wait3A_209 : memref<1x2x128xi32, #tpu.memory_space<vmem>> -> memref<2x128xi32, #tpu.memory_space<vmem>>
      %dma_wait3A_211 = arith.constant 0 : i32
      %dma_wait3A_212 = tpu.memref_slice %arg3[%run_scoped3A_6, %mul3A_2, %dma_wait3A_211] : memref<3x64x128xi32, #tpu.memory_space<hbm>> -> memref<1x2x128xi32, #tpu.memory_space<hbm>>
      %dma_wait3A_213 = tpu.memref_squeeze %dma_wait3A_212 : memref<1x2x128xi32, #tpu.memory_space<hbm>> -> memref<2x128xi32, #tpu.memory_space<hbm>>
      %dma_wait3A_214 = arith.constant 0 : i32
      %dma_wait3A_215 = arith.constant 0 : i32
      %dma_wait3A_216 = tpu.memref_slice %arg7[%run_scoped3A_7, %dma_wait3A_214, %dma_wait3A_215] : memref<3x2x128xi32, #tpu.memory_space<vmem>> -> memref<1x2x128xi32, #tpu.memory_space<vmem>>
      %dma_wait3A_217 = tpu.memref_squeeze %dma_wait3A_216 : memref<1x2x128xi32, #tpu.memory_space<vmem>> -> memref<2x128xi32, #tpu.memory_space<vmem>>
      %dma_wait3A_218 = arith.constant 0 : i32
      %dma_wait3A_219 = tpu.memref_slice %arg3[%run_scoped3A_6, %mul3A_2, %dma_wait3A_218] : memref<3x64x128xi32, #tpu.memory_space<hbm>> -> memref<1x2x128xi32, #tpu.memory_space<hbm>>
      %dma_wait3A_220 = tpu.memref_squeeze %dma_wait3A_219 : memref<1x2x128xi32, #tpu.memory_space<hbm>> -> memref<2x128xi32, #tpu.memory_space<hbm>>
      tpu.wait_dma2 semaphore(%run_scoped3A_192 : memref<!tpu.dma_semaphore, #tpu.memory_space<semaphore_mem>>) src(%dma_wait3A_220 : memref<2x128xi32, #tpu.memory_space<hbm>>) dst(%dma_wait3A_217 : memref<2x128xi32, #tpu.memory_space<vmem>>)
      tpu.yield
    }) : () -> ()
    %dma_start3A = arith.constant 0 : i32
    %dma_start3A_8 = arith.constant 0 : i32
    %dma_start3A_9 = arith.constant 0 : i32
    %dma_start3A_10 = arith.constant 0 : i32
    %dma_start3A_11 = arith.constant 0 : i32
    %dma_start3A_12 = tpu.memref_slice %arg8[%dma_start3A_9, %dma_start3A_10, %dma_start3A_11] : memref<2x128x128xf32, #tpu.memory_space<vmem>> -> memref<1x128x128xf32, #tpu.memory_space<vmem>>
    %dma_start3A_13 = tpu.memref_squeeze %dma_start3A_12 : memref<1x128x128xf32, #tpu.memory_space<vmem>> -> memref<128x128xf32, #tpu.memory_space<vmem>>
    %dma_start3A_14 = arith.constant 0 : i32
    %dma_start3A_15 = tpu.memref_slice %arg7[%dma_start3A, %dma_start3A_8, %dma_start3A_14] : memref<3x2x128xi32, #tpu.memory_space<vmem>> -> memref<1x1x128xi32, #tpu.memory_space<vmem>>
    %dma_start3A_16 = tpu.memref_squeeze %dma_start3A_15 : memref<1x1x128xi32, #tpu.memory_space<vmem>> -> memref<128xi32, #tpu.memory_space<vmem>>
    %dma_start3A_17 = arith.constant 0 : i32
    %dma_start3A_18 = arith.constant 0 : i32
    %dma_start3A_19 = tpu.memref_slice %arg2[%dma_start3A_17, %dma_start3A_18] : memref<4096x128xf32, #tpu.memory_space<hbm>> -> memref<4096x128xf32, #tpu.memory_space<hbm>>
    tpu.enqueue_indirect_dma source(%dma_start3A_19 : memref<4096x128xf32, #tpu.memory_space<hbm>>) target(%dma_start3A_13 : memref<128x128xf32, #tpu.memory_space<vmem>>) offsets(%dma_start3A_16 : memref<128xi32, #tpu.memory_space<vmem>>) semaphore(%arg9 : memref<!tpu.dma_semaphore, #tpu.memory_space<semaphore_mem>>)
    %dma_start3A_20 = arith.constant 0 : i32
    %dma_start3A_21 = arith.constant 1 : i32
    %dma_start3A_22 = arith.constant 1 : i32
    %dma_start3A_23 = arith.constant 0 : i32
    %dma_start3A_24 = arith.constant 0 : i32
    %dma_start3A_25 = tpu.memref_slice %arg8[%dma_start3A_22, %dma_start3A_23, %dma_start3A_24] : memref<2x128x128xf32, #tpu.memory_space<vmem>> -> memref<1x128x128xf32, #tpu.memory_space<vmem>>
    %dma_start3A_26 = tpu.memref_squeeze %dma_start3A_25 : memref<1x128x128xf32, #tpu.memory_space<vmem>> -> memref<128x128xf32, #tpu.memory_space<vmem>>
    %dma_start3A_27 = arith.constant 0 : i32
    %dma_start3A_28 = tpu.memref_slice %arg7[%dma_start3A_20, %dma_start3A_21, %dma_start3A_27] : memref<3x2x128xi32, #tpu.memory_space<vmem>> -> memref<1x1x128xi32, #tpu.memory_space<vmem>>
    %dma_start3A_29 = tpu.memref_squeeze %dma_start3A_28 : memref<1x1x128xi32, #tpu.memory_space<vmem>> -> memref<128xi32, #tpu.memory_space<vmem>>
    %dma_start3A_30 = arith.constant 0 : i32
    %dma_start3A_31 = arith.constant 0 : i32
    %dma_start3A_32 = tpu.memref_slice %arg2[%dma_start3A_30, %dma_start3A_31] : memref<4096x128xf32, #tpu.memory_space<hbm>> -> memref<4096x128xf32, #tpu.memory_space<hbm>>
    tpu.enqueue_indirect_dma source(%dma_start3A_32 : memref<4096x128xf32, #tpu.memory_space<hbm>>) target(%dma_start3A_26 : memref<128x128xf32, #tpu.memory_space<vmem>>) offsets(%dma_start3A_29 : memref<128xi32, #tpu.memory_space<vmem>>) semaphore(%arg10 : memref<!tpu.dma_semaphore, #tpu.memory_space<semaphore_mem>>)
    %dma_wait3A = arith.constant 0 : i32
    %dma_wait3A_33 = arith.constant 0 : i32
    %dma_wait3A_34 = arith.constant 0 : i32
    %dma_wait3A_35 = arith.constant 0 : i32
    %dma_wait3A_36 = arith.constant 0 : i32
    %dma_wait3A_37 = tpu.memref_slice %arg8[%dma_wait3A_34, %dma_wait3A_35, %dma_wait3A_36] : memref<2x128x128xf32, #tpu.memory_space<vmem>> -> memref<1x128x128xf32, #tpu.memory_space<vmem>>
    %dma_wait3A_38 = tpu.memref_squeeze %dma_wait3A_37 : memref<1x128x128xf32, #tpu.memory_space<vmem>> -> memref<128x128xf32, #tpu.memory_space<vmem>>
    %dma_wait3A_39 = arith.constant 0 : i32
    %dma_wait3A_40 = tpu.memref_slice %arg7[%dma_wait3A, %dma_wait3A_33, %dma_wait3A_39] : memref<3x2x128xi32, #tpu.memory_space<vmem>> -> memref<1x1x128xi32, #tpu.memory_space<vmem>>
    %dma_wait3A_41 = tpu.memref_squeeze %dma_wait3A_40 : memref<1x1x128xi32, #tpu.memory_space<vmem>> -> memref<128xi32, #tpu.memory_space<vmem>>
    %dma_wait3A_42 = arith.constant 0 : i32
    %dma_wait3A_43 = arith.constant 0 : i32
    %dma_wait3A_44 = tpu.memref_slice %arg2[%dma_wait3A_42, %dma_wait3A_43] : memref<4096x128xf32, #tpu.memory_space<hbm>> -> memref<4096x128xf32, #tpu.memory_space<hbm>>
    tpu.wait_indirect_dma semaphore(%arg9 : memref<!tpu.dma_semaphore, #tpu.memory_space<semaphore_mem>>) src(%dma_wait3A_44 : memref<4096x128xf32, #tpu.memory_space<hbm>>) dst(%dma_wait3A_38 : memref<128x128xf32, #tpu.memory_space<vmem>>)
    %add3A_45 = arith.constant 0 : i32
    %add3A_46 = arith.addi %mul3A_2, %add3A_45 : i32
    %mul3A_47 = arith.constant 128 : i32
    %mul3A_48 = arith.muli %add3A_46, %mul3A_47 : i32
    %run_scoped3A_49 = arith.constant 0 : i32
    "tpu.region"() ({
      %run_scoped3A_192 = tpu.sem_alloc : memref<!tpu.dma_semaphore, #tpu.memory_space<semaphore_mem>>
      %dma_start3A_193 = arith.constant 0 : i32
      %dma_start3A_194 = arith.constant 0 : i32
      %dma_start3A_195 = tpu.memref_slice %arg8[%run_scoped3A_49, %dma_start3A_193, %dma_start3A_194] : memref<2x128x128xf32, #tpu.memory_space<vmem>> -> memref<1x128x128xf32, #tpu.memory_space<vmem>>
      %dma_start3A_196 = tpu.memref_squeeze %dma_start3A_195 : memref<1x128x128xf32, #tpu.memory_space<vmem>> -> memref<128x128xf32, #tpu.memory_space<vmem>>
      %dma_start3A_197 = arith.constant 0 : i32
      %dma_start3A_198 = tpu.memref_slice %arg4[%mul3A_48, %dma_start3A_197] : memref<8192x128xf32, #tpu.memory_space<hbm>> -> memref<128x128xf32, #tpu.memory_space<hbm>>
      %dma_start3A_199 = arith.constant 0 : i32
      %dma_start3A_200 = tpu.memref_slice %arg4[%mul3A_48, %dma_start3A_199] : memref<8192x128xf32, #tpu.memory_space<hbm>> -> memref<128x128xf32, #tpu.memory_space<hbm>>
      %dma_start3A_201 = arith.constant 0 : i32
      %dma_start3A_202 = arith.constant 0 : i32
      %dma_start3A_203 = tpu.memref_slice %arg8[%run_scoped3A_49, %dma_start3A_201, %dma_start3A_202] : memref<2x128x128xf32, #tpu.memory_space<vmem>> -> memref<1x128x128xf32, #tpu.memory_space<vmem>>
      %dma_start3A_204 = tpu.memref_squeeze %dma_start3A_203 : memref<1x128x128xf32, #tpu.memory_space<vmem>> -> memref<128x128xf32, #tpu.memory_space<vmem>>
      tpu.enqueue_dma source(%dma_start3A_204 : memref<128x128xf32, #tpu.memory_space<vmem>>) target(%dma_start3A_200 : memref<128x128xf32, #tpu.memory_space<hbm>>) target_semaphore(%run_scoped3A_192 : memref<!tpu.dma_semaphore, #tpu.memory_space<semaphore_mem>>)
      %dma_wait3A_205 = arith.constant 0 : i32
      %dma_wait3A_206 = arith.constant 0 : i32
      %dma_wait3A_207 = tpu.memref_slice %arg8[%run_scoped3A_49, %dma_wait3A_205, %dma_wait3A_206] : memref<2x128x128xf32, #tpu.memory_space<vmem>> -> memref<1x128x128xf32, #tpu.memory_space<vmem>>
      %dma_wait3A_208 = tpu.memref_squeeze %dma_wait3A_207 : memref<1x128x128xf32, #tpu.memory_space<vmem>> -> memref<128x128xf32, #tpu.memory_space<vmem>>
      %dma_wait3A_209 = arith.constant 0 : i32
      %dma_wait3A_210 = tpu.memref_slice %arg4[%mul3A_48, %dma_wait3A_209] : memref<8192x128xf32, #tpu.memory_space<hbm>> -> memref<128x128xf32, #tpu.memory_space<hbm>>
      %dma_wait3A_211 = arith.constant 0 : i32
      %dma_wait3A_212 = tpu.memref_slice %arg4[%mul3A_48, %dma_wait3A_211] : memref<8192x128xf32, #tpu.memory_space<hbm>> -> memref<128x128xf32, #tpu.memory_space<hbm>>
      %dma_wait3A_213 = arith.constant 0 : i32
      %dma_wait3A_214 = arith.constant 0 : i32
      %dma_wait3A_215 = tpu.memref_slice %arg8[%run_scoped3A_49, %dma_wait3A_213, %dma_wait3A_214] : memref<2x128x128xf32, #tpu.memory_space<vmem>> -> memref<1x128x128xf32, #tpu.memory_space<vmem>>
      %dma_wait3A_216 = tpu.memref_squeeze %dma_wait3A_215 : memref<1x128x128xf32, #tpu.memory_space<vmem>> -> memref<128x128xf32, #tpu.memory_space<vmem>>
      tpu.wait_dma2 semaphore(%run_scoped3A_192 : memref<!tpu.dma_semaphore, #tpu.memory_space<semaphore_mem>>) src(%dma_wait3A_216 : memref<128x128xf32, #tpu.memory_space<vmem>>) dst(%dma_wait3A_212 : memref<128x128xf32, #tpu.memory_space<hbm>>)
      tpu.yield
    }) : () -> ()
    %dma_start3A_50 = arith.constant 1 : i32
    %dma_start3A_51 = arith.constant 0 : i32
    %dma_start3A_52 = arith.constant 0 : i32
    %dma_start3A_53 = arith.constant 0 : i32
    %dma_start3A_54 = arith.constant 0 : i32
    %dma_start3A_55 = tpu.memref_slice %arg8[%dma_start3A_52, %dma_start3A_53, %dma_start3A_54] : memref<2x128x128xf32, #tpu.memory_space<vmem>> -> memref<1x128x128xf32, #tpu.memory_space<vmem>>
    %dma_start3A_56 = tpu.memref_squeeze %dma_start3A_55 : memref<1x128x128xf32, #tpu.memory_space<vmem>> -> memref<128x128xf32, #tpu.memory_space<vmem>>
    %dma_start3A_57 = arith.constant 0 : i32
    %dma_start3A_58 = tpu.memref_slice %arg7[%dma_start3A_50, %dma_start3A_51, %dma_start3A_57] : memref<3x2x128xi32, #tpu.memory_space<vmem>> -> memref<1x1x128xi32, #tpu.memory_space<vmem>>
    %dma_start3A_59 = tpu.memref_squeeze %dma_start3A_58 : memref<1x1x128xi32, #tpu.memory_space<vmem>> -> memref<128xi32, #tpu.memory_space<vmem>>
    %dma_start3A_60 = arith.constant 0 : i32
    %dma_start3A_61 = arith.constant 0 : i32
    %dma_start3A_62 = tpu.memref_slice %arg2[%dma_start3A_60, %dma_start3A_61] : memref<4096x128xf32, #tpu.memory_space<hbm>> -> memref<4096x128xf32, #tpu.memory_space<hbm>>
    tpu.enqueue_indirect_dma source(%dma_start3A_62 : memref<4096x128xf32, #tpu.memory_space<hbm>>) target(%dma_start3A_56 : memref<128x128xf32, #tpu.memory_space<vmem>>) offsets(%dma_start3A_59 : memref<128xi32, #tpu.memory_space<vmem>>) semaphore(%arg9 : memref<!tpu.dma_semaphore, #tpu.memory_space<semaphore_mem>>)
    %dma_wait3A_63 = arith.constant 0 : i32
    %dma_wait3A_64 = arith.constant 1 : i32
    %dma_wait3A_65 = arith.constant 1 : i32
    %dma_wait3A_66 = arith.constant 0 : i32
    %dma_wait3A_67 = arith.constant 0 : i32
    %dma_wait3A_68 = tpu.memref_slice %arg8[%dma_wait3A_65, %dma_wait3A_66, %dma_wait3A_67] : memref<2x128x128xf32, #tpu.memory_space<vmem>> -> memref<1x128x128xf32, #tpu.memory_space<vmem>>
    %dma_wait3A_69 = tpu.memref_squeeze %dma_wait3A_68 : memref<1x128x128xf32, #tpu.memory_space<vmem>> -> memref<128x128xf32, #tpu.memory_space<vmem>>
    %dma_wait3A_70 = arith.constant 0 : i32
    %dma_wait3A_71 = tpu.memref_slice %arg7[%dma_wait3A_63, %dma_wait3A_64, %dma_wait3A_70] : memref<3x2x128xi32, #tpu.memory_space<vmem>> -> memref<1x1x128xi32, #tpu.memory_space<vmem>>
    %dma_wait3A_72 = tpu.memref_squeeze %dma_wait3A_71 : memref<1x1x128xi32, #tpu.memory_space<vmem>> -> memref<128xi32, #tpu.memory_space<vmem>>
    %dma_wait3A_73 = arith.constant 0 : i32
    %dma_wait3A_74 = arith.constant 0 : i32
    %dma_wait3A_75 = tpu.memref_slice %arg2[%dma_wait3A_73, %dma_wait3A_74] : memref<4096x128xf32, #tpu.memory_space<hbm>> -> memref<4096x128xf32, #tpu.memory_space<hbm>>
    tpu.wait_indirect_dma semaphore(%arg10 : memref<!tpu.dma_semaphore, #tpu.memory_space<semaphore_mem>>) src(%dma_wait3A_75 : memref<4096x128xf32, #tpu.memory_space<hbm>>) dst(%dma_wait3A_69 : memref<128x128xf32, #tpu.memory_space<vmem>>)
    %add3A_76 = arith.constant 1 : i32
    %add3A_77 = arith.addi %mul3A_2, %add3A_76 : i32
    %mul3A_78 = arith.constant 128 : i32
    %mul3A_79 = arith.muli %add3A_77, %mul3A_78 : i32
    %run_scoped3A_80 = arith.constant 1 : i32
    "tpu.region"() ({
      %run_scoped3A_192 = tpu.sem_alloc : memref<!tpu.dma_semaphore, #tpu.memory_space<semaphore_mem>>
      %dma_start3A_193 = arith.constant 0 : i32
      %dma_start3A_194 = arith.constant 0 : i32
      %dma_start3A_195 = tpu.memref_slice %arg8[%run_scoped3A_80, %dma_start3A_193, %dma_start3A_194] : memref<2x128x128xf32, #tpu.memory_space<vmem>> -> memref<1x128x128xf32, #tpu.memory_space<vmem>>
      %dma_start3A_196 = tpu.memref_squeeze %dma_start3A_195 : memref<1x128x128xf32, #tpu.memory_space<vmem>> -> memref<128x128xf32, #tpu.memory_space<vmem>>
      %dma_start3A_197 = arith.constant 0 : i32
      %dma_start3A_198 = tpu.memref_slice %arg4[%mul3A_79, %dma_start3A_197] : memref<8192x128xf32, #tpu.memory_space<hbm>> -> memref<128x128xf32, #tpu.memory_space<hbm>>
      %dma_start3A_199 = arith.constant 0 : i32
      %dma_start3A_200 = tpu.memref_slice %arg4[%mul3A_79, %dma_start3A_199] : memref<8192x128xf32, #tpu.memory_space<hbm>> -> memref<128x128xf32, #tpu.memory_space<hbm>>
      %dma_start3A_201 = arith.constant 0 : i32
      %dma_start3A_202 = arith.constant 0 : i32
      %dma_start3A_203 = tpu.memref_slice %arg8[%run_scoped3A_80, %dma_start3A_201, %dma_start3A_202] : memref<2x128x128xf32, #tpu.memory_space<vmem>> -> memref<1x128x128xf32, #tpu.memory_space<vmem>>
      %dma_start3A_204 = tpu.memref_squeeze %dma_start3A_203 : memref<1x128x128xf32, #tpu.memory_space<vmem>> -> memref<128x128xf32, #tpu.memory_space<vmem>>
      tpu.enqueue_dma source(%dma_start3A_204 : memref<128x128xf32, #tpu.memory_space<vmem>>) target(%dma_start3A_200 : memref<128x128xf32, #tpu.memory_space<hbm>>) target_semaphore(%run_scoped3A_192 : memref<!tpu.dma_semaphore, #tpu.memory_space<semaphore_mem>>)
      %dma_wait3A_205 = arith.constant 0 : i32
      %dma_wait3A_206 = arith.constant 0 : i32
      %dma_wait3A_207 = tpu.memref_slice %arg8[%run_scoped3A_80, %dma_wait3A_205, %dma_wait3A_206] : memref<2x128x128xf32, #tpu.memory_space<vmem>> -> memref<1x128x128xf32, #tpu.memory_space<vmem>>
      %dma_wait3A_208 = tpu.memref_squeeze %dma_wait3A_207 : memref<1x128x128xf32, #tpu.memory_space<vmem>> -> memref<128x128xf32, #tpu.memory_space<vmem>>
      %dma_wait3A_209 = arith.constant 0 : i32
      %dma_wait3A_210 = tpu.memref_slice %arg4[%mul3A_79, %dma_wait3A_209] : memref<8192x128xf32, #tpu.memory_space<hbm>> -> memref<128x128xf32, #tpu.memory_space<hbm>>
      %dma_wait3A_211 = arith.constant 0 : i32
      %dma_wait3A_212 = tpu.memref_slice %arg4[%mul3A_79, %dma_wait3A_211] : memref<8192x128xf32, #tpu.memory_space<hbm>> -> memref<128x128xf32, #tpu.memory_space<hbm>>
      %dma_wait3A_213 = arith.constant 0 : i32
      %dma_wait3A_214 = arith.constant 0 : i32
      %dma_wait3A_215 = tpu.memref_slice %arg8[%run_scoped3A_80, %dma_wait3A_213, %dma_wait3A_214] : memref<2x128x128xf32, #tpu.memory_space<vmem>> -> memref<1x128x128xf32, #tpu.memory_space<vmem>>
      %dma_wait3A_216 = tpu.memref_squeeze %dma_wait3A_215 : memref<1x128x128xf32, #tpu.memory_space<vmem>> -> memref<128x128xf32, #tpu.memory_space<vmem>>
      tpu.wait_dma2 semaphore(%run_scoped3A_192 : memref<!tpu.dma_semaphore, #tpu.memory_space<semaphore_mem>>) src(%dma_wait3A_216 : memref<128x128xf32, #tpu.memory_space<vmem>>) dst(%dma_wait3A_212 : memref<128x128xf32, #tpu.memory_space<hbm>>)
      tpu.yield
    }) : () -> ()
    %dma_start3A_81 = arith.constant 1 : i32
    %dma_start3A_82 = arith.constant 1 : i32
    %dma_start3A_83 = arith.constant 1 : i32
    %dma_start3A_84 = arith.constant 0 : i32
    %dma_start3A_85 = arith.constant 0 : i32
    %dma_start3A_86 = tpu.memref_slice %arg8[%dma_start3A_83, %dma_start3A_84, %dma_start3A_85] : memref<2x128x128xf32, #tpu.memory_space<vmem>> -> memref<1x128x128xf32, #tpu.memory_space<vmem>>
    %dma_start3A_87 = tpu.memref_squeeze %dma_start3A_86 : memref<1x128x128xf32, #tpu.memory_space<vmem>> -> memref<128x128xf32, #tpu.memory_space<vmem>>
    %dma_start3A_88 = arith.constant 0 : i32
    %dma_start3A_89 = tpu.memref_slice %arg7[%dma_start3A_81, %dma_start3A_82, %dma_start3A_88] : memref<3x2x128xi32, #tpu.memory_space<vmem>> -> memref<1x1x128xi32, #tpu.memory_space<vmem>>
    %dma_start3A_90 = tpu.memref_squeeze %dma_start3A_89 : memref<1x1x128xi32, #tpu.memory_space<vmem>> -> memref<128xi32, #tpu.memory_space<vmem>>
    %dma_start3A_91 = arith.constant 0 : i32
    %dma_start3A_92 = arith.constant 0 : i32
    %dma_start3A_93 = tpu.memref_slice %arg2[%dma_start3A_91, %dma_start3A_92] : memref<4096x128xf32, #tpu.memory_space<hbm>> -> memref<4096x128xf32, #tpu.memory_space<hbm>>
    tpu.enqueue_indirect_dma source(%dma_start3A_93 : memref<4096x128xf32, #tpu.memory_space<hbm>>) target(%dma_start3A_87 : memref<128x128xf32, #tpu.memory_space<vmem>>) offsets(%dma_start3A_90 : memref<128xi32, #tpu.memory_space<vmem>>) semaphore(%arg10 : memref<!tpu.dma_semaphore, #tpu.memory_space<semaphore_mem>>)
    %dma_wait3A_94 = arith.constant 1 : i32
    %dma_wait3A_95 = arith.constant 0 : i32
    %dma_wait3A_96 = arith.constant 0 : i32
    %dma_wait3A_97 = arith.constant 0 : i32
    %dma_wait3A_98 = arith.constant 0 : i32
    %dma_wait3A_99 = tpu.memref_slice %arg8[%dma_wait3A_96, %dma_wait3A_97, %dma_wait3A_98] : memref<2x128x128xf32, #tpu.memory_space<vmem>> -> memref<1x128x128xf32, #tpu.memory_space<vmem>>
    %dma_wait3A_100 = tpu.memref_squeeze %dma_wait3A_99 : memref<1x128x128xf32, #tpu.memory_space<vmem>> -> memref<128x128xf32, #tpu.memory_space<vmem>>
    %dma_wait3A_101 = arith.constant 0 : i32
    %dma_wait3A_102 = tpu.memref_slice %arg7[%dma_wait3A_94, %dma_wait3A_95, %dma_wait3A_101] : memref<3x2x128xi32, #tpu.memory_space<vmem>> -> memref<1x1x128xi32, #tpu.memory_space<vmem>>
    %dma_wait3A_103 = tpu.memref_squeeze %dma_wait3A_102 : memref<1x1x128xi32, #tpu.memory_space<vmem>> -> memref<128xi32, #tpu.memory_space<vmem>>
    %dma_wait3A_104 = arith.constant 0 : i32
    %dma_wait3A_105 = arith.constant 0 : i32
    %dma_wait3A_106 = tpu.memref_slice %arg2[%dma_wait3A_104, %dma_wait3A_105] : memref<4096x128xf32, #tpu.memory_space<hbm>> -> memref<4096x128xf32, #tpu.memory_space<hbm>>
    tpu.wait_indirect_dma semaphore(%arg9 : memref<!tpu.dma_semaphore, #tpu.memory_space<semaphore_mem>>) src(%dma_wait3A_106 : memref<4096x128xf32, #tpu.memory_space<hbm>>) dst(%dma_wait3A_100 : memref<128x128xf32, #tpu.memory_space<vmem>>)
    %add3A_107 = arith.constant 0 : i32
    %add3A_108 = arith.addi %mul3A_2, %add3A_107 : i32
    %mul3A_109 = arith.constant 128 : i32
    %mul3A_110 = arith.muli %add3A_108, %mul3A_109 : i32
    %run_scoped3A_111 = arith.constant 0 : i32
    "tpu.region"() ({
      %run_scoped3A_192 = tpu.sem_alloc : memref<!tpu.dma_semaphore, #tpu.memory_space<semaphore_mem>>
      %dma_start3A_193 = arith.constant 0 : i32
      %dma_start3A_194 = arith.constant 0 : i32
      %dma_start3A_195 = tpu.memref_slice %arg8[%run_scoped3A_111, %dma_start3A_193, %dma_start3A_194] : memref<2x128x128xf32, #tpu.memory_space<vmem>> -> memref<1x128x128xf32, #tpu.memory_space<vmem>>
      %dma_start3A_196 = tpu.memref_squeeze %dma_start3A_195 : memref<1x128x128xf32, #tpu.memory_space<vmem>> -> memref<128x128xf32, #tpu.memory_space<vmem>>
      %dma_start3A_197 = arith.constant 0 : i32
      %dma_start3A_198 = tpu.memref_slice %arg5[%mul3A_110, %dma_start3A_197] : memref<8192x128xf32, #tpu.memory_space<hbm>> -> memref<128x128xf32, #tpu.memory_space<hbm>>
      %dma_start3A_199 = arith.constant 0 : i32
      %dma_start3A_200 = tpu.memref_slice %arg5[%mul3A_110, %dma_start3A_199] : memref<8192x128xf32, #tpu.memory_space<hbm>> -> memref<128x128xf32, #tpu.memory_space<hbm>>
      %dma_start3A_201 = arith.constant 0 : i32
      %dma_start3A_202 = arith.constant 0 : i32
      %dma_start3A_203 = tpu.memref_slice %arg8[%run_scoped3A_111, %dma_start3A_201, %dma_start3A_202] : memref<2x128x128xf32, #tpu.memory_space<vmem>> -> memref<1x128x128xf32, #tpu.memory_space<vmem>>
      %dma_start3A_204 = tpu.memref_squeeze %dma_start3A_203 : memref<1x128x128xf32, #tpu.memory_space<vmem>> -> memref<128x128xf32, #tpu.memory_space<vmem>>
      tpu.enqueue_dma source(%dma_start3A_204 : memref<128x128xf32, #tpu.memory_space<vmem>>) target(%dma_start3A_200 : memref<128x128xf32, #tpu.memory_space<hbm>>) target_semaphore(%run_scoped3A_192 : memref<!tpu.dma_semaphore, #tpu.memory_space<semaphore_mem>>)
      %dma_wait3A_205 = arith.constant 0 : i32
      %dma_wait3A_206 = arith.constant 0 : i32
      %dma_wait3A_207 = tpu.memref_slice %arg8[%run_scoped3A_111, %dma_wait3A_205, %dma_wait3A_206] : memref<2x128x128xf32, #tpu.memory_space<vmem>> -> memref<1x128x128xf32, #tpu.memory_space<vmem>>
      %dma_wait3A_208 = tpu.memref_squeeze %dma_wait3A_207 : memref<1x128x128xf32, #tpu.memory_space<vmem>> -> memref<128x128xf32, #tpu.memory_space<vmem>>
      %dma_wait3A_209 = arith.constant 0 : i32
      %dma_wait3A_210 = tpu.memref_slice %arg5[%mul3A_110, %dma_wait3A_209] : memref<8192x128xf32, #tpu.memory_space<hbm>> -> memref<128x128xf32, #tpu.memory_space<hbm>>
      %dma_wait3A_211 = arith.constant 0 : i32
      %dma_wait3A_212 = tpu.memref_slice %arg5[%mul3A_110, %dma_wait3A_211] : memref<8192x128xf32, #tpu.memory_space<hbm>> -> memref<128x128xf32, #tpu.memory_space<hbm>>
      %dma_wait3A_213 = arith.constant 0 : i32
      %dma_wait3A_214 = arith.constant 0 : i32
      %dma_wait3A_215 = tpu.memref_slice %arg8[%run_scoped3A_111, %dma_wait3A_213, %dma_wait3A_214] : memref<2x128x128xf32, #tpu.memory_space<vmem>> -> memref<1x128x128xf32, #tpu.memory_space<vmem>>
      %dma_wait3A_216 = tpu.memref_squeeze %dma_wait3A_215 : memref<1x128x128xf32, #tpu.memory_space<vmem>> -> memref<128x128xf32, #tpu.memory_space<vmem>>
      tpu.wait_dma2 semaphore(%run_scoped3A_192 : memref<!tpu.dma_semaphore, #tpu.memory_space<semaphore_mem>>) src(%dma_wait3A_216 : memref<128x128xf32, #tpu.memory_space<vmem>>) dst(%dma_wait3A_212 : memref<128x128xf32, #tpu.memory_space<hbm>>)
      tpu.yield
    }) : () -> ()
    %dma_start3A_112 = arith.constant 2 : i32
    %dma_start3A_113 = arith.constant 0 : i32
    %dma_start3A_114 = arith.constant 0 : i32
    %dma_start3A_115 = arith.constant 0 : i32
    %dma_start3A_116 = arith.constant 0 : i32
    %dma_start3A_117 = tpu.memref_slice %arg8[%dma_start3A_114, %dma_start3A_115, %dma_start3A_116] : memref<2x128x128xf32, #tpu.memory_space<vmem>> -> memref<1x128x128xf32, #tpu.memory_space<vmem>>
    %dma_start3A_118 = tpu.memref_squeeze %dma_start3A_117 : memref<1x128x128xf32, #tpu.memory_space<vmem>> -> memref<128x128xf32, #tpu.memory_space<vmem>>
    %dma_start3A_119 = arith.constant 0 : i32
    %dma_start3A_120 = tpu.memref_slice %arg7[%dma_start3A_112, %dma_start3A_113, %dma_start3A_119] : memref<3x2x128xi32, #tpu.memory_space<vmem>> -> memref<1x1x128xi32, #tpu.memory_space<vmem>>
    %dma_start3A_121 = tpu.memref_squeeze %dma_start3A_120 : memref<1x1x128xi32, #tpu.memory_space<vmem>> -> memref<128xi32, #tpu.memory_space<vmem>>
    %dma_start3A_122 = arith.constant 0 : i32
    %dma_start3A_123 = arith.constant 0 : i32
    %dma_start3A_124 = tpu.memref_slice %arg2[%dma_start3A_122, %dma_start3A_123] : memref<4096x128xf32, #tpu.memory_space<hbm>> -> memref<4096x128xf32, #tpu.memory_space<hbm>>
    tpu.enqueue_indirect_dma source(%dma_start3A_124 : memref<4096x128xf32, #tpu.memory_space<hbm>>) target(%dma_start3A_118 : memref<128x128xf32, #tpu.memory_space<vmem>>) offsets(%dma_start3A_121 : memref<128xi32, #tpu.memory_space<vmem>>) semaphore(%arg9 : memref<!tpu.dma_semaphore, #tpu.memory_space<semaphore_mem>>)
    %dma_wait3A_125 = arith.constant 1 : i32
    %dma_wait3A_126 = arith.constant 1 : i32
    %dma_wait3A_127 = arith.constant 1 : i32
    %dma_wait3A_128 = arith.constant 0 : i32
    %dma_wait3A_129 = arith.constant 0 : i32
    %dma_wait3A_130 = tpu.memref_slice %arg8[%dma_wait3A_127, %dma_wait3A_128, %dma_wait3A_129] : memref<2x128x128xf32, #tpu.memory_space<vmem>> -> memref<1x128x128xf32, #tpu.memory_space<vmem>>
    %dma_wait3A_131 = tpu.memref_squeeze %dma_wait3A_130 : memref<1x128x128xf32, #tpu.memory_space<vmem>> -> memref<128x128xf32, #tpu.memory_space<vmem>>
    %dma_wait3A_132 = arith.constant 0 : i32
    %dma_wait3A_133 = tpu.memref_slice %arg7[%dma_wait3A_125, %dma_wait3A_126, %dma_wait3A_132] : memref<3x2x128xi32, #tpu.memory_space<vmem>> -> memref<1x1x128xi32, #tpu.memory_space<vmem>>
    %dma_wait3A_134 = tpu.memref_squeeze %dma_wait3A_133 : memref<1x1x128xi32, #tpu.memory_space<vmem>> -> memref<128xi32, #tpu.memory_space<vmem>>
    %dma_wait3A_135 = arith.constant 0 : i32
    %dma_wait3A_136 = arith.constant 0 : i32
    %dma_wait3A_137 = tpu.memref_slice %arg2[%dma_wait3A_135, %dma_wait3A_136] : memref<4096x128xf32, #tpu.memory_space<hbm>> -> memref<4096x128xf32, #tpu.memory_space<hbm>>
    tpu.wait_indirect_dma semaphore(%arg10 : memref<!tpu.dma_semaphore, #tpu.memory_space<semaphore_mem>>) src(%dma_wait3A_137 : memref<4096x128xf32, #tpu.memory_space<hbm>>) dst(%dma_wait3A_131 : memref<128x128xf32, #tpu.memory_space<vmem>>)
    %add3A_138 = arith.constant 1 : i32
    %add3A_139 = arith.addi %mul3A_2, %add3A_138 : i32
    %mul3A_140 = arith.constant 128 : i32
    %mul3A_141 = arith.muli %add3A_139, %mul3A_140 : i32
    %run_scoped3A_142 = arith.constant 1 : i32
    "tpu.region"() ({
      %run_scoped3A_192 = tpu.sem_alloc : memref<!tpu.dma_semaphore, #tpu.memory_space<semaphore_mem>>
      %dma_start3A_193 = arith.constant 0 : i32
      %dma_start3A_194 = arith.constant 0 : i32
      %dma_start3A_195 = tpu.memref_slice %arg8[%run_scoped3A_142, %dma_start3A_193, %dma_start3A_194] : memref<2x128x128xf32, #tpu.memory_space<vmem>> -> memref<1x128x128xf32, #tpu.memory_space<vmem>>
      %dma_start3A_196 = tpu.memref_squeeze %dma_start3A_195 : memref<1x128x128xf32, #tpu.memory_space<vmem>> -> memref<128x128xf32, #tpu.memory_space<vmem>>
      %dma_start3A_197 = arith.constant 0 : i32
      %dma_start3A_198 = tpu.memref_slice %arg5[%mul3A_141, %dma_start3A_197] : memref<8192x128xf32, #tpu.memory_space<hbm>> -> memref<128x128xf32, #tpu.memory_space<hbm>>
      %dma_start3A_199 = arith.constant 0 : i32
      %dma_start3A_200 = tpu.memref_slice %arg5[%mul3A_141, %dma_start3A_199] : memref<8192x128xf32, #tpu.memory_space<hbm>> -> memref<128x128xf32, #tpu.memory_space<hbm>>
      %dma_start3A_201 = arith.constant 0 : i32
      %dma_start3A_202 = arith.constant 0 : i32
      %dma_start3A_203 = tpu.memref_slice %arg8[%run_scoped3A_142, %dma_start3A_201, %dma_start3A_202] : memref<2x128x128xf32, #tpu.memory_space<vmem>> -> memref<1x128x128xf32, #tpu.memory_space<vmem>>
      %dma_start3A_204 = tpu.memref_squeeze %dma_start3A_203 : memref<1x128x128xf32, #tpu.memory_space<vmem>> -> memref<128x128xf32, #tpu.memory_space<vmem>>
      tpu.enqueue_dma source(%dma_start3A_204 : memref<128x128xf32, #tpu.memory_space<vmem>>) target(%dma_start3A_200 : memref<128x128xf32, #tpu.memory_space<hbm>>) target_semaphore(%run_scoped3A_192 : memref<!tpu.dma_semaphore, #tpu.memory_space<semaphore_mem>>)
      %dma_wait3A_205 = arith.constant 0 : i32
      %dma_wait3A_206 = arith.constant 0 : i32
      %dma_wait3A_207 = tpu.memref_slice %arg8[%run_scoped3A_142, %dma_wait3A_205, %dma_wait3A_206] : memref<2x128x128xf32, #tpu.memory_space<vmem>> -> memref<1x128x128xf32, #tpu.memory_space<vmem>>
      %dma_wait3A_208 = tpu.memref_squeeze %dma_wait3A_207 : memref<1x128x128xf32, #tpu.memory_space<vmem>> -> memref<128x128xf32, #tpu.memory_space<vmem>>
      %dma_wait3A_209 = arith.constant 0 : i32
      %dma_wait3A_210 = tpu.memref_slice %arg5[%mul3A_141, %dma_wait3A_209] : memref<8192x128xf32, #tpu.memory_space<hbm>> -> memref<128x128xf32, #tpu.memory_space<hbm>>
      %dma_wait3A_211 = arith.constant 0 : i32
      %dma_wait3A_212 = tpu.memref_slice %arg5[%mul3A_141, %dma_wait3A_211] : memref<8192x128xf32, #tpu.memory_space<hbm>> -> memref<128x128xf32, #tpu.memory_space<hbm>>
      %dma_wait3A_213 = arith.constant 0 : i32
      %dma_wait3A_214 = arith.constant 0 : i32
      %dma_wait3A_215 = tpu.memref_slice %arg8[%run_scoped3A_142, %dma_wait3A_213, %dma_wait3A_214] : memref<2x128x128xf32, #tpu.memory_space<vmem>> -> memref<1x128x128xf32, #tpu.memory_space<vmem>>
      %dma_wait3A_216 = tpu.memref_squeeze %dma_wait3A_215 : memref<1x128x128xf32, #tpu.memory_space<vmem>> -> memref<128x128xf32, #tpu.memory_space<vmem>>
      tpu.wait_dma2 semaphore(%run_scoped3A_192 : memref<!tpu.dma_semaphore, #tpu.memory_space<semaphore_mem>>) src(%dma_wait3A_216 : memref<128x128xf32, #tpu.memory_space<vmem>>) dst(%dma_wait3A_212 : memref<128x128xf32, #tpu.memory_space<hbm>>)
      tpu.yield
    }) : () -> ()
    %dma_start3A_143 = arith.constant 2 : i32
    %dma_start3A_144 = arith.constant 1 : i32
    %dma_start3A_145 = arith.constant 1 : i32
    %dma_start3A_146 = arith.constant 0 : i32
    %dma_start3A_147 = arith.constant 0 : i32
    %dma_start3A_148 = tpu.memref_slice %arg8[%dma_start3A_145, %dma_start3A_146, %dma_start3A_147] : memref<2x128x128xf32, #tpu.memory_space<vmem>> -> memref<1x128x128xf32, #tpu.memory_space<vmem>>
    %dma_start3A_149 = tpu.memref_squeeze %dma_start3A_148 : memref<1x128x128xf32, #tpu.memory_space<vmem>> -> memref<128x128xf32, #tpu.memory_space<vmem>>
    %dma_start3A_150 = arith.constant 0 : i32
    %dma_start3A_151 = tpu.memref_slice %arg7[%dma_start3A_143, %dma_start3A_144, %dma_start3A_150] : memref<3x2x128xi32, #tpu.memory_space<vmem>> -> memref<1x1x128xi32, #tpu.memory_space<vmem>>
    %dma_start3A_152 = tpu.memref_squeeze %dma_start3A_151 : memref<1x1x128xi32, #tpu.memory_space<vmem>> -> memref<128xi32, #tpu.memory_space<vmem>>
    %dma_start3A_153 = arith.constant 0 : i32
    %dma_start3A_154 = arith.constant 0 : i32
    %dma_start3A_155 = tpu.memref_slice %arg2[%dma_start3A_153, %dma_start3A_154] : memref<4096x128xf32, #tpu.memory_space<hbm>> -> memref<4096x128xf32, #tpu.memory_space<hbm>>
    tpu.enqueue_indirect_dma source(%dma_start3A_155 : memref<4096x128xf32, #tpu.memory_space<hbm>>) target(%dma_start3A_149 : memref<128x128xf32, #tpu.memory_space<vmem>>) offsets(%dma_start3A_152 : memref<128xi32, #tpu.memory_space<vmem>>) semaphore(%arg10 : memref<!tpu.dma_semaphore, #tpu.memory_space<semaphore_mem>>)
    %dma_wait3A_156 = arith.constant 2 : i32
    %dma_wait3A_157 = arith.constant 0 : i32
    %dma_wait3A_158 = arith.constant 0 : i32
    %dma_wait3A_159 = arith.constant 0 : i32
    %dma_wait3A_160 = arith.constant 0 : i32
    %dma_wait3A_161 = tpu.memref_slice %arg8[%dma_wait3A_158, %dma_wait3A_159, %dma_wait3A_160] : memref<2x128x128xf32, #tpu.memory_space<vmem>> -> memref<1x128x128xf32, #tpu.memory_space<vmem>>
    %dma_wait3A_162 = tpu.memref_squeeze %dma_wait3A_161 : memref<1x128x128xf32, #tpu.memory_space<vmem>> -> memref<128x128xf32, #tpu.memory_space<vmem>>
    %dma_wait3A_163 = arith.constant 0 : i32
    %dma_wait3A_164 = tpu.memref_slice %arg7[%dma_wait3A_156, %dma_wait3A_157, %dma_wait3A_163] : memref<3x2x128xi32, #tpu.memory_space<vmem>> -> memref<1x1x128xi32, #tpu.memory_space<vmem>>
    %dma_wait3A_165 = tpu.memref_squeeze %dma_wait3A_164 : memref<1x1x128xi32, #tpu.memory_space<vmem>> -> memref<128xi32, #tpu.memory_space<vmem>>
    %dma_wait3A_166 = arith.constant 0 : i32
    %dma_wait3A_167 = arith.constant 0 : i32
    %dma_wait3A_168 = tpu.memref_slice %arg2[%dma_wait3A_166, %dma_wait3A_167] : memref<4096x128xf32, #tpu.memory_space<hbm>> -> memref<4096x128xf32, #tpu.memory_space<hbm>>
    tpu.wait_indirect_dma semaphore(%arg9 : memref<!tpu.dma_semaphore, #tpu.memory_space<semaphore_mem>>) src(%dma_wait3A_168 : memref<4096x128xf32, #tpu.memory_space<hbm>>) dst(%dma_wait3A_162 : memref<128x128xf32, #tpu.memory_space<vmem>>)
    %add3A_169 = arith.constant 0 : i32
    %add3A_170 = arith.addi %mul3A_2, %add3A_169 : i32
    %mul3A_171 = arith.constant 128 : i32
    %mul3A_172 = arith.muli %add3A_170, %mul3A_171 : i32
    %run_scoped3A_173 = arith.constant 0 : i32
    "tpu.region"() ({
      %run_scoped3A_192 = tpu.sem_alloc : memref<!tpu.dma_semaphore, #tpu.memory_space<semaphore_mem>>
      %dma_start3A_193 = arith.constant 0 : i32
      %dma_start3A_194 = arith.constant 0 : i32
      %dma_start3A_195 = tpu.memref_slice %arg8[%run_scoped3A_173, %dma_start3A_193, %dma_start3A_194] : memref<2x128x128xf32, #tpu.memory_space<vmem>> -> memref<1x128x128xf32, #tpu.memory_space<vmem>>
      %dma_start3A_196 = tpu.memref_squeeze %dma_start3A_195 : memref<1x128x128xf32, #tpu.memory_space<vmem>> -> memref<128x128xf32, #tpu.memory_space<vmem>>
      %dma_start3A_197 = arith.constant 0 : i32
      %dma_start3A_198 = tpu.memref_slice %arg6[%mul3A_172, %dma_start3A_197] : memref<8192x128xf32, #tpu.memory_space<hbm>> -> memref<128x128xf32, #tpu.memory_space<hbm>>
      %dma_start3A_199 = arith.constant 0 : i32
      %dma_start3A_200 = tpu.memref_slice %arg6[%mul3A_172, %dma_start3A_199] : memref<8192x128xf32, #tpu.memory_space<hbm>> -> memref<128x128xf32, #tpu.memory_space<hbm>>
      %dma_start3A_201 = arith.constant 0 : i32
      %dma_start3A_202 = arith.constant 0 : i32
      %dma_start3A_203 = tpu.memref_slice %arg8[%run_scoped3A_173, %dma_start3A_201, %dma_start3A_202] : memref<2x128x128xf32, #tpu.memory_space<vmem>> -> memref<1x128x128xf32, #tpu.memory_space<vmem>>
      %dma_start3A_204 = tpu.memref_squeeze %dma_start3A_203 : memref<1x128x128xf32, #tpu.memory_space<vmem>> -> memref<128x128xf32, #tpu.memory_space<vmem>>
      tpu.enqueue_dma source(%dma_start3A_204 : memref<128x128xf32, #tpu.memory_space<vmem>>) target(%dma_start3A_200 : memref<128x128xf32, #tpu.memory_space<hbm>>) target_semaphore(%run_scoped3A_192 : memref<!tpu.dma_semaphore, #tpu.memory_space<semaphore_mem>>)
      %dma_wait3A_205 = arith.constant 0 : i32
      %dma_wait3A_206 = arith.constant 0 : i32
      %dma_wait3A_207 = tpu.memref_slice %arg8[%run_scoped3A_173, %dma_wait3A_205, %dma_wait3A_206] : memref<2x128x128xf32, #tpu.memory_space<vmem>> -> memref<1x128x128xf32, #tpu.memory_space<vmem>>
      %dma_wait3A_208 = tpu.memref_squeeze %dma_wait3A_207 : memref<1x128x128xf32, #tpu.memory_space<vmem>> -> memref<128x128xf32, #tpu.memory_space<vmem>>
      %dma_wait3A_209 = arith.constant 0 : i32
      %dma_wait3A_210 = tpu.memref_slice %arg6[%mul3A_172, %dma_wait3A_209] : memref<8192x128xf32, #tpu.memory_space<hbm>> -> memref<128x128xf32, #tpu.memory_space<hbm>>
      %dma_wait3A_211 = arith.constant 0 : i32
      %dma_wait3A_212 = tpu.memref_slice %arg6[%mul3A_172, %dma_wait3A_211] : memref<8192x128xf32, #tpu.memory_space<hbm>> -> memref<128x128xf32, #tpu.memory_space<hbm>>
      %dma_wait3A_213 = arith.constant 0 : i32
      %dma_wait3A_214 = arith.constant 0 : i32
      %dma_wait3A_215 = tpu.memref_slice %arg8[%run_scoped3A_173, %dma_wait3A_213, %dma_wait3A_214] : memref<2x128x128xf32, #tpu.memory_space<vmem>> -> memref<1x128x128xf32, #tpu.memory_space<vmem>>
      %dma_wait3A_216 = tpu.memref_squeeze %dma_wait3A_215 : memref<1x128x128xf32, #tpu.memory_space<vmem>> -> memref<128x128xf32, #tpu.memory_space<vmem>>
      tpu.wait_dma2 semaphore(%run_scoped3A_192 : memref<!tpu.dma_semaphore, #tpu.memory_space<semaphore_mem>>) src(%dma_wait3A_216 : memref<128x128xf32, #tpu.memory_space<vmem>>) dst(%dma_wait3A_212 : memref<128x128xf32, #tpu.memory_space<hbm>>)
      tpu.yield
    }) : () -> ()
    %dma_wait3A_174 = arith.constant 2 : i32
    %dma_wait3A_175 = arith.constant 1 : i32
    %dma_wait3A_176 = arith.constant 1 : i32
    %dma_wait3A_177 = arith.constant 0 : i32
    %dma_wait3A_178 = arith.constant 0 : i32
    %dma_wait3A_179 = tpu.memref_slice %arg8[%dma_wait3A_176, %dma_wait3A_177, %dma_wait3A_178] : memref<2x128x128xf32, #tpu.memory_space<vmem>> -> memref<1x128x128xf32, #tpu.memory_space<vmem>>
    %dma_wait3A_180 = tpu.memref_squeeze %dma_wait3A_179 : memref<1x128x128xf32, #tpu.memory_space<vmem>> -> memref<128x128xf32, #tpu.memory_space<vmem>>
    %dma_wait3A_181 = arith.constant 0 : i32
    %dma_wait3A_182 = tpu.memref_slice %arg7[%dma_wait3A_174, %dma_wait3A_175, %dma_wait3A_181] : memref<3x2x128xi32, #tpu.memory_space<vmem>> -> memref<1x1x128xi32, #tpu.memory_space<vmem>>
    %dma_wait3A_183 = tpu.memref_squeeze %dma_wait3A_182 : memref<1x1x128xi32, #tpu.memory_space<vmem>> -> memref<128xi32, #tpu.memory_space<vmem>>
    %dma_wait3A_184 = arith.constant 0 : i32
    %dma_wait3A_185 = arith.constant 0 : i32
    %dma_wait3A_186 = tpu.memref_slice %arg2[%dma_wait3A_184, %dma_wait3A_185] : memref<4096x128xf32, #tpu.memory_space<hbm>> -> memref<4096x128xf32, #tpu.memory_space<hbm>>
    tpu.wait_indirect_dma semaphore(%arg10 : memref<!tpu.dma_semaphore, #tpu.memory_space<semaphore_mem>>) src(%dma_wait3A_186 : memref<4096x128xf32, #tpu.memory_space<hbm>>) dst(%dma_wait3A_180 : memref<128x128xf32, #tpu.memory_space<vmem>>)
    %add3A_187 = arith.constant 1 : i32
    %add3A_188 = arith.addi %mul3A_2, %add3A_187 : i32
    %mul3A_189 = arith.constant 128 : i32
    %mul3A_190 = arith.muli %add3A_188, %mul3A_189 : i32
    %run_scoped3A_191 = arith.constant 1 : i32
    "tpu.region"() ({
      %run_scoped3A_192 = tpu.sem_alloc : memref<!tpu.dma_semaphore, #tpu.memory_space<semaphore_mem>>
      %dma_start3A_193 = arith.constant 0 : i32
      %dma_start3A_194 = arith.constant 0 : i32
      %dma_start3A_195 = tpu.memref_slice %arg8[%run_scoped3A_191, %dma_start3A_193, %dma_start3A_194] : memref<2x128x128xf32, #tpu.memory_space<vmem>> -> memref<1x128x128xf32, #tpu.memory_space<vmem>>
      %dma_start3A_196 = tpu.memref_squeeze %dma_start3A_195 : memref<1x128x128xf32, #tpu.memory_space<vmem>> -> memref<128x128xf32, #tpu.memory_space<vmem>>
      %dma_start3A_197 = arith.constant 0 : i32
      %dma_start3A_198 = tpu.memref_slice %arg6[%mul3A_190, %dma_start3A_197] : memref<8192x128xf32, #tpu.memory_space<hbm>> -> memref<128x128xf32, #tpu.memory_space<hbm>>
      %dma_start3A_199 = arith.constant 0 : i32
      %dma_start3A_200 = tpu.memref_slice %arg6[%mul3A_190, %dma_start3A_199] : memref<8192x128xf32, #tpu.memory_space<hbm>> -> memref<128x128xf32, #tpu.memory_space<hbm>>
      %dma_start3A_201 = arith.constant 0 : i32
      %dma_start3A_202 = arith.constant 0 : i32
      %dma_start3A_203 = tpu.memref_slice %arg8[%run_scoped3A_191, %dma_start3A_201, %dma_start3A_202] : memref<2x128x128xf32, #tpu.memory_space<vmem>> -> memref<1x128x128xf32, #tpu.memory_space<vmem>>
      %dma_start3A_204 = tpu.memref_squeeze %dma_start3A_203 : memref<1x128x128xf32, #tpu.memory_space<vmem>> -> memref<128x128xf32, #tpu.memory_space<vmem>>
      tpu.enqueue_dma source(%dma_start3A_204 : memref<128x128xf32, #tpu.memory_space<vmem>>) target(%dma_start3A_200 : memref<128x128xf32, #tpu.memory_space<hbm>>) target_semaphore(%run_scoped3A_192 : memref<!tpu.dma_semaphore, #tpu.memory_space<semaphore_mem>>)
      %dma_wait3A_205 = arith.constant 0 : i32
      %dma_wait3A_206 = arith.constant 0 : i32
      %dma_wait3A_207 = tpu.memref_slice %arg8[%run_scoped3A_191, %dma_wait3A_205, %dma_wait3A_206] : memref<2x128x128xf32, #tpu.memory_space<vmem>> -> memref<1x128x128xf32, #tpu.memory_space<vmem>>
      %dma_wait3A_208 = tpu.memref_squeeze %dma_wait3A_207 : memref<1x128x128xf32, #tpu.memory_space<vmem>> -> memref<128x128xf32, #tpu.memory_space<vmem>>
      %dma_wait3A_209 = arith.constant 0 : i32
      %dma_wait3A_210 = tpu.memref_slice %arg6[%mul3A_190, %dma_wait3A_209] : memref<8192x128xf32, #tpu.memory_space<hbm>> -> memref<128x128xf32, #tpu.memory_space<hbm>>
      %dma_wait3A_211 = arith.constant 0 : i32
      %dma_wait3A_212 = tpu.memref_slice %arg6[%mul3A_190, %dma_wait3A_211] : memref<8192x128xf32, #tpu.memory_space<hbm>> -> memref<128x128xf32, #tpu.memory_space<hbm>>
      %dma_wait3A_213 = arith.constant 0 : i32
      %dma_wait3A_214 = arith.constant 0 : i32
      %dma_wait3A_215 = tpu.memref_slice %arg8[%run_scoped3A_191, %dma_wait3A_213, %dma_wait3A_214] : memref<2x128x128xf32, #tpu.memory_space<vmem>> -> memref<1x128x128xf32, #tpu.memory_space<vmem>>
      %dma_wait3A_216 = tpu.memref_squeeze %dma_wait3A_215 : memref<1x128x128xf32, #tpu.memory_space<vmem>> -> memref<128x128xf32, #tpu.memory_space<vmem>>
      tpu.wait_dma2 semaphore(%run_scoped3A_192 : memref<!tpu.dma_semaphore, #tpu.memory_space<semaphore_mem>>) src(%dma_wait3A_216 : memref<128x128xf32, #tpu.memory_space<vmem>>) dst(%dma_wait3A_212 : memref<128x128xf32, #tpu.memory_space<hbm>>)
      tpu.yield
    }) : () -> ()
    return
  }
}

#map = affine_map<(d0, d1) -> (0, 0)>
#map1 = affine_map<(d0, d1) -> (0, 0, 0)>
module attributes {stable_mosaic.version = 14 : i64} {
  func.func @gather3(%arg0: i32, %arg1: i32, %arg2: memref<4096x128xf32, #tpu.memory_space<hbm>>, %arg3: memref<3x64x128xi32, #tpu.memory_space<hbm>>, %arg4: memref<8192x128xf32, #tpu.memory_space<hbm>>, %arg5: memref<8192x128xf32, #tpu.memory_space<hbm>>, %arg6: memref<8192x128xf32, #tpu.memory_space<hbm>>, %arg7: memref<3x2x128xi32, #tpu.memory_space<vmem>>, %arg8: memref<2x128x128xf32, #tpu.memory_space<vmem>>, %arg9: memref<!tpu.dma_semaphore, #tpu.memory_space<semaphore_mem>>, %arg10: memref<!tpu.dma_semaphore, #tpu.memory_space<semaphore_mem>>) attributes {dimension_semantics = [#tpu.dimension_semantics<core_parallel>, #tpu.dimension_semantics<subcore_parallel>], iteration_bounds = array<i64: 2, 16>, scalar_prefetch = 0 : i64, scratch_operands = 4 : i64, tpu.core_type = #tpu.core_type<sc_vector_subcore>, window_params = [{transform_indices = #map}, {transform_indices = #map1}, {transform_indices = #map}, {transform_indices = #map}, {transform_indices = #map}]} {
    %mul3A = arith.constant 2 : i32
    %mul3A_0 = arith.muli %arg1, %mul3A : i32
    %add3A = arith.addi %mul3A_0, %arg0 : i32
    %mul3A_1 = arith.constant 2 : i32
    %mul3A_2 = arith.muli %add3A, %mul3A_1 : i32
    %run_scoped3A = arith.constant 0 : i32
    %run_scoped3A_3 = arith.constant 0 : i32
    "tpu.region"() ({
      %run_scoped3A_192 = tpu.sem_alloc : memref<!tpu.dma_semaphore, #tpu.memory_space<semaphore_mem>>
      %dma_start3A_193 = arith.constant 0 : i32
      %dma_start3A_194 = arith.constant 0 : i32
      %dma_start3A_195 = tpu.memref_slice %arg7[%run_scoped3A_3, %dma_start3A_193, %dma_start3A_194] : memref<3x2x128xi32, #tpu.memory_space<vmem>> -> memref<1x2x128xi32, #tpu.memory_space<vmem>>
      %dma_start3A_196 = tpu.memref_squeeze %dma_start3A_195 : memref<1x2x128xi32, #tpu.memory_space<vmem>> -> memref<2x128xi32, #tpu.memory_space<vmem>>
      %dma_start3A_197 = arith.constant 0 : i32
      %dma_start3A_198 = tpu.memref_slice %arg3[%run_scoped3A, %mul3A_2, %dma_start3A_197] : memref<3x64x128xi32, #tpu.memory_space<hbm>> -> memref<1x2x128xi32, #tpu.memory_space<hbm>>
      %dma_start3A_199 = tpu.memref_squeeze %dma_start3A_198 : memref<1x2x128xi32, #tpu.memory_space<hbm>> -> memref<2x128xi32, #tpu.memory_space<hbm>>
      %dma_start3A_200 = arith.constant 0 : i32
      %dma_start3A_201 = arith.constant 0 : i32
      %dma_start3A_202 = tpu.memref_slice %arg7[%run_scoped3A_3, %dma_start3A_200, %dma_start3A_201] : memref<3x2x128xi32, #tpu.memory_space<vmem>> -> memref<1x2x128xi32, #tpu.memory_space<vmem>>
      %dma_start3A_203 = tpu.memref_squeeze %dma_start3A_202 : memref<1x2x128xi32, #tpu.memory_space<vmem>> -> memref<2x128xi32, #tpu.memory_space<vmem>>
      %dma_start3A_204 = arith.constant 0 : i32
      %dma_start3A_205 = tpu.memref_slice %arg3[%run_scoped3A, %mul3A_2, %dma_start3A_204] : memref<3x64x128xi32, #tpu.memory_space<hbm>> -> memref<1x2x128xi32, #tpu.memory_space<hbm>>
      %dma_start3A_206 = tpu.memref_squeeze %dma_start3A_205 : memref<1x2x128xi32, #tpu.memory_space<hbm>> -> memref<2x128xi32, #tpu.memory_space<hbm>>
      tpu.enqueue_dma source(%dma_start3A_206 : memref<2x128xi32, #tpu.memory_space<hbm>>) target(%dma_start3A_203 : memref<2x128xi32, #tpu.memory_space<vmem>>) target_semaphore(%run_scoped3A_192 : memref<!tpu.dma_semaphore, #tpu.memory_space<semaphore_mem>>)
      %dma_wait3A_207 = arith.constant 0 : i32
      %dma_wait3A_208 = arith.constant 0 : i32
      %dma_wait3A_209 = tpu.memref_slice %arg7[%run_scoped3A_3, %dma_wait3A_207, %dma_wait3A_208] : memref<3x2x128xi32, #tpu.memory_space<vmem>> -> memref<1x2x128xi32, #tpu.memory_space<vmem>>
      %dma_wait3A_210 = tpu.memref_squeeze %dma_wait3A_209 : memref<1x2x128xi32, #tpu.memory_space<vmem>> -> memref<2x128xi32, #tpu.memory_space<vmem>>
      %dma_wait3A_211 = arith.constant 0 : i32
      %dma_wait3A_212 = tpu.memref_slice %arg3[%run_scoped3A, %mul3A_2, %dma_wait3A_211] : memref<3x64x128xi32, #tpu.memory_space<hbm>> -> memref<1x2x128xi32, #tpu.memory_space<hbm>>
      %dma_wait3A_213 = tpu.memref_squeeze %dma_wait3A_212 : memref<1x2x128xi32, #tpu.memory_space<hbm>> -> memref<2x128xi32, #tpu.memory_space<hbm>>
      %dma_wait3A_214 = arith.constant 0 : i32
      %dma_wait3A_215 = arith.constant 0 : i32
      %dma_wait3A_216 = tpu.memref_slice %arg7[%run_scoped3A_3, %dma_wait3A_214, %dma_wait3A_215] : memref<3x2x128xi32, #tpu.memory_space<vmem>> -> memref<1x2x128xi32, #tpu.memory_space<vmem>>
      %dma_wait3A_217 = tpu.memref_squeeze %dma_wait3A_216 : memref<1x2x128xi32, #tpu.memory_space<vmem>> -> memref<2x128xi32, #tpu.memory_space<vmem>>
      %dma_wait3A_218 = arith.constant 0 : i32
      %dma_wait3A_219 = tpu.memref_slice %arg3[%run_scoped3A, %mul3A_2, %dma_wait3A_218] : memref<3x64x128xi32, #tpu.memory_space<hbm>> -> memref<1x2x128xi32, #tpu.memory_space<hbm>>
      %dma_wait3A_220 = tpu.memref_squeeze %dma_wait3A_219 : memref<1x2x128xi32, #tpu.memory_space<hbm>> -> memref<2x128xi32, #tpu.memory_space<hbm>>
      tpu.wait_dma2 semaphore(%run_scoped3A_192 : memref<!tpu.dma_semaphore, #tpu.memory_space<semaphore_mem>>) src(%dma_wait3A_220 : memref<2x128xi32, #tpu.memory_space<hbm>>) dst(%dma_wait3A_217 : memref<2x128xi32, #tpu.memory_space<vmem>>)
      tpu.yield
    }) : () -> ()
    %run_scoped3A_4 = arith.constant 1 : i32
    %run_scoped3A_5 = arith.constant 1 : i32
    "tpu.region"() ({
      %run_scoped3A_192 = tpu.sem_alloc : memref<!tpu.dma_semaphore, #tpu.memory_space<semaphore_mem>>
      %dma_start3A_193 = arith.constant 0 : i32
      %dma_start3A_194 = arith.constant 0 : i32
      %dma_start3A_195 = tpu.memref_slice %arg7[%run_scoped3A_5, %dma_start3A_193, %dma_start3A_194] : memref<3x2x128xi32, #tpu.memory_space<vmem>> -> memref<1x2x128xi32, #tpu.memory_space<vmem>>
      %dma_start3A_196 = tpu.memref_squeeze %dma_start3A_195 : memref<1x2x128xi32, #tpu.memory_space<vmem>> -> memref<2x128xi32, #tpu.memory_space<vmem>>
      %dma_start3A_197 = arith.constant 0 : i32
      %dma_start3A_198 = tpu.memref_slice %arg3[%run_scoped3A_4, %mul3A_2, %dma_start3A_197] : memref<3x64x128xi32, #tpu.memory_space<hbm>> -> memref<1x2x128xi32, #tpu.memory_space<hbm>>
      %dma_start3A_199 = tpu.memref_squeeze %dma_start3A_198 : memref<1x2x128xi32, #tpu.memory_space<hbm>> -> memref<2x128xi32, #tpu.memory_space<hbm>>
      %dma_start3A_200 = arith.constant 0 : i32
      %dma_start3A_201 = arith.constant 0 : i32
      %dma_start3A_202 = tpu.memref_slice %arg7[%run_scoped3A_5, %dma_start3A_200, %dma_start3A_201] : memref<3x2x128xi32, #tpu.memory_space<vmem>> -> memref<1x2x128xi32, #tpu.memory_space<vmem>>
      %dma_start3A_203 = tpu.memref_squeeze %dma_start3A_202 : memref<1x2x128xi32, #tpu.memory_space<vmem>> -> memref<2x128xi32, #tpu.memory_space<vmem>>
      %dma_start3A_204 = arith.constant 0 : i32
      %dma_start3A_205 = tpu.memref_slice %arg3[%run_scoped3A_4, %mul3A_2, %dma_start3A_204] : memref<3x64x128xi32, #tpu.memory_space<hbm>> -> memref<1x2x128xi32, #tpu.memory_space<hbm>>
      %dma_start3A_206 = tpu.memref_squeeze %dma_start3A_205 : memref<1x2x128xi32, #tpu.memory_space<hbm>> -> memref<2x128xi32, #tpu.memory_space<hbm>>
      tpu.enqueue_dma source(%dma_start3A_206 : memref<2x128xi32, #tpu.memory_space<hbm>>) target(%dma_start3A_203 : memref<2x128xi32, #tpu.memory_space<vmem>>) target_semaphore(%run_scoped3A_192 : memref<!tpu.dma_semaphore, #tpu.memory_space<semaphore_mem>>)
      %dma_wait3A_207 = arith.constant 0 : i32
      %dma_wait3A_208 = arith.constant 0 : i32
      %dma_wait3A_209 = tpu.memref_slice %arg7[%run_scoped3A_5, %dma_wait3A_207, %dma_wait3A_208] : memref<3x2x128xi32, #tpu.memory_space<vmem>> -> memref<1x2x128xi32, #tpu.memory_space<vmem>>
      %dma_wait3A_210 = tpu.memref_squeeze %dma_wait3A_209 : memref<1x2x128xi32, #tpu.memory_space<vmem>> -> memref<2x128xi32, #tpu.memory_space<vmem>>
      %dma_wait3A_211 = arith.constant 0 : i32
      %dma_wait3A_212 = tpu.memref_slice %arg3[%run_scoped3A_4, %mul3A_2, %dma_wait3A_211] : memref<3x64x128xi32, #tpu.memory_space<hbm>> -> memref<1x2x128xi32, #tpu.memory_space<hbm>>
      %dma_wait3A_213 = tpu.memref_squeeze %dma_wait3A_212 : memref<1x2x128xi32, #tpu.memory_space<hbm>> -> memref<2x128xi32, #tpu.memory_space<hbm>>
      %dma_wait3A_214 = arith.constant 0 : i32
      %dma_wait3A_215 = arith.constant 0 : i32
      %dma_wait3A_216 = tpu.memref_slice %arg7[%run_scoped3A_5, %dma_wait3A_214, %dma_wait3A_215] : memref<3x2x128xi32, #tpu.memory_space<vmem>> -> memref<1x2x128xi32, #tpu.memory_space<vmem>>
      %dma_wait3A_217 = tpu.memref_squeeze %dma_wait3A_216 : memref<1x2x128xi32, #tpu.memory_space<vmem>> -> memref<2x128xi32, #tpu.memory_space<vmem>>
      %dma_wait3A_218 = arith.constant 0 : i32
      %dma_wait3A_219 = tpu.memref_slice %arg3[%run_scoped3A_4, %mul3A_2, %dma_wait3A_218] : memref<3x64x128xi32, #tpu.memory_space<hbm>> -> memref<1x2x128xi32, #tpu.memory_space<hbm>>
      %dma_wait3A_220 = tpu.memref_squeeze %dma_wait3A_219 : memref<1x2x128xi32, #tpu.memory_space<hbm>> -> memref<2x128xi32, #tpu.memory_space<hbm>>
      tpu.wait_dma2 semaphore(%run_scoped3A_192 : memref<!tpu.dma_semaphore, #tpu.memory_space<semaphore_mem>>) src(%dma_wait3A_220 : memref<2x128xi32, #tpu.memory_space<hbm>>) dst(%dma_wait3A_217 : memref<2x128xi32, #tpu.memory_space<vmem>>)
      tpu.yield
    }) : () -> ()
    %run_scoped3A_6 = arith.constant 2 : i32
    %run_scoped3A_7 = arith.constant 2 : i32
    "tpu.region"() ({
      %run_scoped3A_192 = tpu.sem_alloc : memref<!tpu.dma_semaphore, #tpu.memory_space<semaphore_mem>>
      %dma_start3A_193 = arith.constant 0 : i32
      %dma_start3A_194 = arith.constant 0 : i32
      %dma_start3A_195 = tpu.memref_slice %arg7[%run_scoped3A_7, %dma_start3A_193, %dma_start3A_194] : memref<3x2x128xi32, #tpu.memory_space<vmem>> -> memref<1x2x128xi32, #tpu.memory_space<vmem>>
      %dma_start3A_196 = tpu.memref_squeeze %dma_start3A_195 : memref<1x2x128xi32, #tpu.memory_space<vmem>> -> memref<2x128xi32, #tpu.memory_space<vmem>>
      %dma_start3A_197 = arith.constant 0 : i32
      %dma_start3A_198 = tpu.memref_slice %arg3[%run_scoped3A_6, %mul3A_2, %dma_start3A_197] : memref<3x64x128xi32, #tpu.memory_space<hbm>> -> memref<1x2x128xi32, #tpu.memory_space<hbm>>
      %dma_start3A_199 = tpu.memref_squeeze %dma_start3A_198 : memref<1x2x128xi32, #tpu.memory_space<hbm>> -> memref<2x128xi32, #tpu.memory_space<hbm>>
      %dma_start3A_200 = arith.constant 0 : i32
      %dma_start3A_201 = arith.constant 0 : i32
      %dma_start3A_202 = tpu.memref_slice %arg7[%run_scoped3A_7, %dma_start3A_200, %dma_start3A_201] : memref<3x2x128xi32, #tpu.memory_space<vmem>> -> memref<1x2x128xi32, #tpu.memory_space<vmem>>
      %dma_start3A_203 = tpu.memref_squeeze %dma_start3A_202 : memref<1x2x128xi32, #tpu.memory_space<vmem>> -> memref<2x128xi32, #tpu.memory_space<vmem>>
      %dma_start3A_204 = arith.constant 0 : i32
      %dma_start3A_205 = tpu.memref_slice %arg3[%run_scoped3A_6, %mul3A_2, %dma_start3A_204] : memref<3x64x128xi32, #tpu.memory_space<hbm>> -> memref<1x2x128xi32, #tpu.memory_space<hbm>>
      %dma_start3A_206 = tpu.memref_squeeze %dma_start3A_205 : memref<1x2x128xi32, #tpu.memory_space<hbm>> -> memref<2x128xi32, #tpu.memory_space<hbm>>
      tpu.enqueue_dma source(%dma_start3A_206 : memref<2x128xi32, #tpu.memory_space<hbm>>) target(%dma_start3A_203 : memref<2x128xi32, #tpu.memory_space<vmem>>) target_semaphore(%run_scoped3A_192 : memref<!tpu.dma_semaphore, #tpu.memory_space<semaphore_mem>>)
      %dma_wait3A_207 = arith.constant 0 : i32
      %dma_wait3A_208 = arith.constant 0 : i32
      %dma_wait3A_209 = tpu.memref_slice %arg7[%run_scoped3A_7, %dma_wait3A_207, %dma_wait3A_208] : memref<3x2x128xi32, #tpu.memory_space<vmem>> -> memref<1x2x128xi32, #tpu.memory_space<vmem>>
      %dma_wait3A_210 = tpu.memref_squeeze %dma_wait3A_209 : memref<1x2x128xi32, #tpu.memory_space<vmem>> -> memref<2x128xi32, #tpu.memory_space<vmem>>
      %dma_wait3A_211 = arith.constant 0 : i32
      %dma_wait3A_212 = tpu.memref_slice %arg3[%run_scoped3A_6, %mul3A_2, %dma_wait3A_211] : memref<3x64x128xi32, #tpu.memory_space<hbm>> -> memref<1x2x128xi32, #tpu.memory_space<hbm>>
      %dma_wait3A_213 = tpu.memref_squeeze %dma_wait3A_212 : memref<1x2x128xi32, #tpu.memory_space<hbm>> -> memref<2x128xi32, #tpu.memory_space<hbm>>
      %dma_wait3A_214 = arith.constant 0 : i32
      %dma_wait3A_215 = arith.constant 0 : i32
      %dma_wait3A_216 = tpu.memref_slice %arg7[%run_scoped3A_7, %dma_wait3A_214, %dma_wait3A_215] : memref<3x2x128xi32, #tpu.memory_space<vmem>> -> memref<1x2x128xi32, #tpu.memory_space<vmem>>
      %dma_wait3A_217 = tpu.memref_squeeze %dma_wait3A_216 : memref<1x2x128xi32, #tpu.memory_space<vmem>> -> memref<2x128xi32, #tpu.memory_space<vmem>>
      %dma_wait3A_218 = arith.constant 0 : i32
      %dma_wait3A_219 = tpu.memref_slice %arg3[%run_scoped3A_6, %mul3A_2, %dma_wait3A_218] : memref<3x64x128xi32, #tpu.memory_space<hbm>> -> memref<1x2x128xi32, #tpu.memory_space<hbm>>
      %dma_wait3A_220 = tpu.memref_squeeze %dma_wait3A_219 : memref<1x2x128xi32, #tpu.memory_space<hbm>> -> memref<2x128xi32, #tpu.memory_space<hbm>>
      tpu.wait_dma2 semaphore(%run_scoped3A_192 : memref<!tpu.dma_semaphore, #tpu.memory_space<semaphore_mem>>) src(%dma_wait3A_220 : memref<2x128xi32, #tpu.memory_space<hbm>>) dst(%dma_wait3A_217 : memref<2x128xi32, #tpu.memory_space<vmem>>)
      tpu.yield
    }) : () -> ()
    %dma_start3A = arith.constant 0 : i32
    %dma_start3A_8 = arith.constant 0 : i32
    %dma_start3A_9 = arith.constant 0 : i32
    %dma_start3A_10 = arith.constant 0 : i32
    %dma_start3A_11 = arith.constant 0 : i32
    %dma_start3A_12 = tpu.memref_slice %arg8[%dma_start3A_9, %dma_start3A_10, %dma_start3A_11] : memref<2x128x128xf32, #tpu.memory_space<vmem>> -> memref<1x128x128xf32, #tpu.memory_space<vmem>>
    %dma_start3A_13 = tpu.memref_squeeze %dma_start3A_12 : memref<1x128x128xf32, #tpu.memory_space<vmem>> -> memref<128x128xf32, #tpu.memory_space<vmem>>
    %dma_start3A_14 = arith.constant 0 : i32
    %dma_start3A_15 = tpu.memref_slice %arg7[%dma_start3A, %dma_start3A_8, %dma_start3A_14] : memref<3x2x128xi32, #tpu.memory_space<vmem>> -> memref<1x1x128xi32, #tpu.memory_space<vmem>>
    %dma_start3A_16 = tpu.memref_squeeze %dma_start3A_15 : memref<1x1x128xi32, #tpu.memory_space<vmem>> -> memref<128xi32, #tpu.memory_space<vmem>>
    %dma_start3A_17 = arith.constant 0 : i32
    %dma_start3A_18 = arith.constant 0 : i32
    %dma_start3A_19 = tpu.memref_slice %arg2[%dma_start3A_17, %dma_start3A_18] : memref<4096x128xf32, #tpu.memory_space<hbm>> -> memref<4096x128xf32, #tpu.memory_space<hbm>>
    tpu.enqueue_indirect_dma source(%dma_start3A_19 : memref<4096x128xf32, #tpu.memory_space<hbm>>) target(%dma_start3A_13 : memref<128x128xf32, #tpu.memory_space<vmem>>) offsets(%dma_start3A_16 : memref<128xi32, #tpu.memory_space<vmem>>) semaphore(%arg9 : memref<!tpu.dma_semaphore, #tpu.memory_space<semaphore_mem>>)
    %dma_start3A_20 = arith.constant 0 : i32
    %dma_start3A_21 = arith.constant 1 : i32
    %dma_start3A_22 = arith.constant 1 : i32
    %dma_start3A_23 = arith.constant 0 : i32
    %dma_start3A_24 = arith.constant 0 : i32
    %dma_start3A_25 = tpu.memref_slice %arg8[%dma_start3A_22, %dma_start3A_23, %dma_start3A_24] : memref<2x128x128xf32, #tpu.memory_space<vmem>> -> memref<1x128x128xf32, #tpu.memory_space<vmem>>
    %dma_start3A_26 = tpu.memref_squeeze %dma_start3A_25 : memref<1x128x128xf32, #tpu.memory_space<vmem>> -> memref<128x128xf32, #tpu.memory_space<vmem>>
    %dma_start3A_27 = arith.constant 0 : i32
    %dma_start3A_28 = tpu.memref_slice %arg7[%dma_start3A_20, %dma_start3A_21, %dma_start3A_27] : memref<3x2x128xi32, #tpu.memory_space<vmem>> -> memref<1x1x128xi32, #tpu.memory_space<vmem>>
    %dma_start3A_29 = tpu.memref_squeeze %dma_start3A_28 : memref<1x1x128xi32, #tpu.memory_space<vmem>> -> memref<128xi32, #tpu.memory_space<vmem>>
    %dma_start3A_30 = arith.constant 0 : i32
    %dma_start3A_31 = arith.constant 0 : i32
    %dma_start3A_32 = tpu.memref_slice %arg2[%dma_start3A_30, %dma_start3A_31] : memref<4096x128xf32, #tpu.memory_space<hbm>> -> memref<4096x128xf32, #tpu.memory_space<hbm>>
    tpu.enqueue_indirect_dma source(%dma_start3A_32 : memref<4096x128xf32, #tpu.memory_space<hbm>>) target(%dma_start3A_26 : memref<128x128xf32, #tpu.memory_space<vmem>>) offsets(%dma_start3A_29 : memref<128xi32, #tpu.memory_space<vmem>>) semaphore(%arg10 : memref<!tpu.dma_semaphore, #tpu.memory_space<semaphore_mem>>)
    %dma_wait3A = arith.constant 0 : i32
    %dma_wait3A_33 = arith.constant 0 : i32
    %dma_wait3A_34 = arith.constant 0 : i32
    %dma_wait3A_35 = arith.constant 0 : i32
    %dma_wait3A_36 = arith.constant 0 : i32
    %dma_wait3A_37 = tpu.memref_slice %arg8[%dma_wait3A_34, %dma_wait3A_35, %dma_wait3A_36] : memref<2x128x128xf32, #tpu.memory_space<vmem>> -> memref<1x128x128xf32, #tpu.memory_space<vmem>>
    %dma_wait3A_38 = tpu.memref_squeeze %dma_wait3A_37 : memref<1x128x128xf32, #tpu.memory_space<vmem>> -> memref<128x128xf32, #tpu.memory_space<vmem>>
    %dma_wait3A_39 = arith.constant 0 : i32
    %dma_wait3A_40 = tpu.memref_slice %arg7[%dma_wait3A, %dma_wait3A_33, %dma_wait3A_39] : memref<3x2x128xi32, #tpu.memory_space<vmem>> -> memref<1x1x128xi32, #tpu.memory_space<vmem>>
    %dma_wait3A_41 = tpu.memref_squeeze %dma_wait3A_40 : memref<1x1x128xi32, #tpu.memory_space<vmem>> -> memref<128xi32, #tpu.memory_space<vmem>>
    %dma_wait3A_42 = arith.constant 0 : i32
    %dma_wait3A_43 = arith.constant 0 : i32
    %dma_wait3A_44 = tpu.memref_slice %arg2[%dma_wait3A_42, %dma_wait3A_43] : memref<4096x128xf32, #tpu.memory_space<hbm>> -> memref<4096x128xf32, #tpu.memory_space<hbm>>
    tpu.wait_indirect_dma semaphore(%arg9 : memref<!tpu.dma_semaphore, #tpu.memory_space<semaphore_mem>>) src(%dma_wait3A_44 : memref<4096x128xf32, #tpu.memory_space<hbm>>) dst(%dma_wait3A_38 : memref<128x128xf32, #tpu.memory_space<vmem>>)
    %add3A_45 = arith.constant 0 : i32
    %add3A_46 = arith.addi %mul3A_2, %add3A_45 : i32
    %mul3A_47 = arith.constant 128 : i32
    %mul3A_48 = arith.muli %add3A_46, %mul3A_47 : i32
    %run_scoped3A_49 = arith.constant 0 : i32
    "tpu.region"() ({
      %run_scoped3A_192 = tpu.sem_alloc : memref<!tpu.dma_semaphore, #tpu.memory_space<semaphore_mem>>
      %dma_start3A_193 = arith.constant 0 : i32
      %dma_start3A_194 = arith.constant 0 : i32
      %dma_start3A_195 = tpu.memref_slice %arg8[%run_scoped3A_49, %dma_start3A_193, %dma_start3A_194] : memref<2x128x128xf32, #tpu.memory_space<vmem>> -> memref<1x128x128xf32, #tpu.memory_space<vmem>>
      %dma_start3A_196 = tpu.memref_squeeze %dma_start3A_195 : memref<1x128x128xf32, #tpu.memory_space<vmem>> -> memref<128x128xf32, #tpu.memory_space<vmem>>
      %dma_start3A_197 = arith.constant 0 : i32
      %dma_start3A_198 = tpu.memref_slice %arg4[%mul3A_48, %dma_start3A_197] : memref<8192x128xf32, #tpu.memory_space<hbm>> -> memref<128x128xf32, #tpu.memory_space<hbm>>
      %dma_start3A_199 = arith.constant 0 : i32
      %dma_start3A_200 = tpu.memref_slice %arg4[%mul3A_48, %dma_start3A_199] : memref<8192x128xf32, #tpu.memory_space<hbm>> -> memref<128x128xf32, #tpu.memory_space<hbm>>
      %dma_start3A_201 = arith.constant 0 : i32
      %dma_start3A_202 = arith.constant 0 : i32
      %dma_start3A_203 = tpu.memref_slice %arg8[%run_scoped3A_49, %dma_start3A_201, %dma_start3A_202] : memref<2x128x128xf32, #tpu.memory_space<vmem>> -> memref<1x128x128xf32, #tpu.memory_space<vmem>>
      %dma_start3A_204 = tpu.memref_squeeze %dma_start3A_203 : memref<1x128x128xf32, #tpu.memory_space<vmem>> -> memref<128x128xf32, #tpu.memory_space<vmem>>
      tpu.enqueue_dma source(%dma_start3A_204 : memref<128x128xf32, #tpu.memory_space<vmem>>) target(%dma_start3A_200 : memref<128x128xf32, #tpu.memory_space<hbm>>) target_semaphore(%run_scoped3A_192 : memref<!tpu.dma_semaphore, #tpu.memory_space<semaphore_mem>>)
      %dma_wait3A_205 = arith.constant 0 : i32
      %dma_wait3A_206 = arith.constant 0 : i32
      %dma_wait3A_207 = tpu.memref_slice %arg8[%run_scoped3A_49, %dma_wait3A_205, %dma_wait3A_206] : memref<2x128x128xf32, #tpu.memory_space<vmem>> -> memref<1x128x128xf32, #tpu.memory_space<vmem>>
      %dma_wait3A_208 = tpu.memref_squeeze %dma_wait3A_207 : memref<1x128x128xf32, #tpu.memory_space<vmem>> -> memref<128x128xf32, #tpu.memory_space<vmem>>
      %dma_wait3A_209 = arith.constant 0 : i32
      %dma_wait3A_210 = tpu.memref_slice %arg4[%mul3A_48, %dma_wait3A_209] : memref<8192x128xf32, #tpu.memory_space<hbm>> -> memref<128x128xf32, #tpu.memory_space<hbm>>
      %dma_wait3A_211 = arith.constant 0 : i32
      %dma_wait3A_212 = tpu.memref_slice %arg4[%mul3A_48, %dma_wait3A_211] : memref<8192x128xf32, #tpu.memory_space<hbm>> -> memref<128x128xf32, #tpu.memory_space<hbm>>
      %dma_wait3A_213 = arith.constant 0 : i32
      %dma_wait3A_214 = arith.constant 0 : i32
      %dma_wait3A_215 = tpu.memref_slice %arg8[%run_scoped3A_49, %dma_wait3A_213, %dma_wait3A_214] : memref<2x128x128xf32, #tpu.memory_space<vmem>> -> memref<1x128x128xf32, #tpu.memory_space<vmem>>
      %dma_wait3A_216 = tpu.memref_squeeze %dma_wait3A_215 : memref<1x128x128xf32, #tpu.memory_space<vmem>> -> memref<128x128xf32, #tpu.memory_space<vmem>>
      tpu.wait_dma2 semaphore(%run_scoped3A_192 : memref<!tpu.dma_semaphore, #tpu.memory_space<semaphore_mem>>) src(%dma_wait3A_216 : memref<128x128xf32, #tpu.memory_space<vmem>>) dst(%dma_wait3A_212 : memref<128x128xf32, #tpu.memory_space<hbm>>)
      tpu.yield
    }) : () -> ()
    %dma_start3A_50 = arith.constant 1 : i32
    %dma_start3A_51 = arith.constant 0 : i32
    %dma_start3A_52 = arith.constant 0 : i32
    %dma_start3A_53 = arith.constant 0 : i32
    %dma_start3A_54 = arith.constant 0 : i32
    %dma_start3A_55 = tpu.memref_slice %arg8[%dma_start3A_52, %dma_start3A_53, %dma_start3A_54] : memref<2x128x128xf32, #tpu.memory_space<vmem>> -> memref<1x128x128xf32, #tpu.memory_space<vmem>>
    %dma_start3A_56 = tpu.memref_squeeze %dma_start3A_55 : memref<1x128x128xf32, #tpu.memory_space<vmem>> -> memref<128x128xf32, #tpu.memory_space<vmem>>
    %dma_start3A_57 = arith.constant 0 : i32
    %dma_start3A_58 = tpu.memref_slice %arg7[%dma_start3A_50, %dma_start3A_51, %dma_start3A_57] : memref<3x2x128xi32, #tpu.memory_space<vmem>> -> memref<1x1x128xi32, #tpu.memory_space<vmem>>
    %dma_start3A_59 = tpu.memref_squeeze %dma_start3A_58 : memref<1x1x128xi32, #tpu.memory_space<vmem>> -> memref<128xi32, #tpu.memory_space<vmem>>
    %dma_start3A_60 = arith.constant 0 : i32
    %dma_start3A_61 = arith.constant 0 : i32
    %dma_start3A_62 = tpu.memref_slice %arg2[%dma_start3A_60, %dma_start3A_61] : memref<4096x128xf32, #tpu.memory_space<hbm>> -> memref<4096x128xf32, #tpu.memory_space<hbm>>
    tpu.enqueue_indirect_dma source(%dma_start3A_62 : memref<4096x128xf32, #tpu.memory_space<hbm>>) target(%dma_start3A_56 : memref<128x128xf32, #tpu.memory_space<vmem>>) offsets(%dma_start3A_59 : memref<128xi32, #tpu.memory_space<vmem>>) semaphore(%arg9 : memref<!tpu.dma_semaphore, #tpu.memory_space<semaphore_mem>>)
    %dma_wait3A_63 = arith.constant 0 : i32
    %dma_wait3A_64 = arith.constant 1 : i32
    %dma_wait3A_65 = arith.constant 1 : i32
    %dma_wait3A_66 = arith.constant 0 : i32
    %dma_wait3A_67 = arith.constant 0 : i32
    %dma_wait3A_68 = tpu.memref_slice %arg8[%dma_wait3A_65, %dma_wait3A_66, %dma_wait3A_67] : memref<2x128x128xf32, #tpu.memory_space<vmem>> -> memref<1x128x128xf32, #tpu.memory_space<vmem>>
    %dma_wait3A_69 = tpu.memref_squeeze %dma_wait3A_68 : memref<1x128x128xf32, #tpu.memory_space<vmem>> -> memref<128x128xf32, #tpu.memory_space<vmem>>
    %dma_wait3A_70 = arith.constant 0 : i32
    %dma_wait3A_71 = tpu.memref_slice %arg7[%dma_wait3A_63, %dma_wait3A_64, %dma_wait3A_70] : memref<3x2x128xi32, #tpu.memory_space<vmem>> -> memref<1x1x128xi32, #tpu.memory_space<vmem>>
    %dma_wait3A_72 = tpu.memref_squeeze %dma_wait3A_71 : memref<1x1x128xi32, #tpu.memory_space<vmem>> -> memref<128xi32, #tpu.memory_space<vmem>>
    %dma_wait3A_73 = arith.constant 0 : i32
    %dma_wait3A_74 = arith.constant 0 : i32
    %dma_wait3A_75 = tpu.memref_slice %arg2[%dma_wait3A_73, %dma_wait3A_74] : memref<4096x128xf32, #tpu.memory_space<hbm>> -> memref<4096x128xf32, #tpu.memory_space<hbm>>
    tpu.wait_indirect_dma semaphore(%arg10 : memref<!tpu.dma_semaphore, #tpu.memory_space<semaphore_mem>>) src(%dma_wait3A_75 : memref<4096x128xf32, #tpu.memory_space<hbm>>) dst(%dma_wait3A_69 : memref<128x128xf32, #tpu.memory_space<vmem>>)
    %add3A_76 = arith.constant 1 : i32
    %add3A_77 = arith.addi %mul3A_2, %add3A_76 : i32
    %mul3A_78 = arith.constant 128 : i32
    %mul3A_79 = arith.muli %add3A_77, %mul3A_78 : i32
    %run_scoped3A_80 = arith.constant 1 : i32
    "tpu.region"() ({
      %run_scoped3A_192 = tpu.sem_alloc : memref<!tpu.dma_semaphore, #tpu.memory_space<semaphore_mem>>
      %dma_start3A_193 = arith.constant 0 : i32
      %dma_start3A_194 = arith.constant 0 : i32
      %dma_start3A_195 = tpu.memref_slice %arg8[%run_scoped3A_80, %dma_start3A_193, %dma_start3A_194] : memref<2x128x128xf32, #tpu.memory_space<vmem>> -> memref<1x128x128xf32, #tpu.memory_space<vmem>>
      %dma_start3A_196 = tpu.memref_squeeze %dma_start3A_195 : memref<1x128x128xf32, #tpu.memory_space<vmem>> -> memref<128x128xf32, #tpu.memory_space<vmem>>
      %dma_start3A_197 = arith.constant 0 : i32
      %dma_start3A_198 = tpu.memref_slice %arg4[%mul3A_79, %dma_start3A_197] : memref<8192x128xf32, #tpu.memory_space<hbm>> -> memref<128x128xf32, #tpu.memory_space<hbm>>
      %dma_start3A_199 = arith.constant 0 : i32
      %dma_start3A_200 = tpu.memref_slice %arg4[%mul3A_79, %dma_start3A_199] : memref<8192x128xf32, #tpu.memory_space<hbm>> -> memref<128x128xf32, #tpu.memory_space<hbm>>
      %dma_start3A_201 = arith.constant 0 : i32
      %dma_start3A_202 = arith.constant 0 : i32
      %dma_start3A_203 = tpu.memref_slice %arg8[%run_scoped3A_80, %dma_start3A_201, %dma_start3A_202] : memref<2x128x128xf32, #tpu.memory_space<vmem>> -> memref<1x128x128xf32, #tpu.memory_space<vmem>>
      %dma_start3A_204 = tpu.memref_squeeze %dma_start3A_203 : memref<1x128x128xf32, #tpu.memory_space<vmem>> -> memref<128x128xf32, #tpu.memory_space<vmem>>
      tpu.enqueue_dma source(%dma_start3A_204 : memref<128x128xf32, #tpu.memory_space<vmem>>) target(%dma_start3A_200 : memref<128x128xf32, #tpu.memory_space<hbm>>) target_semaphore(%run_scoped3A_192 : memref<!tpu.dma_semaphore, #tpu.memory_space<semaphore_mem>>)
      %dma_wait3A_205 = arith.constant 0 : i32
      %dma_wait3A_206 = arith.constant 0 : i32
      %dma_wait3A_207 = tpu.memref_slice %arg8[%run_scoped3A_80, %dma_wait3A_205, %dma_wait3A_206] : memref<2x128x128xf32, #tpu.memory_space<vmem>> -> memref<1x128x128xf32, #tpu.memory_space<vmem>>
      %dma_wait3A_208 = tpu.memref_squeeze %dma_wait3A_207 : memref<1x128x128xf32, #tpu.memory_space<vmem>> -> memref<128x128xf32, #tpu.memory_space<vmem>>
      %dma_wait3A_209 = arith.constant 0 : i32
      %dma_wait3A_210 = tpu.memref_slice %arg4[%mul3A_79, %dma_wait3A_209] : memref<8192x128xf32, #tpu.memory_space<hbm>> -> memref<128x128xf32, #tpu.memory_space<hbm>>
      %dma_wait3A_211 = arith.constant 0 : i32
      %dma_wait3A_212 = tpu.memref_slice %arg4[%mul3A_79, %dma_wait3A_211] : memref<8192x128xf32, #tpu.memory_space<hbm>> -> memref<128x128xf32, #tpu.memory_space<hbm>>
      %dma_wait3A_213 = arith.constant 0 : i32
      %dma_wait3A_214 = arith.constant 0 : i32
      %dma_wait3A_215 = tpu.memref_slice %arg8[%run_scoped3A_80, %dma_wait3A_213, %dma_wait3A_214] : memref<2x128x128xf32, #tpu.memory_space<vmem>> -> memref<1x128x128xf32, #tpu.memory_space<vmem>>
      %dma_wait3A_216 = tpu.memref_squeeze %dma_wait3A_215 : memref<1x128x128xf32, #tpu.memory_space<vmem>> -> memref<128x128xf32, #tpu.memory_space<vmem>>
      tpu.wait_dma2 semaphore(%run_scoped3A_192 : memref<!tpu.dma_semaphore, #tpu.memory_space<semaphore_mem>>) src(%dma_wait3A_216 : memref<128x128xf32, #tpu.memory_space<vmem>>) dst(%dma_wait3A_212 : memref<128x128xf32, #tpu.memory_space<hbm>>)
      tpu.yield
    }) : () -> ()
    %dma_start3A_81 = arith.constant 1 : i32
    %dma_start3A_82 = arith.constant 1 : i32
    %dma_start3A_83 = arith.constant 1 : i32
    %dma_start3A_84 = arith.constant 0 : i32
    %dma_start3A_85 = arith.constant 0 : i32
    %dma_start3A_86 = tpu.memref_slice %arg8[%dma_start3A_83, %dma_start3A_84, %dma_start3A_85] : memref<2x128x128xf32, #tpu.memory_space<vmem>> -> memref<1x128x128xf32, #tpu.memory_space<vmem>>
    %dma_start3A_87 = tpu.memref_squeeze %dma_start3A_86 : memref<1x128x128xf32, #tpu.memory_space<vmem>> -> memref<128x128xf32, #tpu.memory_space<vmem>>
    %dma_start3A_88 = arith.constant 0 : i32
    %dma_start3A_89 = tpu.memref_slice %arg7[%dma_start3A_81, %dma_start3A_82, %dma_start3A_88] : memref<3x2x128xi32, #tpu.memory_space<vmem>> -> memref<1x1x128xi32, #tpu.memory_space<vmem>>
    %dma_start3A_90 = tpu.memref_squeeze %dma_start3A_89 : memref<1x1x128xi32, #tpu.memory_space<vmem>> -> memref<128xi32, #tpu.memory_space<vmem>>
    %dma_start3A_91 = arith.constant 0 : i32
    %dma_start3A_92 = arith.constant 0 : i32
    %dma_start3A_93 = tpu.memref_slice %arg2[%dma_start3A_91, %dma_start3A_92] : memref<4096x128xf32, #tpu.memory_space<hbm>> -> memref<4096x128xf32, #tpu.memory_space<hbm>>
    tpu.enqueue_indirect_dma source(%dma_start3A_93 : memref<4096x128xf32, #tpu.memory_space<hbm>>) target(%dma_start3A_87 : memref<128x128xf32, #tpu.memory_space<vmem>>) offsets(%dma_start3A_90 : memref<128xi32, #tpu.memory_space<vmem>>) semaphore(%arg10 : memref<!tpu.dma_semaphore, #tpu.memory_space<semaphore_mem>>)
    %dma_wait3A_94 = arith.constant 1 : i32
    %dma_wait3A_95 = arith.constant 0 : i32
    %dma_wait3A_96 = arith.constant 0 : i32
    %dma_wait3A_97 = arith.constant 0 : i32
    %dma_wait3A_98 = arith.constant 0 : i32
    %dma_wait3A_99 = tpu.memref_slice %arg8[%dma_wait3A_96, %dma_wait3A_97, %dma_wait3A_98] : memref<2x128x128xf32, #tpu.memory_space<vmem>> -> memref<1x128x128xf32, #tpu.memory_space<vmem>>
    %dma_wait3A_100 = tpu.memref_squeeze %dma_wait3A_99 : memref<1x128x128xf32, #tpu.memory_space<vmem>> -> memref<128x128xf32, #tpu.memory_space<vmem>>
    %dma_wait3A_101 = arith.constant 0 : i32
    %dma_wait3A_102 = tpu.memref_slice %arg7[%dma_wait3A_94, %dma_wait3A_95, %dma_wait3A_101] : memref<3x2x128xi32, #tpu.memory_space<vmem>> -> memref<1x1x128xi32, #tpu.memory_space<vmem>>
    %dma_wait3A_103 = tpu.memref_squeeze %dma_wait3A_102 : memref<1x1x128xi32, #tpu.memory_space<vmem>> -> memref<128xi32, #tpu.memory_space<vmem>>
    %dma_wait3A_104 = arith.constant 0 : i32
    %dma_wait3A_105 = arith.constant 0 : i32
    %dma_wait3A_106 = tpu.memref_slice %arg2[%dma_wait3A_104, %dma_wait3A_105] : memref<4096x128xf32, #tpu.memory_space<hbm>> -> memref<4096x128xf32, #tpu.memory_space<hbm>>
    tpu.wait_indirect_dma semaphore(%arg9 : memref<!tpu.dma_semaphore, #tpu.memory_space<semaphore_mem>>) src(%dma_wait3A_106 : memref<4096x128xf32, #tpu.memory_space<hbm>>) dst(%dma_wait3A_100 : memref<128x128xf32, #tpu.memory_space<vmem>>)
    %add3A_107 = arith.constant 0 : i32
    %add3A_108 = arith.addi %mul3A_2, %add3A_107 : i32
    %mul3A_109 = arith.constant 128 : i32
    %mul3A_110 = arith.muli %add3A_108, %mul3A_109 : i32
    %run_scoped3A_111 = arith.constant 0 : i32
    "tpu.region"() ({
      %run_scoped3A_192 = tpu.sem_alloc : memref<!tpu.dma_semaphore, #tpu.memory_space<semaphore_mem>>
      %dma_start3A_193 = arith.constant 0 : i32
      %dma_start3A_194 = arith.constant 0 : i32
      %dma_start3A_195 = tpu.memref_slice %arg8[%run_scoped3A_111, %dma_start3A_193, %dma_start3A_194] : memref<2x128x128xf32, #tpu.memory_space<vmem>> -> memref<1x128x128xf32, #tpu.memory_space<vmem>>
      %dma_start3A_196 = tpu.memref_squeeze %dma_start3A_195 : memref<1x128x128xf32, #tpu.memory_space<vmem>> -> memref<128x128xf32, #tpu.memory_space<vmem>>
      %dma_start3A_197 = arith.constant 0 : i32
      %dma_start3A_198 = tpu.memref_slice %arg5[%mul3A_110, %dma_start3A_197] : memref<8192x128xf32, #tpu.memory_space<hbm>> -> memref<128x128xf32, #tpu.memory_space<hbm>>
      %dma_start3A_199 = arith.constant 0 : i32
      %dma_start3A_200 = tpu.memref_slice %arg5[%mul3A_110, %dma_start3A_199] : memref<8192x128xf32, #tpu.memory_space<hbm>> -> memref<128x128xf32, #tpu.memory_space<hbm>>
      %dma_start3A_201 = arith.constant 0 : i32
      %dma_start3A_202 = arith.constant 0 : i32
      %dma_start3A_203 = tpu.memref_slice %arg8[%run_scoped3A_111, %dma_start3A_201, %dma_start3A_202] : memref<2x128x128xf32, #tpu.memory_space<vmem>> -> memref<1x128x128xf32, #tpu.memory_space<vmem>>
      %dma_start3A_204 = tpu.memref_squeeze %dma_start3A_203 : memref<1x128x128xf32, #tpu.memory_space<vmem>> -> memref<128x128xf32, #tpu.memory_space<vmem>>
      tpu.enqueue_dma source(%dma_start3A_204 : memref<128x128xf32, #tpu.memory_space<vmem>>) target(%dma_start3A_200 : memref<128x128xf32, #tpu.memory_space<hbm>>) target_semaphore(%run_scoped3A_192 : memref<!tpu.dma_semaphore, #tpu.memory_space<semaphore_mem>>)
      %dma_wait3A_205 = arith.constant 0 : i32
      %dma_wait3A_206 = arith.constant 0 : i32
      %dma_wait3A_207 = tpu.memref_slice %arg8[%run_scoped3A_111, %dma_wait3A_205, %dma_wait3A_206] : memref<2x128x128xf32, #tpu.memory_space<vmem>> -> memref<1x128x128xf32, #tpu.memory_space<vmem>>
      %dma_wait3A_208 = tpu.memref_squeeze %dma_wait3A_207 : memref<1x128x128xf32, #tpu.memory_space<vmem>> -> memref<128x128xf32, #tpu.memory_space<vmem>>
      %dma_wait3A_209 = arith.constant 0 : i32
      %dma_wait3A_210 = tpu.memref_slice %arg5[%mul3A_110, %dma_wait3A_209] : memref<8192x128xf32, #tpu.memory_space<hbm>> -> memref<128x128xf32, #tpu.memory_space<hbm>>
      %dma_wait3A_211 = arith.constant 0 : i32
      %dma_wait3A_212 = tpu.memref_slice %arg5[%mul3A_110, %dma_wait3A_211] : memref<8192x128xf32, #tpu.memory_space<hbm>> -> memref<128x128xf32, #tpu.memory_space<hbm>>
      %dma_wait3A_213 = arith.constant 0 : i32
      %dma_wait3A_214 = arith.constant 0 : i32
      %dma_wait3A_215 = tpu.memref_slice %arg8[%run_scoped3A_111, %dma_wait3A_213, %dma_wait3A_214] : memref<2x128x128xf32, #tpu.memory_space<vmem>> -> memref<1x128x128xf32, #tpu.memory_space<vmem>>
      %dma_wait3A_216 = tpu.memref_squeeze %dma_wait3A_215 : memref<1x128x128xf32, #tpu.memory_space<vmem>> -> memref<128x128xf32, #tpu.memory_space<vmem>>
      tpu.wait_dma2 semaphore(%run_scoped3A_192 : memref<!tpu.dma_semaphore, #tpu.memory_space<semaphore_mem>>) src(%dma_wait3A_216 : memref<128x128xf32, #tpu.memory_space<vmem>>) dst(%dma_wait3A_212 : memref<128x128xf32, #tpu.memory_space<hbm>>)
      tpu.yield
    }) : () -> ()
    %dma_start3A_112 = arith.constant 2 : i32
    %dma_start3A_113 = arith.constant 0 : i32
    %dma_start3A_114 = arith.constant 0 : i32
    %dma_start3A_115 = arith.constant 0 : i32
    %dma_start3A_116 = arith.constant 0 : i32
    %dma_start3A_117 = tpu.memref_slice %arg8[%dma_start3A_114, %dma_start3A_115, %dma_start3A_116] : memref<2x128x128xf32, #tpu.memory_space<vmem>> -> memref<1x128x128xf32, #tpu.memory_space<vmem>>
    %dma_start3A_118 = tpu.memref_squeeze %dma_start3A_117 : memref<1x128x128xf32, #tpu.memory_space<vmem>> -> memref<128x128xf32, #tpu.memory_space<vmem>>
    %dma_start3A_119 = arith.constant 0 : i32
    %dma_start3A_120 = tpu.memref_slice %arg7[%dma_start3A_112, %dma_start3A_113, %dma_start3A_119] : memref<3x2x128xi32, #tpu.memory_space<vmem>> -> memref<1x1x128xi32, #tpu.memory_space<vmem>>
    %dma_start3A_121 = tpu.memref_squeeze %dma_start3A_120 : memref<1x1x128xi32, #tpu.memory_space<vmem>> -> memref<128xi32, #tpu.memory_space<vmem>>
    %dma_start3A_122 = arith.constant 0 : i32
    %dma_start3A_123 = arith.constant 0 : i32
    %dma_start3A_124 = tpu.memref_slice %arg2[%dma_start3A_122, %dma_start3A_123] : memref<4096x128xf32, #tpu.memory_space<hbm>> -> memref<4096x128xf32, #tpu.memory_space<hbm>>
    tpu.enqueue_indirect_dma source(%dma_start3A_124 : memref<4096x128xf32, #tpu.memory_space<hbm>>) target(%dma_start3A_118 : memref<128x128xf32, #tpu.memory_space<vmem>>) offsets(%dma_start3A_121 : memref<128xi32, #tpu.memory_space<vmem>>) semaphore(%arg9 : memref<!tpu.dma_semaphore, #tpu.memory_space<semaphore_mem>>)
    %dma_wait3A_125 = arith.constant 1 : i32
    %dma_wait3A_126 = arith.constant 1 : i32
    %dma_wait3A_127 = arith.constant 1 : i32
    %dma_wait3A_128 = arith.constant 0 : i32
    %dma_wait3A_129 = arith.constant 0 : i32
    %dma_wait3A_130 = tpu.memref_slice %arg8[%dma_wait3A_127, %dma_wait3A_128, %dma_wait3A_129] : memref<2x128x128xf32, #tpu.memory_space<vmem>> -> memref<1x128x128xf32, #tpu.memory_space<vmem>>
    %dma_wait3A_131 = tpu.memref_squeeze %dma_wait3A_130 : memref<1x128x128xf32, #tpu.memory_space<vmem>> -> memref<128x128xf32, #tpu.memory_space<vmem>>
    %dma_wait3A_132 = arith.constant 0 : i32
    %dma_wait3A_133 = tpu.memref_slice %arg7[%dma_wait3A_125, %dma_wait3A_126, %dma_wait3A_132] : memref<3x2x128xi32, #tpu.memory_space<vmem>> -> memref<1x1x128xi32, #tpu.memory_space<vmem>>
    %dma_wait3A_134 = tpu.memref_squeeze %dma_wait3A_133 : memref<1x1x128xi32, #tpu.memory_space<vmem>> -> memref<128xi32, #tpu.memory_space<vmem>>
    %dma_wait3A_135 = arith.constant 0 : i32
    %dma_wait3A_136 = arith.constant 0 : i32
    %dma_wait3A_137 = tpu.memref_slice %arg2[%dma_wait3A_135, %dma_wait3A_136] : memref<4096x128xf32, #tpu.memory_space<hbm>> -> memref<4096x128xf32, #tpu.memory_space<hbm>>
    tpu.wait_indirect_dma semaphore(%arg10 : memref<!tpu.dma_semaphore, #tpu.memory_space<semaphore_mem>>) src(%dma_wait3A_137 : memref<4096x128xf32, #tpu.memory_space<hbm>>) dst(%dma_wait3A_131 : memref<128x128xf32, #tpu.memory_space<vmem>>)
    %add3A_138 = arith.constant 1 : i32
    %add3A_139 = arith.addi %mul3A_2, %add3A_138 : i32
    %mul3A_140 = arith.constant 128 : i32
    %mul3A_141 = arith.muli %add3A_139, %mul3A_140 : i32
    %run_scoped3A_142 = arith.constant 1 : i32
    "tpu.region"() ({
      %run_scoped3A_192 = tpu.sem_alloc : memref<!tpu.dma_semaphore, #tpu.memory_space<semaphore_mem>>
      %dma_start3A_193 = arith.constant 0 : i32
      %dma_start3A_194 = arith.constant 0 : i32
      %dma_start3A_195 = tpu.memref_slice %arg8[%run_scoped3A_142, %dma_start3A_193, %dma_start3A_194] : memref<2x128x128xf32, #tpu.memory_space<vmem>> -> memref<1x128x128xf32, #tpu.memory_space<vmem>>
      %dma_start3A_196 = tpu.memref_squeeze %dma_start3A_195 : memref<1x128x128xf32, #tpu.memory_space<vmem>> -> memref<128x128xf32, #tpu.memory_space<vmem>>
      %dma_start3A_197 = arith.constant 0 : i32
      %dma_start3A_198 = tpu.memref_slice %arg5[%mul3A_141, %dma_start3A_197] : memref<8192x128xf32, #tpu.memory_space<hbm>> -> memref<128x128xf32, #tpu.memory_space<hbm>>
      %dma_start3A_199 = arith.constant 0 : i32
      %dma_start3A_200 = tpu.memref_slice %arg5[%mul3A_141, %dma_start3A_199] : memref<8192x128xf32, #tpu.memory_space<hbm>> -> memref<128x128xf32, #tpu.memory_space<hbm>>
      %dma_start3A_201 = arith.constant 0 : i32
      %dma_start3A_202 = arith.constant 0 : i32
      %dma_start3A_203 = tpu.memref_slice %arg8[%run_scoped3A_142, %dma_start3A_201, %dma_start3A_202] : memref<2x128x128xf32, #tpu.memory_space<vmem>> -> memref<1x128x128xf32, #tpu.memory_space<vmem>>
      %dma_start3A_204 = tpu.memref_squeeze %dma_start3A_203 : memref<1x128x128xf32, #tpu.memory_space<vmem>> -> memref<128x128xf32, #tpu.memory_space<vmem>>
      tpu.enqueue_dma source(%dma_start3A_204 : memref<128x128xf32, #tpu.memory_space<vmem>>) target(%dma_start3A_200 : memref<128x128xf32, #tpu.memory_space<hbm>>) target_semaphore(%run_scoped3A_192 : memref<!tpu.dma_semaphore, #tpu.memory_space<semaphore_mem>>)
      %dma_wait3A_205 = arith.constant 0 : i32
      %dma_wait3A_206 = arith.constant 0 : i32
      %dma_wait3A_207 = tpu.memref_slice %arg8[%run_scoped3A_142, %dma_wait3A_205, %dma_wait3A_206] : memref<2x128x128xf32, #tpu.memory_space<vmem>> -> memref<1x128x128xf32, #tpu.memory_space<vmem>>
      %dma_wait3A_208 = tpu.memref_squeeze %dma_wait3A_207 : memref<1x128x128xf32, #tpu.memory_space<vmem>> -> memref<128x128xf32, #tpu.memory_space<vmem>>
      %dma_wait3A_209 = arith.constant 0 : i32
      %dma_wait3A_210 = tpu.memref_slice %arg5[%mul3A_141, %dma_wait3A_209] : memref<8192x128xf32, #tpu.memory_space<hbm>> -> memref<128x128xf32, #tpu.memory_space<hbm>>
      %dma_wait3A_211 = arith.constant 0 : i32
      %dma_wait3A_212 = tpu.memref_slice %arg5[%mul3A_141, %dma_wait3A_211] : memref<8192x128xf32, #tpu.memory_space<hbm>> -> memref<128x128xf32, #tpu.memory_space<hbm>>
      %dma_wait3A_213 = arith.constant 0 : i32
      %dma_wait3A_214 = arith.constant 0 : i32
      %dma_wait3A_215 = tpu.memref_slice %arg8[%run_scoped3A_142, %dma_wait3A_213, %dma_wait3A_214] : memref<2x128x128xf32, #tpu.memory_space<vmem>> -> memref<1x128x128xf32, #tpu.memory_space<vmem>>
      %dma_wait3A_216 = tpu.memref_squeeze %dma_wait3A_215 : memref<1x128x128xf32, #tpu.memory_space<vmem>> -> memref<128x128xf32, #tpu.memory_space<vmem>>
      tpu.wait_dma2 semaphore(%run_scoped3A_192 : memref<!tpu.dma_semaphore, #tpu.memory_space<semaphore_mem>>) src(%dma_wait3A_216 : memref<128x128xf32, #tpu.memory_space<vmem>>) dst(%dma_wait3A_212 : memref<128x128xf32, #tpu.memory_space<hbm>>)
      tpu.yield
    }) : () -> ()
    %dma_start3A_143 = arith.constant 2 : i32
    %dma_start3A_144 = arith.constant 1 : i32
    %dma_start3A_145 = arith.constant 1 : i32
    %dma_start3A_146 = arith.constant 0 : i32
    %dma_start3A_147 = arith.constant 0 : i32
    %dma_start3A_148 = tpu.memref_slice %arg8[%dma_start3A_145, %dma_start3A_146, %dma_start3A_147] : memref<2x128x128xf32, #tpu.memory_space<vmem>> -> memref<1x128x128xf32, #tpu.memory_space<vmem>>
    %dma_start3A_149 = tpu.memref_squeeze %dma_start3A_148 : memref<1x128x128xf32, #tpu.memory_space<vmem>> -> memref<128x128xf32, #tpu.memory_space<vmem>>
    %dma_start3A_150 = arith.constant 0 : i32
    %dma_start3A_151 = tpu.memref_slice %arg7[%dma_start3A_143, %dma_start3A_144, %dma_start3A_150] : memref<3x2x128xi32, #tpu.memory_space<vmem>> -> memref<1x1x128xi32, #tpu.memory_space<vmem>>
    %dma_start3A_152 = tpu.memref_squeeze %dma_start3A_151 : memref<1x1x128xi32, #tpu.memory_space<vmem>> -> memref<128xi32, #tpu.memory_space<vmem>>
    %dma_start3A_153 = arith.constant 0 : i32
    %dma_start3A_154 = arith.constant 0 : i32
    %dma_start3A_155 = tpu.memref_slice %arg2[%dma_start3A_153, %dma_start3A_154] : memref<4096x128xf32, #tpu.memory_space<hbm>> -> memref<4096x128xf32, #tpu.memory_space<hbm>>
    tpu.enqueue_indirect_dma source(%dma_start3A_155 : memref<4096x128xf32, #tpu.memory_space<hbm>>) target(%dma_start3A_149 : memref<128x128xf32, #tpu.memory_space<vmem>>) offsets(%dma_start3A_152 : memref<128xi32, #tpu.memory_space<vmem>>) semaphore(%arg10 : memref<!tpu.dma_semaphore, #tpu.memory_space<semaphore_mem>>)
    %dma_wait3A_156 = arith.constant 2 : i32
    %dma_wait3A_157 = arith.constant 0 : i32
    %dma_wait3A_158 = arith.constant 0 : i32
    %dma_wait3A_159 = arith.constant 0 : i32
    %dma_wait3A_160 = arith.constant 0 : i32
    %dma_wait3A_161 = tpu.memref_slice %arg8[%dma_wait3A_158, %dma_wait3A_159, %dma_wait3A_160] : memref<2x128x128xf32, #tpu.memory_space<vmem>> -> memref<1x128x128xf32, #tpu.memory_space<vmem>>
    %dma_wait3A_162 = tpu.memref_squeeze %dma_wait3A_161 : memref<1x128x128xf32, #tpu.memory_space<vmem>> -> memref<128x128xf32, #tpu.memory_space<vmem>>
    %dma_wait3A_163 = arith.constant 0 : i32
    %dma_wait3A_164 = tpu.memref_slice %arg7[%dma_wait3A_156, %dma_wait3A_157, %dma_wait3A_163] : memref<3x2x128xi32, #tpu.memory_space<vmem>> -> memref<1x1x128xi32, #tpu.memory_space<vmem>>
    %dma_wait3A_165 = tpu.memref_squeeze %dma_wait3A_164 : memref<1x1x128xi32, #tpu.memory_space<vmem>> -> memref<128xi32, #tpu.memory_space<vmem>>
    %dma_wait3A_166 = arith.constant 0 : i32
    %dma_wait3A_167 = arith.constant 0 : i32
    %dma_wait3A_168 = tpu.memref_slice %arg2[%dma_wait3A_166, %dma_wait3A_167] : memref<4096x128xf32, #tpu.memory_space<hbm>> -> memref<4096x128xf32, #tpu.memory_space<hbm>>
    tpu.wait_indirect_dma semaphore(%arg9 : memref<!tpu.dma_semaphore, #tpu.memory_space<semaphore_mem>>) src(%dma_wait3A_168 : memref<4096x128xf32, #tpu.memory_space<hbm>>) dst(%dma_wait3A_162 : memref<128x128xf32, #tpu.memory_space<vmem>>)
    %add3A_169 = arith.constant 0 : i32
    %add3A_170 = arith.addi %mul3A_2, %add3A_169 : i32
    %mul3A_171 = arith.constant 128 : i32
    %mul3A_172 = arith.muli %add3A_170, %mul3A_171 : i32
    %run_scoped3A_173 = arith.constant 0 : i32
    "tpu.region"() ({
      %run_scoped3A_192 = tpu.sem_alloc : memref<!tpu.dma_semaphore, #tpu.memory_space<semaphore_mem>>
      %dma_start3A_193 = arith.constant 0 : i32
      %dma_start3A_194 = arith.constant 0 : i32
      %dma_start3A_195 = tpu.memref_slice %arg8[%run_scoped3A_173, %dma_start3A_193, %dma_start3A_194] : memref<2x128x128xf32, #tpu.memory_space<vmem>> -> memref<1x128x128xf32, #tpu.memory_space<vmem>>
      %dma_start3A_196 = tpu.memref_squeeze %dma_start3A_195 : memref<1x128x128xf32, #tpu.memory_space<vmem>> -> memref<128x128xf32, #tpu.memory_space<vmem>>
      %dma_start3A_197 = arith.constant 0 : i32
      %dma_start3A_198 = tpu.memref_slice %arg6[%mul3A_172, %dma_start3A_197] : memref<8192x128xf32, #tpu.memory_space<hbm>> -> memref<128x128xf32, #tpu.memory_space<hbm>>
      %dma_start3A_199 = arith.constant 0 : i32
      %dma_start3A_200 = tpu.memref_slice %arg6[%mul3A_172, %dma_start3A_199] : memref<8192x128xf32, #tpu.memory_space<hbm>> -> memref<128x128xf32, #tpu.memory_space<hbm>>
      %dma_start3A_201 = arith.constant 0 : i32
      %dma_start3A_202 = arith.constant 0 : i32
      %dma_start3A_203 = tpu.memref_slice %arg8[%run_scoped3A_173, %dma_start3A_201, %dma_start3A_202] : memref<2x128x128xf32, #tpu.memory_space<vmem>> -> memref<1x128x128xf32, #tpu.memory_space<vmem>>
      %dma_start3A_204 = tpu.memref_squeeze %dma_start3A_203 : memref<1x128x128xf32, #tpu.memory_space<vmem>> -> memref<128x128xf32, #tpu.memory_space<vmem>>
      tpu.enqueue_dma source(%dma_start3A_204 : memref<128x128xf32, #tpu.memory_space<vmem>>) target(%dma_start3A_200 : memref<128x128xf32, #tpu.memory_space<hbm>>) target_semaphore(%run_scoped3A_192 : memref<!tpu.dma_semaphore, #tpu.memory_space<semaphore_mem>>)
      %dma_wait3A_205 = arith.constant 0 : i32
      %dma_wait3A_206 = arith.constant 0 : i32
      %dma_wait3A_207 = tpu.memref_slice %arg8[%run_scoped3A_173, %dma_wait3A_205, %dma_wait3A_206] : memref<2x128x128xf32, #tpu.memory_space<vmem>> -> memref<1x128x128xf32, #tpu.memory_space<vmem>>
      %dma_wait3A_208 = tpu.memref_squeeze %dma_wait3A_207 : memref<1x128x128xf32, #tpu.memory_space<vmem>> -> memref<128x128xf32, #tpu.memory_space<vmem>>
      %dma_wait3A_209 = arith.constant 0 : i32
      %dma_wait3A_210 = tpu.memref_slice %arg6[%mul3A_172, %dma_wait3A_209] : memref<8192x128xf32, #tpu.memory_space<hbm>> -> memref<128x128xf32, #tpu.memory_space<hbm>>
      %dma_wait3A_211 = arith.constant 0 : i32
      %dma_wait3A_212 = tpu.memref_slice %arg6[%mul3A_172, %dma_wait3A_211] : memref<8192x128xf32, #tpu.memory_space<hbm>> -> memref<128x128xf32, #tpu.memory_space<hbm>>
      %dma_wait3A_213 = arith.constant 0 : i32
      %dma_wait3A_214 = arith.constant 0 : i32
      %dma_wait3A_215 = tpu.memref_slice %arg8[%run_scoped3A_173, %dma_wait3A_213, %dma_wait3A_214] : memref<2x128x128xf32, #tpu.memory_space<vmem>> -> memref<1x128x128xf32, #tpu.memory_space<vmem>>
      %dma_wait3A_216 = tpu.memref_squeeze %dma_wait3A_215 : memref<1x128x128xf32, #tpu.memory_space<vmem>> -> memref<128x128xf32, #tpu.memory_space<vmem>>
      tpu.wait_dma2 semaphore(%run_scoped3A_192 : memref<!tpu.dma_semaphore, #tpu.memory_space<semaphore_mem>>) src(%dma_wait3A_216 : memref<128x128xf32, #tpu.memory_space<vmem>>) dst(%dma_wait3A_212 : memref<128x128xf32, #tpu.memory_space<hbm>>)
      tpu.yield
    }) : () -> ()
    %dma_wait3A_174 = arith.constant 2 : i32
    %dma_wait3A_175 = arith.constant 1 : i32
    %dma_wait3A_176 = arith.constant 1 : i32
    %dma_wait3A_177 = arith.constant 0 : i32
    %dma_wait3A_178 = arith.constant 0 : i32
    %dma_wait3A_179 = tpu.memref_slice %arg8[%dma_wait3A_176, %dma_wait3A_177, %dma_wait3A_178] : memref<2x128x128xf32, #tpu.memory_space<vmem>> -> memref<1x128x128xf32, #tpu.memory_space<vmem>>
    %dma_wait3A_180 = tpu.memref_squeeze %dma_wait3A_179 : memref<1x128x128xf32, #tpu.memory_space<vmem>> -> memref<128x128xf32, #tpu.memory_space<vmem>>
    %dma_wait3A_181 = arith.constant 0 : i32
    %dma_wait3A_182 = tpu.memref_slice %arg7[%dma_wait3A_174, %dma_wait3A_175, %dma_wait3A_181] : memref<3x2x128xi32, #tpu.memory_space<vmem>> -> memref<1x1x128xi32, #tpu.memory_space<vmem>>
    %dma_wait3A_183 = tpu.memref_squeeze %dma_wait3A_182 : memref<1x1x128xi32, #tpu.memory_space<vmem>> -> memref<128xi32, #tpu.memory_space<vmem>>
    %dma_wait3A_184 = arith.constant 0 : i32
    %dma_wait3A_185 = arith.constant 0 : i32
    %dma_wait3A_186 = tpu.memref_slice %arg2[%dma_wait3A_184, %dma_wait3A_185] : memref<4096x128xf32, #tpu.memory_space<hbm>> -> memref<4096x128xf32, #tpu.memory_space<hbm>>
    tpu.wait_indirect_dma semaphore(%arg10 : memref<!tpu.dma_semaphore, #tpu.memory_space<semaphore_mem>>) src(%dma_wait3A_186 : memref<4096x128xf32, #tpu.memory_space<hbm>>) dst(%dma_wait3A_180 : memref<128x128xf32, #tpu.memory_space<vmem>>)
    %add3A_187 = arith.constant 1 : i32
    %add3A_188 = arith.addi %mul3A_2, %add3A_187 : i32
    %mul3A_189 = arith.constant 128 : i32
    %mul3A_190 = arith.muli %add3A_188, %mul3A_189 : i32
    %run_scoped3A_191 = arith.constant 1 : i32
    "tpu.region"() ({
      %run_scoped3A_192 = tpu.sem_alloc : memref<!tpu.dma_semaphore, #tpu.memory_space<semaphore_mem>>
      %dma_start3A_193 = arith.constant 0 : i32
      %dma_start3A_194 = arith.constant 0 : i32
      %dma_start3A_195 = tpu.memref_slice %arg8[%run_scoped3A_191, %dma_start3A_193, %dma_start3A_194] : memref<2x128x128xf32, #tpu.memory_space<vmem>> -> memref<1x128x128xf32, #tpu.memory_space<vmem>>
      %dma_start3A_196 = tpu.memref_squeeze %dma_start3A_195 : memref<1x128x128xf32, #tpu.memory_space<vmem>> -> memref<128x128xf32, #tpu.memory_space<vmem>>
      %dma_start3A_197 = arith.constant 0 : i32
      %dma_start3A_198 = tpu.memref_slice %arg6[%mul3A_190, %dma_start3A_197] : memref<8192x128xf32, #tpu.memory_space<hbm>> -> memref<128x128xf32, #tpu.memory_space<hbm>>
      %dma_start3A_199 = arith.constant 0 : i32
      %dma_start3A_200 = tpu.memref_slice %arg6[%mul3A_190, %dma_start3A_199] : memref<8192x128xf32, #tpu.memory_space<hbm>> -> memref<128x128xf32, #tpu.memory_space<hbm>>
      %dma_start3A_201 = arith.constant 0 : i32
      %dma_start3A_202 = arith.constant 0 : i32
      %dma_start3A_203 = tpu.memref_slice %arg8[%run_scoped3A_191, %dma_start3A_201, %dma_start3A_202] : memref<2x128x128xf32, #tpu.memory_space<vmem>> -> memref<1x128x128xf32, #tpu.memory_space<vmem>>
      %dma_start3A_204 = tpu.memref_squeeze %dma_start3A_203 : memref<1x128x128xf32, #tpu.memory_space<vmem>> -> memref<128x128xf32, #tpu.memory_space<vmem>>
      tpu.enqueue_dma source(%dma_start3A_204 : memref<128x128xf32, #tpu.memory_space<vmem>>) target(%dma_start3A_200 : memref<128x128xf32, #tpu.memory_space<hbm>>) target_semaphore(%run_scoped3A_192 : memref<!tpu.dma_semaphore, #tpu.memory_space<semaphore_mem>>)
      %dma_wait3A_205 = arith.constant 0 : i32
      %dma_wait3A_206 = arith.constant 0 : i32
      %dma_wait3A_207 = tpu.memref_slice %arg8[%run_scoped3A_191, %dma_wait3A_205, %dma_wait3A_206] : memref<2x128x128xf32, #tpu.memory_space<vmem>> -> memref<1x128x128xf32, #tpu.memory_space<vmem>>
      %dma_wait3A_208 = tpu.memref_squeeze %dma_wait3A_207 : memref<1x128x128xf32, #tpu.memory_space<vmem>> -> memref<128x128xf32, #tpu.memory_space<vmem>>
      %dma_wait3A_209 = arith.constant 0 : i32
      %dma_wait3A_210 = tpu.memref_slice %arg6[%mul3A_190, %dma_wait3A_209] : memref<8192x128xf32, #tpu.memory_space<hbm>> -> memref<128x128xf32, #tpu.memory_space<hbm>>
      %dma_wait3A_211 = arith.constant 0 : i32
      %dma_wait3A_212 = tpu.memref_slice %arg6[%mul3A_190, %dma_wait3A_211] : memref<8192x128xf32, #tpu.memory_space<hbm>> -> memref<128x128xf32, #tpu.memory_space<hbm>>
      %dma_wait3A_213 = arith.constant 0 : i32
      %dma_wait3A_214 = arith.constant 0 : i32
      %dma_wait3A_215 = tpu.memref_slice %arg8[%run_scoped3A_191, %dma_wait3A_213, %dma_wait3A_214] : memref<2x128x128xf32, #tpu.memory_space<vmem>> -> memref<1x128x128xf32, #tpu.memory_space<vmem>>
      %dma_wait3A_216 = tpu.memref_squeeze %dma_wait3A_215 : memref<1x128x128xf32, #tpu.memory_space<vmem>> -> memref<128x128xf32, #tpu.memory_space<vmem>>
      tpu.wait_dma2 semaphore(%run_scoped3A_192 : memref<!tpu.dma_semaphore, #tpu.memory_space<semaphore_mem>>) src(%dma_wait3A_216 : memref<128x128xf32, #tpu.memory_space<vmem>>) dst(%dma_wait3A_212 : memref<128x128xf32, #tpu.memory_space<hbm>>)
      tpu.yield
    }) : () -> ()
    return
  }
}

module attributes {stable_mosaic.version = 14 : i64} {
  func.func @topk_body(%arg0: i32, %arg1: memref<1024x3xf32, #tpu.memory_space<vmem>>, %arg2: memref<4096x3xf32, #tpu.memory_space<vmem>>, %arg3: memref<1x4096xf32, #tpu.memory_space<vmem>>, %arg4: memref<8x1024xi32, #tpu.memory_space<vmem>>, %arg5: memref<1024x8xf32, #tpu.memory_space<vmem>>) attributes {dimension_semantics = [#tpu.dimension_semantics<arbitrary>], iteration_bounds = array<i64: 8>, scalar_prefetch = 0 : i64, scratch_operands = 0 : i64, tpu.core_type = #tpu.core_type<tc>, window_params = [{transform_indices = @transform_0, window_bounds = array<i64: 1024, 3>}, {pipeline_mode = #tpu.pipeline_mode<synchronous>, transform_indices = @transform_1, window_bounds = array<i64: 4096, 3>}, {pipeline_mode = #tpu.pipeline_mode<synchronous>, transform_indices = @transform_2, window_bounds = array<i64: 1, 4096>}, {transform_indices = @transform_3, window_bounds = array<i64: 8, 1024>}, {transform_indices = @transform_4, window_bounds = array<i64: 1024, 8>}]} {
    %get3A = arith.constant 0 : index
    %get3A_0 = arith.constant 0 : index
    %get3A_1 = vector.load %arg1[%get3A, %get3A_0] : memref<1024x3xf32, #tpu.memory_space<vmem>>, vector<1024x3xf32>
    %get3A_2 = arith.constant 0 : index
    %get3A_3 = arith.constant 0 : index
    %get3A_4 = vector.load %arg2[%get3A_2, %get3A_3] : memref<4096x3xf32, #tpu.memory_space<vmem>>, vector<4096x3xf32>
    %get3A_5 = arith.constant 0 : index
    %get3A_6 = arith.constant 0 : index
    %get3A_7 = vector.load %arg3[%get3A_5, %get3A_6] : memref<1x4096xf32, #tpu.memory_space<vmem>>, vector<1x4096xf32>
    %dot_general3A = arith.constant dense<0.000000e+00> : vector<1024x4096xf32>
    %dot_general3A_8 = tpu.matmul %get3A_1, %get3A_4, %dot_general3A {dimension_numbers = #tpu.dot_dimension_numbers<[1], [1], [0], [0], [0, 0, 1, 0], [], []>, transpose_lhs_hint = false} : vector<1024x3xf32>, vector<4096x3xf32>, vector<1024x4096xf32> -> vector<1024x4096xf32>
    %mul3A = arith.mulf %get3A_1, %get3A_1 : vector<1024x3xf32>
    %reduce_sum3A = arith.constant dense<0.000000e+00> : vector<1024xf32>
    %reduce_sum3A_9 = vector.multi_reduction <add>, %mul3A, %reduce_sum3A [1] : vector<1024x3xf32> to vector<1024xf32>
    %broadcast_in_dim3A = vector.shape_cast %reduce_sum3A_9 : vector<1024xf32> to vector<1024x1xf32>
    %add3A = vector.broadcast %broadcast_in_dim3A : vector<1024x1xf32> to vector<1024x4096xf32>
    %add3A_10 = vector.broadcast %get3A_7 : vector<1x4096xf32> to vector<1024x4096xf32>
    %add3A_11 = arith.addf %add3A, %add3A_10 : vector<1024x4096xf32>
    %mul3A_12 = arith.constant 2.000000e+00 : f32
    %mul3A_13 = vector.broadcast %mul3A_12 : f32 to vector<1024x4096xf32>
    %mul3A_14 = arith.mulf %mul3A_13, %dot_general3A_8 : vector<1024x4096xf32>
    %sub3A = arith.subf %add3A_11, %mul3A_14 : vector<1024x4096xf32>
    %iota3A = tpu.iota {dimensions = array<i32: 1>} : vector<1x128xi32>
    %convert_element_type3A = arith.sitofp %iota3A : vector<1x128xi32> to vector<1x128xf32>
    %slice3A = vector.extract_strided_slice %sub3A {offsets = [0, 0], sizes = [1024, 128], strides = [1, 1]} : vector<1024x4096xf32> to vector<1024x128xf32>
    %broadcast_in_dim3A_15 = arith.constant 0.000000e+00 : f32
    %broadcast_in_dim3A_16 = vector.broadcast %broadcast_in_dim3A_15 : f32 to vector<1024x128xf32>
    %broadcast_in_dim3A_17 = arith.constant 0x7F800000 : f32
    %broadcast_in_dim3A_18 = vector.broadcast %broadcast_in_dim3A_17 : f32 to vector<1024x128xf32>
    %broadcast_in_dim3A_19 = arith.constant 0.000000e+00 : f32
    %broadcast_in_dim3A_20 = vector.broadcast %broadcast_in_dim3A_19 : f32 to vector<1024x128xf32>
    %slice3A_21 = vector.extract_strided_slice %sub3A {offsets = [0, 128], sizes = [1024, 128], strides = [1, 1]} : vector<1024x4096xf32> to vector<1024x128xf32>
    %lt3A = arith.cmpf olt, %slice3A_21, %slice3A : vector<1024x128xf32>
    %max3A = arith.maximumf %slice3A, %slice3A_21 : vector<1024x128xf32>
    %jit3A = arith.constant 1.000000e+00 : f32
    %broadcast_in_dim3A_22 = vector.broadcast %jit3A : f32 to vector<1024x128xf32>
    %select_n3A = arith.select %lt3A, %broadcast_in_dim3A_16, %broadcast_in_dim3A_22 : vector<1024x128xi1>, vector<1024x128xf32>
    %min3A = arith.minimumf %slice3A, %slice3A_21 : vector<1024x128xf32>
    %jit3A_23 = arith.constant 1.000000e+00 : f32
    %broadcast_in_dim3A_24 = vector.broadcast %jit3A_23 : f32 to vector<1024x128xf32>
    %select_n3A_25 = arith.select %lt3A, %broadcast_in_dim3A_24, %broadcast_in_dim3A_16 : vector<1024x128xi1>, vector<1024x128xf32>
    %lt3A_26 = arith.cmpf olt, %max3A, %broadcast_in_dim3A_18 : vector<1024x128xf32>
    %select_n3A_27 = arith.select %lt3A_26, %select_n3A, %broadcast_in_dim3A_20 : vector<1024x128xi1>, vector<1024x128xf32>
    %min3A_28 = arith.minimumf %broadcast_in_dim3A_18, %max3A : vector<1024x128xf32>
    %slice3A_29 = vector.extract_strided_slice %sub3A {offsets = [0, 256], sizes = [1024, 128], strides = [1, 1]} : vector<1024x4096xf32> to vector<1024x128xf32>
    %lt3A_30 = arith.cmpf olt, %slice3A_29, %min3A : vector<1024x128xf32>
    %max3A_31 = arith.maximumf %min3A, %slice3A_29 : vector<1024x128xf32>
    %jit3A_32 = arith.constant 2.000000e+00 : f32
    %broadcast_in_dim3A_33 = vector.broadcast %jit3A_32 : f32 to vector<1024x128xf32>
    %select_n3A_34 = arith.select %lt3A_30, %select_n3A_25, %broadcast_in_dim3A_33 : vector<1024x128xi1>, vector<1024x128xf32>
    %min3A_35 = arith.minimumf %min3A, %slice3A_29 : vector<1024x128xf32>
    %jit3A_36 = arith.constant 2.000000e+00 : f32
    %broadcast_in_dim3A_37 = vector.broadcast %jit3A_36 : f32 to vector<1024x128xf32>
    %select_n3A_38 = arith.select %lt3A_30, %broadcast_in_dim3A_37, %select_n3A_25 : vector<1024x128xi1>, vector<1024x128xf32>
    %lt3A_39 = arith.cmpf olt, %max3A_31, %min3A_28 : vector<1024x128xf32>
    %select_n3A_40 = arith.select %lt3A_39, %select_n3A_34, %select_n3A_27 : vector<1024x128xi1>, vector<1024x128xf32>
    %min3A_41 = arith.minimumf %min3A_28, %max3A_31 : vector<1024x128xf32>
    %slice3A_42 = vector.extract_strided_slice %sub3A {offsets = [0, 384], sizes = [1024, 128], strides = [1, 1]} : vector<1024x4096xf32> to vector<1024x128xf32>
    %lt3A_43 = arith.cmpf olt, %slice3A_42, %min3A_35 : vector<1024x128xf32>
    %max3A_44 = arith.maximumf %min3A_35, %slice3A_42 : vector<1024x128xf32>
    %jit3A_45 = arith.constant 3.000000e+00 : f32
    %broadcast_in_dim3A_46 = vector.broadcast %jit3A_45 : f32 to vector<1024x128xf32>
    %select_n3A_47 = arith.select %lt3A_43, %select_n3A_38, %broadcast_in_dim3A_46 : vector<1024x128xi1>, vector<1024x128xf32>
    %min3A_48 = arith.minimumf %min3A_35, %slice3A_42 : vector<1024x128xf32>
    %jit3A_49 = arith.constant 3.000000e+00 : f32
    %broadcast_in_dim3A_50 = vector.broadcast %jit3A_49 : f32 to vector<1024x128xf32>
    %select_n3A_51 = arith.select %lt3A_43, %broadcast_in_dim3A_50, %select_n3A_38 : vector<1024x128xi1>, vector<1024x128xf32>
    %lt3A_52 = arith.cmpf olt, %max3A_44, %min3A_41 : vector<1024x128xf32>
    %select_n3A_53 = arith.select %lt3A_52, %select_n3A_47, %select_n3A_40 : vector<1024x128xi1>, vector<1024x128xf32>
    %min3A_54 = arith.minimumf %min3A_41, %max3A_44 : vector<1024x128xf32>
    %slice3A_55 = vector.extract_strided_slice %sub3A {offsets = [0, 512], sizes = [1024, 128], strides = [1, 1]} : vector<1024x4096xf32> to vector<1024x128xf32>
    %lt3A_56 = arith.cmpf olt, %slice3A_55, %min3A_48 : vector<1024x128xf32>
    %max3A_57 = arith.maximumf %min3A_48, %slice3A_55 : vector<1024x128xf32>
    %jit3A_58 = arith.constant 4.000000e+00 : f32
    %broadcast_in_dim3A_59 = vector.broadcast %jit3A_58 : f32 to vector<1024x128xf32>
    %select_n3A_60 = arith.select %lt3A_56, %select_n3A_51, %broadcast_in_dim3A_59 : vector<1024x128xi1>, vector<1024x128xf32>
    %min3A_61 = arith.minimumf %min3A_48, %slice3A_55 : vector<1024x128xf32>
    %jit3A_62 = arith.constant 4.000000e+00 : f32
    %broadcast_in_dim3A_63 = vector.broadcast %jit3A_62 : f32 to vector<1024x128xf32>
    %select_n3A_64 = arith.select %lt3A_56, %broadcast_in_dim3A_63, %select_n3A_51 : vector<1024x128xi1>, vector<1024x128xf32>
    %lt3A_65 = arith.cmpf olt, %max3A_57, %min3A_54 : vector<1024x128xf32>
    %select_n3A_66 = arith.select %lt3A_65, %select_n3A_60, %select_n3A_53 : vector<1024x128xi1>, vector<1024x128xf32>
    %min3A_67 = arith.minimumf %min3A_54, %max3A_57 : vector<1024x128xf32>
    %slice3A_68 = vector.extract_strided_slice %sub3A {offsets = [0, 640], sizes = [1024, 128], strides = [1, 1]} : vector<1024x4096xf32> to vector<1024x128xf32>
    %lt3A_69 = arith.cmpf olt, %slice3A_68, %min3A_61 : vector<1024x128xf32>
    %max3A_70 = arith.maximumf %min3A_61, %slice3A_68 : vector<1024x128xf32>
    %jit3A_71 = arith.constant 5.000000e+00 : f32
    %broadcast_in_dim3A_72 = vector.broadcast %jit3A_71 : f32 to vector<1024x128xf32>
    %select_n3A_73 = arith.select %lt3A_69, %select_n3A_64, %broadcast_in_dim3A_72 : vector<1024x128xi1>, vector<1024x128xf32>
    %min3A_74 = arith.minimumf %min3A_61, %slice3A_68 : vector<1024x128xf32>
    %jit3A_75 = arith.constant 5.000000e+00 : f32
    %broadcast_in_dim3A_76 = vector.broadcast %jit3A_75 : f32 to vector<1024x128xf32>
    %select_n3A_77 = arith.select %lt3A_69, %broadcast_in_dim3A_76, %select_n3A_64 : vector<1024x128xi1>, vector<1024x128xf32>
    %lt3A_78 = arith.cmpf olt, %max3A_70, %min3A_67 : vector<1024x128xf32>
    %select_n3A_79 = arith.select %lt3A_78, %select_n3A_73, %select_n3A_66 : vector<1024x128xi1>, vector<1024x128xf32>
    %min3A_80 = arith.minimumf %min3A_67, %max3A_70 : vector<1024x128xf32>
    %slice3A_81 = vector.extract_strided_slice %sub3A {offsets = [0, 768], sizes = [1024, 128], strides = [1, 1]} : vector<1024x4096xf32> to vector<1024x128xf32>
    %lt3A_82 = arith.cmpf olt, %slice3A_81, %min3A_74 : vector<1024x128xf32>
    %max3A_83 = arith.maximumf %min3A_74, %slice3A_81 : vector<1024x128xf32>
    %jit3A_84 = arith.constant 6.000000e+00 : f32
    %broadcast_in_dim3A_85 = vector.broadcast %jit3A_84 : f32 to vector<1024x128xf32>
    %select_n3A_86 = arith.select %lt3A_82, %select_n3A_77, %broadcast_in_dim3A_85 : vector<1024x128xi1>, vector<1024x128xf32>
    %min3A_87 = arith.minimumf %min3A_74, %slice3A_81 : vector<1024x128xf32>
    %jit3A_88 = arith.constant 6.000000e+00 : f32
    %broadcast_in_dim3A_89 = vector.broadcast %jit3A_88 : f32 to vector<1024x128xf32>
    %select_n3A_90 = arith.select %lt3A_82, %broadcast_in_dim3A_89, %select_n3A_77 : vector<1024x128xi1>, vector<1024x128xf32>
    %lt3A_91 = arith.cmpf olt, %max3A_83, %min3A_80 : vector<1024x128xf32>
    %select_n3A_92 = arith.select %lt3A_91, %select_n3A_86, %select_n3A_79 : vector<1024x128xi1>, vector<1024x128xf32>
    %min3A_93 = arith.minimumf %min3A_80, %max3A_83 : vector<1024x128xf32>
    %slice3A_94 = vector.extract_strided_slice %sub3A {offsets = [0, 896], sizes = [1024, 128], strides = [1, 1]} : vector<1024x4096xf32> to vector<1024x128xf32>
    %lt3A_95 = arith.cmpf olt, %slice3A_94, %min3A_87 : vector<1024x128xf32>
    %max3A_96 = arith.maximumf %min3A_87, %slice3A_94 : vector<1024x128xf32>
    %jit3A_97 = arith.constant 7.000000e+00 : f32
    %broadcast_in_dim3A_98 = vector.broadcast %jit3A_97 : f32 to vector<1024x128xf32>
    %select_n3A_99 = arith.select %lt3A_95, %select_n3A_90, %broadcast_in_dim3A_98 : vector<1024x128xi1>, vector<1024x128xf32>
    %min3A_100 = arith.minimumf %min3A_87, %slice3A_94 : vector<1024x128xf32>
    %jit3A_101 = arith.constant 7.000000e+00 : f32
    %broadcast_in_dim3A_102 = vector.broadcast %jit3A_101 : f32 to vector<1024x128xf32>
    %select_n3A_103 = arith.select %lt3A_95, %broadcast_in_dim3A_102, %select_n3A_90 : vector<1024x128xi1>, vector<1024x128xf32>
    %lt3A_104 = arith.cmpf olt, %max3A_96, %min3A_93 : vector<1024x128xf32>
    %select_n3A_105 = arith.select %lt3A_104, %select_n3A_99, %select_n3A_92 : vector<1024x128xi1>, vector<1024x128xf32>
    %min3A_106 = arith.minimumf %min3A_93, %max3A_96 : vector<1024x128xf32>
    %slice3A_107 = vector.extract_strided_slice %sub3A {offsets = [0, 1024], sizes = [1024, 128], strides = [1, 1]} : vector<1024x4096xf32> to vector<1024x128xf32>
    %lt3A_108 = arith.cmpf olt, %slice3A_107, %min3A_100 : vector<1024x128xf32>
    %max3A_109 = arith.maximumf %min3A_100, %slice3A_107 : vector<1024x128xf32>
    %jit3A_110 = arith.constant 8.000000e+00 : f32
    %broadcast_in_dim3A_111 = vector.broadcast %jit3A_110 : f32 to vector<1024x128xf32>
    %select_n3A_112 = arith.select %lt3A_108, %select_n3A_103, %broadcast_in_dim3A_111 : vector<1024x128xi1>, vector<1024x128xf32>
    %min3A_113 = arith.minimumf %min3A_100, %slice3A_107 : vector<1024x128xf32>
    %jit3A_114 = arith.constant 8.000000e+00 : f32
    %broadcast_in_dim3A_115 = vector.broadcast %jit3A_114 : f32 to vector<1024x128xf32>
    %select_n3A_116 = arith.select %lt3A_108, %broadcast_in_dim3A_115, %select_n3A_103 : vector<1024x128xi1>, vector<1024x128xf32>
    %lt3A_117 = arith.cmpf olt, %max3A_109, %min3A_106 : vector<1024x128xf32>
    %select_n3A_118 = arith.select %lt3A_117, %select_n3A_112, %select_n3A_105 : vector<1024x128xi1>, vector<1024x128xf32>
    %min3A_119 = arith.minimumf %min3A_106, %max3A_109 : vector<1024x128xf32>
    %slice3A_120 = vector.extract_strided_slice %sub3A {offsets = [0, 1152], sizes = [1024, 128], strides = [1, 1]} : vector<1024x4096xf32> to vector<1024x128xf32>
    %lt3A_121 = arith.cmpf olt, %slice3A_120, %min3A_113 : vector<1024x128xf32>
    %max3A_122 = arith.maximumf %min3A_113, %slice3A_120 : vector<1024x128xf32>
    %jit3A_123 = arith.constant 9.000000e+00 : f32
    %broadcast_in_dim3A_124 = vector.broadcast %jit3A_123 : f32 to vector<1024x128xf32>
    %select_n3A_125 = arith.select %lt3A_121, %select_n3A_116, %broadcast_in_dim3A_124 : vector<1024x128xi1>, vector<1024x128xf32>
    %min3A_126 = arith.minimumf %min3A_113, %slice3A_120 : vector<1024x128xf32>
    %jit3A_127 = arith.constant 9.000000e+00 : f32
    %broadcast_in_dim3A_128 = vector.broadcast %jit3A_127 : f32 to vector<1024x128xf32>
    %select_n3A_129 = arith.select %lt3A_121, %broadcast_in_dim3A_128, %select_n3A_116 : vector<1024x128xi1>, vector<1024x128xf32>
    %lt3A_130 = arith.cmpf olt, %max3A_122, %min3A_119 : vector<1024x128xf32>
    %select_n3A_131 = arith.select %lt3A_130, %select_n3A_125, %select_n3A_118 : vector<1024x128xi1>, vector<1024x128xf32>
    %min3A_132 = arith.minimumf %min3A_119, %max3A_122 : vector<1024x128xf32>
    %slice3A_133 = vector.extract_strided_slice %sub3A {offsets = [0, 1280], sizes = [1024, 128], strides = [1, 1]} : vector<1024x4096xf32> to vector<1024x128xf32>
    %lt3A_134 = arith.cmpf olt, %slice3A_133, %min3A_126 : vector<1024x128xf32>
    %max3A_135 = arith.maximumf %min3A_126, %slice3A_133 : vector<1024x128xf32>
    %jit3A_136 = arith.constant 1.000000e+01 : f32
    %broadcast_in_dim3A_137 = vector.broadcast %jit3A_136 : f32 to vector<1024x128xf32>
    %select_n3A_138 = arith.select %lt3A_134, %select_n3A_129, %broadcast_in_dim3A_137 : vector<1024x128xi1>, vector<1024x128xf32>
    %min3A_139 = arith.minimumf %min3A_126, %slice3A_133 : vector<1024x128xf32>
    %jit3A_140 = arith.constant 1.000000e+01 : f32
    %broadcast_in_dim3A_141 = vector.broadcast %jit3A_140 : f32 to vector<1024x128xf32>
    %select_n3A_142 = arith.select %lt3A_134, %broadcast_in_dim3A_141, %select_n3A_129 : vector<1024x128xi1>, vector<1024x128xf32>
    %lt3A_143 = arith.cmpf olt, %max3A_135, %min3A_132 : vector<1024x128xf32>
    %select_n3A_144 = arith.select %lt3A_143, %select_n3A_138, %select_n3A_131 : vector<1024x128xi1>, vector<1024x128xf32>
    %min3A_145 = arith.minimumf %min3A_132, %max3A_135 : vector<1024x128xf32>
    %slice3A_146 = vector.extract_strided_slice %sub3A {offsets = [0, 1408], sizes = [1024, 128], strides = [1, 1]} : vector<1024x4096xf32> to vector<1024x128xf32>
    %lt3A_147 = arith.cmpf olt, %slice3A_146, %min3A_139 : vector<1024x128xf32>
    %max3A_148 = arith.maximumf %min3A_139, %slice3A_146 : vector<1024x128xf32>
    %jit3A_149 = arith.constant 1.100000e+01 : f32
    %broadcast_in_dim3A_150 = vector.broadcast %jit3A_149 : f32 to vector<1024x128xf32>
    %select_n3A_151 = arith.select %lt3A_147, %select_n3A_142, %broadcast_in_dim3A_150 : vector<1024x128xi1>, vector<1024x128xf32>
    %min3A_152 = arith.minimumf %min3A_139, %slice3A_146 : vector<1024x128xf32>
    %jit3A_153 = arith.constant 1.100000e+01 : f32
    %broadcast_in_dim3A_154 = vector.broadcast %jit3A_153 : f32 to vector<1024x128xf32>
    %select_n3A_155 = arith.select %lt3A_147, %broadcast_in_dim3A_154, %select_n3A_142 : vector<1024x128xi1>, vector<1024x128xf32>
    %lt3A_156 = arith.cmpf olt, %max3A_148, %min3A_145 : vector<1024x128xf32>
    %select_n3A_157 = arith.select %lt3A_156, %select_n3A_151, %select_n3A_144 : vector<1024x128xi1>, vector<1024x128xf32>
    %min3A_158 = arith.minimumf %min3A_145, %max3A_148 : vector<1024x128xf32>
    %slice3A_159 = vector.extract_strided_slice %sub3A {offsets = [0, 1536], sizes = [1024, 128], strides = [1, 1]} : vector<1024x4096xf32> to vector<1024x128xf32>
    %lt3A_160 = arith.cmpf olt, %slice3A_159, %min3A_152 : vector<1024x128xf32>
    %max3A_161 = arith.maximumf %min3A_152, %slice3A_159 : vector<1024x128xf32>
    %jit3A_162 = arith.constant 1.200000e+01 : f32
    %broadcast_in_dim3A_163 = vector.broadcast %jit3A_162 : f32 to vector<1024x128xf32>
    %select_n3A_164 = arith.select %lt3A_160, %select_n3A_155, %broadcast_in_dim3A_163 : vector<1024x128xi1>, vector<1024x128xf32>
    %min3A_165 = arith.minimumf %min3A_152, %slice3A_159 : vector<1024x128xf32>
    %jit3A_166 = arith.constant 1.200000e+01 : f32
    %broadcast_in_dim3A_167 = vector.broadcast %jit3A_166 : f32 to vector<1024x128xf32>
    %select_n3A_168 = arith.select %lt3A_160, %broadcast_in_dim3A_167, %select_n3A_155 : vector<1024x128xi1>, vector<1024x128xf32>
    %lt3A_169 = arith.cmpf olt, %max3A_161, %min3A_158 : vector<1024x128xf32>
    %select_n3A_170 = arith.select %lt3A_169, %select_n3A_164, %select_n3A_157 : vector<1024x128xi1>, vector<1024x128xf32>
    %min3A_171 = arith.minimumf %min3A_158, %max3A_161 : vector<1024x128xf32>
    %slice3A_172 = vector.extract_strided_slice %sub3A {offsets = [0, 1664], sizes = [1024, 128], strides = [1, 1]} : vector<1024x4096xf32> to vector<1024x128xf32>
    %lt3A_173 = arith.cmpf olt, %slice3A_172, %min3A_165 : vector<1024x128xf32>
    %max3A_174 = arith.maximumf %min3A_165, %slice3A_172 : vector<1024x128xf32>
    %jit3A_175 = arith.constant 1.300000e+01 : f32
    %broadcast_in_dim3A_176 = vector.broadcast %jit3A_175 : f32 to vector<1024x128xf32>
    %select_n3A_177 = arith.select %lt3A_173, %select_n3A_168, %broadcast_in_dim3A_176 : vector<1024x128xi1>, vector<1024x128xf32>
    %min3A_178 = arith.minimumf %min3A_165, %slice3A_172 : vector<1024x128xf32>
    %jit3A_179 = arith.constant 1.300000e+01 : f32
    %broadcast_in_dim3A_180 = vector.broadcast %jit3A_179 : f32 to vector<1024x128xf32>
    %select_n3A_181 = arith.select %lt3A_173, %broadcast_in_dim3A_180, %select_n3A_168 : vector<1024x128xi1>, vector<1024x128xf32>
    %lt3A_182 = arith.cmpf olt, %max3A_174, %min3A_171 : vector<1024x128xf32>
    %select_n3A_183 = arith.select %lt3A_182, %select_n3A_177, %select_n3A_170 : vector<1024x128xi1>, vector<1024x128xf32>
    %min3A_184 = arith.minimumf %min3A_171, %max3A_174 : vector<1024x128xf32>
    %slice3A_185 = vector.extract_strided_slice %sub3A {offsets = [0, 1792], sizes = [1024, 128], strides = [1, 1]} : vector<1024x4096xf32> to vector<1024x128xf32>
    %lt3A_186 = arith.cmpf olt, %slice3A_185, %min3A_178 : vector<1024x128xf32>
    %max3A_187 = arith.maximumf %min3A_178, %slice3A_185 : vector<1024x128xf32>
    %jit3A_188 = arith.constant 1.400000e+01 : f32
    %broadcast_in_dim3A_189 = vector.broadcast %jit3A_188 : f32 to vector<1024x128xf32>
    %select_n3A_190 = arith.select %lt3A_186, %select_n3A_181, %broadcast_in_dim3A_189 : vector<1024x128xi1>, vector<1024x128xf32>
    %min3A_191 = arith.minimumf %min3A_178, %slice3A_185 : vector<1024x128xf32>
    %jit3A_192 = arith.constant 1.400000e+01 : f32
    %broadcast_in_dim3A_193 = vector.broadcast %jit3A_192 : f32 to vector<1024x128xf32>
    %select_n3A_194 = arith.select %lt3A_186, %broadcast_in_dim3A_193, %select_n3A_181 : vector<1024x128xi1>, vector<1024x128xf32>
    %lt3A_195 = arith.cmpf olt, %max3A_187, %min3A_184 : vector<1024x128xf32>
    %select_n3A_196 = arith.select %lt3A_195, %select_n3A_190, %select_n3A_183 : vector<1024x128xi1>, vector<1024x128xf32>
    %min3A_197 = arith.minimumf %min3A_184, %max3A_187 : vector<1024x128xf32>
    %slice3A_198 = vector.extract_strided_slice %sub3A {offsets = [0, 1920], sizes = [1024, 128], strides = [1, 1]} : vector<1024x4096xf32> to vector<1024x128xf32>
    %lt3A_199 = arith.cmpf olt, %slice3A_198, %min3A_191 : vector<1024x128xf32>
    %max3A_200 = arith.maximumf %min3A_191, %slice3A_198 : vector<1024x128xf32>
    %jit3A_201 = arith.constant 1.500000e+01 : f32
    %broadcast_in_dim3A_202 = vector.broadcast %jit3A_201 : f32 to vector<1024x128xf32>
    %select_n3A_203 = arith.select %lt3A_199, %select_n3A_194, %broadcast_in_dim3A_202 : vector<1024x128xi1>, vector<1024x128xf32>
    %min3A_204 = arith.minimumf %min3A_191, %slice3A_198 : vector<1024x128xf32>
    %jit3A_205 = arith.constant 1.500000e+01 : f32
    %broadcast_in_dim3A_206 = vector.broadcast %jit3A_205 : f32 to vector<1024x128xf32>
    %select_n3A_207 = arith.select %lt3A_199, %broadcast_in_dim3A_206, %select_n3A_194 : vector<1024x128xi1>, vector<1024x128xf32>
    %lt3A_208 = arith.cmpf olt, %max3A_200, %min3A_197 : vector<1024x128xf32>
    %select_n3A_209 = arith.select %lt3A_208, %select_n3A_203, %select_n3A_196 : vector<1024x128xi1>, vector<1024x128xf32>
    %min3A_210 = arith.minimumf %min3A_197, %max3A_200 : vector<1024x128xf32>
    %mul3A_211 = arith.constant 1.280000e+02 : f32
    %mul3A_212 = vector.broadcast %mul3A_211 : f32 to vector<1024x128xf32>
    %mul3A_213 = arith.mulf %select_n3A_207, %mul3A_212 : vector<1024x128xf32>
    %add3A_214 = vector.broadcast %convert_element_type3A : vector<1x128xf32> to vector<1024x128xf32>
    %add3A_215 = arith.addf %mul3A_213, %add3A_214 : vector<1024x128xf32>
    %mul3A_216 = arith.constant 1.280000e+02 : f32
    %mul3A_217 = vector.broadcast %mul3A_216 : f32 to vector<1024x128xf32>
    %mul3A_218 = arith.mulf %select_n3A_209, %mul3A_217 : vector<1024x128xf32>
    %add3A_219 = vector.broadcast %convert_element_type3A : vector<1x128xf32> to vector<1024x128xf32>
    %add3A_220 = arith.addf %mul3A_218, %add3A_219 : vector<1024x128xf32>
    %slice3A_221 = vector.extract_strided_slice %sub3A {offsets = [0, 2048], sizes = [1024, 128], strides = [1, 1]} : vector<1024x4096xf32> to vector<1024x128xf32>
    %broadcast_in_dim3A_222 = arith.constant 1.600000e+01 : f32
    %broadcast_in_dim3A_223 = vector.broadcast %broadcast_in_dim3A_222 : f32 to vector<1024x128xf32>
    %broadcast_in_dim3A_224 = arith.constant 0x7F800000 : f32
    %broadcast_in_dim3A_225 = vector.broadcast %broadcast_in_dim3A_224 : f32 to vector<1024x128xf32>
    %broadcast_in_dim3A_226 = arith.constant 0.000000e+00 : f32
    %broadcast_in_dim3A_227 = vector.broadcast %broadcast_in_dim3A_226 : f32 to vector<1024x128xf32>
    %slice3A_228 = vector.extract_strided_slice %sub3A {offsets = [0, 2176], sizes = [1024, 128], strides = [1, 1]} : vector<1024x4096xf32> to vector<1024x128xf32>
    %lt3A_229 = arith.cmpf olt, %slice3A_228, %slice3A_221 : vector<1024x128xf32>
    %max3A_230 = arith.maximumf %slice3A_221, %slice3A_228 : vector<1024x128xf32>
    %jit3A_231 = arith.constant 1.700000e+01 : f32
    %broadcast_in_dim3A_232 = vector.broadcast %jit3A_231 : f32 to vector<1024x128xf32>
    %select_n3A_233 = arith.select %lt3A_229, %broadcast_in_dim3A_223, %broadcast_in_dim3A_232 : vector<1024x128xi1>, vector<1024x128xf32>
    %min3A_234 = arith.minimumf %slice3A_221, %slice3A_228 : vector<1024x128xf32>
    %jit3A_235 = arith.constant 1.700000e+01 : f32
    %broadcast_in_dim3A_236 = vector.broadcast %jit3A_235 : f32 to vector<1024x128xf32>
    %select_n3A_237 = arith.select %lt3A_229, %broadcast_in_dim3A_236, %broadcast_in_dim3A_223 : vector<1024x128xi1>, vector<1024x128xf32>
    %lt3A_238 = arith.cmpf olt, %max3A_230, %broadcast_in_dim3A_225 : vector<1024x128xf32>
    %select_n3A_239 = arith.select %lt3A_238, %select_n3A_233, %broadcast_in_dim3A_227 : vector<1024x128xi1>, vector<1024x128xf32>
    %min3A_240 = arith.minimumf %broadcast_in_dim3A_225, %max3A_230 : vector<1024x128xf32>
    %slice3A_241 = vector.extract_strided_slice %sub3A {offsets = [0, 2304], sizes = [1024, 128], strides = [1, 1]} : vector<1024x4096xf32> to vector<1024x128xf32>
    %lt3A_242 = arith.cmpf olt, %slice3A_241, %min3A_234 : vector<1024x128xf32>
    %max3A_243 = arith.maximumf %min3A_234, %slice3A_241 : vector<1024x128xf32>
    %jit3A_244 = arith.constant 1.800000e+01 : f32
    %broadcast_in_dim3A_245 = vector.broadcast %jit3A_244 : f32 to vector<1024x128xf32>
    %select_n3A_246 = arith.select %lt3A_242, %select_n3A_237, %broadcast_in_dim3A_245 : vector<1024x128xi1>, vector<1024x128xf32>
    %min3A_247 = arith.minimumf %min3A_234, %slice3A_241 : vector<1024x128xf32>
    %jit3A_248 = arith.constant 1.800000e+01 : f32
    %broadcast_in_dim3A_249 = vector.broadcast %jit3A_248 : f32 to vector<1024x128xf32>
    %select_n3A_250 = arith.select %lt3A_242, %broadcast_in_dim3A_249, %select_n3A_237 : vector<1024x128xi1>, vector<1024x128xf32>
    %lt3A_251 = arith.cmpf olt, %max3A_243, %min3A_240 : vector<1024x128xf32>
    %select_n3A_252 = arith.select %lt3A_251, %select_n3A_246, %select_n3A_239 : vector<1024x128xi1>, vector<1024x128xf32>
    %min3A_253 = arith.minimumf %min3A_240, %max3A_243 : vector<1024x128xf32>
    %slice3A_254 = vector.extract_strided_slice %sub3A {offsets = [0, 2432], sizes = [1024, 128], strides = [1, 1]} : vector<1024x4096xf32> to vector<1024x128xf32>
    %lt3A_255 = arith.cmpf olt, %slice3A_254, %min3A_247 : vector<1024x128xf32>
    %max3A_256 = arith.maximumf %min3A_247, %slice3A_254 : vector<1024x128xf32>
    %jit3A_257 = arith.constant 1.900000e+01 : f32
    %broadcast_in_dim3A_258 = vector.broadcast %jit3A_257 : f32 to vector<1024x128xf32>
    %select_n3A_259 = arith.select %lt3A_255, %select_n3A_250, %broadcast_in_dim3A_258 : vector<1024x128xi1>, vector<1024x128xf32>
    %min3A_260 = arith.minimumf %min3A_247, %slice3A_254 : vector<1024x128xf32>
    %jit3A_261 = arith.constant 1.900000e+01 : f32
    %broadcast_in_dim3A_262 = vector.broadcast %jit3A_261 : f32 to vector<1024x128xf32>
    %select_n3A_263 = arith.select %lt3A_255, %broadcast_in_dim3A_262, %select_n3A_250 : vector<1024x128xi1>, vector<1024x128xf32>
    %lt3A_264 = arith.cmpf olt, %max3A_256, %min3A_253 : vector<1024x128xf32>
    %select_n3A_265 = arith.select %lt3A_264, %select_n3A_259, %select_n3A_252 : vector<1024x128xi1>, vector<1024x128xf32>
    %min3A_266 = arith.minimumf %min3A_253, %max3A_256 : vector<1024x128xf32>
    %slice3A_267 = vector.extract_strided_slice %sub3A {offsets = [0, 2560], sizes = [1024, 128], strides = [1, 1]} : vector<1024x4096xf32> to vector<1024x128xf32>
    %lt3A_268 = arith.cmpf olt, %slice3A_267, %min3A_260 : vector<1024x128xf32>
    %max3A_269 = arith.maximumf %min3A_260, %slice3A_267 : vector<1024x128xf32>
    %jit3A_270 = arith.constant 2.000000e+01 : f32
    %broadcast_in_dim3A_271 = vector.broadcast %jit3A_270 : f32 to vector<1024x128xf32>
    %select_n3A_272 = arith.select %lt3A_268, %select_n3A_263, %broadcast_in_dim3A_271 : vector<1024x128xi1>, vector<1024x128xf32>
    %min3A_273 = arith.minimumf %min3A_260, %slice3A_267 : vector<1024x128xf32>
    %jit3A_274 = arith.constant 2.000000e+01 : f32
    %broadcast_in_dim3A_275 = vector.broadcast %jit3A_274 : f32 to vector<1024x128xf32>
    %select_n3A_276 = arith.select %lt3A_268, %broadcast_in_dim3A_275, %select_n3A_263 : vector<1024x128xi1>, vector<1024x128xf32>
    %lt3A_277 = arith.cmpf olt, %max3A_269, %min3A_266 : vector<1024x128xf32>
    %select_n3A_278 = arith.select %lt3A_277, %select_n3A_272, %select_n3A_265 : vector<1024x128xi1>, vector<1024x128xf32>
    %min3A_279 = arith.minimumf %min3A_266, %max3A_269 : vector<1024x128xf32>
    %slice3A_280 = vector.extract_strided_slice %sub3A {offsets = [0, 2688], sizes = [1024, 128], strides = [1, 1]} : vector<1024x4096xf32> to vector<1024x128xf32>
    %lt3A_281 = arith.cmpf olt, %slice3A_280, %min3A_273 : vector<1024x128xf32>
    %max3A_282 = arith.maximumf %min3A_273, %slice3A_280 : vector<1024x128xf32>
    %jit3A_283 = arith.constant 2.100000e+01 : f32
    %broadcast_in_dim3A_284 = vector.broadcast %jit3A_283 : f32 to vector<1024x128xf32>
    %select_n3A_285 = arith.select %lt3A_281, %select_n3A_276, %broadcast_in_dim3A_284 : vector<1024x128xi1>, vector<1024x128xf32>
    %min3A_286 = arith.minimumf %min3A_273, %slice3A_280 : vector<1024x128xf32>
    %jit3A_287 = arith.constant 2.100000e+01 : f32
    %broadcast_in_dim3A_288 = vector.broadcast %jit3A_287 : f32 to vector<1024x128xf32>
    %select_n3A_289 = arith.select %lt3A_281, %broadcast_in_dim3A_288, %select_n3A_276 : vector<1024x128xi1>, vector<1024x128xf32>
    %lt3A_290 = arith.cmpf olt, %max3A_282, %min3A_279 : vector<1024x128xf32>
    %select_n3A_291 = arith.select %lt3A_290, %select_n3A_285, %select_n3A_278 : vector<1024x128xi1>, vector<1024x128xf32>
    %min3A_292 = arith.minimumf %min3A_279, %max3A_282 : vector<1024x128xf32>
    %slice3A_293 = vector.extract_strided_slice %sub3A {offsets = [0, 2816], sizes = [1024, 128], strides = [1, 1]} : vector<1024x4096xf32> to vector<1024x128xf32>
    %lt3A_294 = arith.cmpf olt, %slice3A_293, %min3A_286 : vector<1024x128xf32>
    %max3A_295 = arith.maximumf %min3A_286, %slice3A_293 : vector<1024x128xf32>
    %jit3A_296 = arith.constant 2.200000e+01 : f32
    %broadcast_in_dim3A_297 = vector.broadcast %jit3A_296 : f32 to vector<1024x128xf32>
    %select_n3A_298 = arith.select %lt3A_294, %select_n3A_289, %broadcast_in_dim3A_297 : vector<1024x128xi1>, vector<1024x128xf32>
    %min3A_299 = arith.minimumf %min3A_286, %slice3A_293 : vector<1024x128xf32>
    %jit3A_300 = arith.constant 2.200000e+01 : f32
    %broadcast_in_dim3A_301 = vector.broadcast %jit3A_300 : f32 to vector<1024x128xf32>
    %select_n3A_302 = arith.select %lt3A_294, %broadcast_in_dim3A_301, %select_n3A_289 : vector<1024x128xi1>, vector<1024x128xf32>
    %lt3A_303 = arith.cmpf olt, %max3A_295, %min3A_292 : vector<1024x128xf32>
    %select_n3A_304 = arith.select %lt3A_303, %select_n3A_298, %select_n3A_291 : vector<1024x128xi1>, vector<1024x128xf32>
    %min3A_305 = arith.minimumf %min3A_292, %max3A_295 : vector<1024x128xf32>
    %slice3A_306 = vector.extract_strided_slice %sub3A {offsets = [0, 2944], sizes = [1024, 128], strides = [1, 1]} : vector<1024x4096xf32> to vector<1024x128xf32>
    %lt3A_307 = arith.cmpf olt, %slice3A_306, %min3A_299 : vector<1024x128xf32>
    %max3A_308 = arith.maximumf %min3A_299, %slice3A_306 : vector<1024x128xf32>
    %jit3A_309 = arith.constant 2.300000e+01 : f32
    %broadcast_in_dim3A_310 = vector.broadcast %jit3A_309 : f32 to vector<1024x128xf32>
    %select_n3A_311 = arith.select %lt3A_307, %select_n3A_302, %broadcast_in_dim3A_310 : vector<1024x128xi1>, vector<1024x128xf32>
    %min3A_312 = arith.minimumf %min3A_299, %slice3A_306 : vector<1024x128xf32>
    %jit3A_313 = arith.constant 2.300000e+01 : f32
    %broadcast_in_dim3A_314 = vector.broadcast %jit3A_313 : f32 to vector<1024x128xf32>
    %select_n3A_315 = arith.select %lt3A_307, %broadcast_in_dim3A_314, %select_n3A_302 : vector<1024x128xi1>, vector<1024x128xf32>
    %lt3A_316 = arith.cmpf olt, %max3A_308, %min3A_305 : vector<1024x128xf32>
    %select_n3A_317 = arith.select %lt3A_316, %select_n3A_311, %select_n3A_304 : vector<1024x128xi1>, vector<1024x128xf32>
    %min3A_318 = arith.minimumf %min3A_305, %max3A_308 : vector<1024x128xf32>
    %slice3A_319 = vector.extract_strided_slice %sub3A {offsets = [0, 3072], sizes = [1024, 128], strides = [1, 1]} : vector<1024x4096xf32> to vector<1024x128xf32>
    %lt3A_320 = arith.cmpf olt, %slice3A_319, %min3A_312 : vector<1024x128xf32>
    %max3A_321 = arith.maximumf %min3A_312, %slice3A_319 : vector<1024x128xf32>
    %jit3A_322 = arith.constant 2.400000e+01 : f32
    %broadcast_in_dim3A_323 = vector.broadcast %jit3A_322 : f32 to vector<1024x128xf32>
    %select_n3A_324 = arith.select %lt3A_320, %select_n3A_315, %broadcast_in_dim3A_323 : vector<1024x128xi1>, vector<1024x128xf32>
    %min3A_325 = arith.minimumf %min3A_312, %slice3A_319 : vector<1024x128xf32>
    %jit3A_326 = arith.constant 2.400000e+01 : f32
    %broadcast_in_dim3A_327 = vector.broadcast %jit3A_326 : f32 to vector<1024x128xf32>
    %select_n3A_328 = arith.select %lt3A_320, %broadcast_in_dim3A_327, %select_n3A_315 : vector<1024x128xi1>, vector<1024x128xf32>
    %lt3A_329 = arith.cmpf olt, %max3A_321, %min3A_318 : vector<1024x128xf32>
    %select_n3A_330 = arith.select %lt3A_329, %select_n3A_324, %select_n3A_317 : vector<1024x128xi1>, vector<1024x128xf32>
    %min3A_331 = arith.minimumf %min3A_318, %max3A_321 : vector<1024x128xf32>
    %slice3A_332 = vector.extract_strided_slice %sub3A {offsets = [0, 3200], sizes = [1024, 128], strides = [1, 1]} : vector<1024x4096xf32> to vector<1024x128xf32>
    %lt3A_333 = arith.cmpf olt, %slice3A_332, %min3A_325 : vector<1024x128xf32>
    %max3A_334 = arith.maximumf %min3A_325, %slice3A_332 : vector<1024x128xf32>
    %jit3A_335 = arith.constant 2.500000e+01 : f32
    %broadcast_in_dim3A_336 = vector.broadcast %jit3A_335 : f32 to vector<1024x128xf32>
    %select_n3A_337 = arith.select %lt3A_333, %select_n3A_328, %broadcast_in_dim3A_336 : vector<1024x128xi1>, vector<1024x128xf32>
    %min3A_338 = arith.minimumf %min3A_325, %slice3A_332 : vector<1024x128xf32>
    %jit3A_339 = arith.constant 2.500000e+01 : f32
    %broadcast_in_dim3A_340 = vector.broadcast %jit3A_339 : f32 to vector<1024x128xf32>
    %select_n3A_341 = arith.select %lt3A_333, %broadcast_in_dim3A_340, %select_n3A_328 : vector<1024x128xi1>, vector<1024x128xf32>
    %lt3A_342 = arith.cmpf olt, %max3A_334, %min3A_331 : vector<1024x128xf32>
    %select_n3A_343 = arith.select %lt3A_342, %select_n3A_337, %select_n3A_330 : vector<1024x128xi1>, vector<1024x128xf32>
    %min3A_344 = arith.minimumf %min3A_331, %max3A_334 : vector<1024x128xf32>
    %slice3A_345 = vector.extract_strided_slice %sub3A {offsets = [0, 3328], sizes = [1024, 128], strides = [1, 1]} : vector<1024x4096xf32> to vector<1024x128xf32>
    %lt3A_346 = arith.cmpf olt, %slice3A_345, %min3A_338 : vector<1024x128xf32>
    %max3A_347 = arith.maximumf %min3A_338, %slice3A_345 : vector<1024x128xf32>
    %jit3A_348 = arith.constant 2.600000e+01 : f32
    %broadcast_in_dim3A_349 = vector.broadcast %jit3A_348 : f32 to vector<1024x128xf32>
    %select_n3A_350 = arith.select %lt3A_346, %select_n3A_341, %broadcast_in_dim3A_349 : vector<1024x128xi1>, vector<1024x128xf32>
    %min3A_351 = arith.minimumf %min3A_338, %slice3A_345 : vector<1024x128xf32>
    %jit3A_352 = arith.constant 2.600000e+01 : f32
    %broadcast_in_dim3A_353 = vector.broadcast %jit3A_352 : f32 to vector<1024x128xf32>
    %select_n3A_354 = arith.select %lt3A_346, %broadcast_in_dim3A_353, %select_n3A_341 : vector<1024x128xi1>, vector<1024x128xf32>
    %lt3A_355 = arith.cmpf olt, %max3A_347, %min3A_344 : vector<1024x128xf32>
    %select_n3A_356 = arith.select %lt3A_355, %select_n3A_350, %select_n3A_343 : vector<1024x128xi1>, vector<1024x128xf32>
    %min3A_357 = arith.minimumf %min3A_344, %max3A_347 : vector<1024x128xf32>
    %slice3A_358 = vector.extract_strided_slice %sub3A {offsets = [0, 3456], sizes = [1024, 128], strides = [1, 1]} : vector<1024x4096xf32> to vector<1024x128xf32>
    %lt3A_359 = arith.cmpf olt, %slice3A_358, %min3A_351 : vector<1024x128xf32>
    %max3A_360 = arith.maximumf %min3A_351, %slice3A_358 : vector<1024x128xf32>
    %jit3A_361 = arith.constant 2.700000e+01 : f32
    %broadcast_in_dim3A_362 = vector.broadcast %jit3A_361 : f32 to vector<1024x128xf32>
    %select_n3A_363 = arith.select %lt3A_359, %select_n3A_354, %broadcast_in_dim3A_362 : vector<1024x128xi1>, vector<1024x128xf32>
    %min3A_364 = arith.minimumf %min3A_351, %slice3A_358 : vector<1024x128xf32>
    %jit3A_365 = arith.constant 2.700000e+01 : f32
    %broadcast_in_dim3A_366 = vector.broadcast %jit3A_365 : f32 to vector<1024x128xf32>
    %select_n3A_367 = arith.select %lt3A_359, %broadcast_in_dim3A_366, %select_n3A_354 : vector<1024x128xi1>, vector<1024x128xf32>
    %lt3A_368 = arith.cmpf olt, %max3A_360, %min3A_357 : vector<1024x128xf32>
    %select_n3A_369 = arith.select %lt3A_368, %select_n3A_363, %select_n3A_356 : vector<1024x128xi1>, vector<1024x128xf32>
    %min3A_370 = arith.minimumf %min3A_357, %max3A_360 : vector<1024x128xf32>
    %slice3A_371 = vector.extract_strided_slice %sub3A {offsets = [0, 3584], sizes = [1024, 128], strides = [1, 1]} : vector<1024x4096xf32> to vector<1024x128xf32>
    %lt3A_372 = arith.cmpf olt, %slice3A_371, %min3A_364 : vector<1024x128xf32>
    %max3A_373 = arith.maximumf %min3A_364, %slice3A_371 : vector<1024x128xf32>
    %jit3A_374 = arith.constant 2.800000e+01 : f32
    %broadcast_in_dim3A_375 = vector.broadcast %jit3A_374 : f32 to vector<1024x128xf32>
    %select_n3A_376 = arith.select %lt3A_372, %select_n3A_367, %broadcast_in_dim3A_375 : vector<1024x128xi1>, vector<1024x128xf32>
    %min3A_377 = arith.minimumf %min3A_364, %slice3A_371 : vector<1024x128xf32>
    %jit3A_378 = arith.constant 2.800000e+01 : f32
    %broadcast_in_dim3A_379 = vector.broadcast %jit3A_378 : f32 to vector<1024x128xf32>
    %select_n3A_380 = arith.select %lt3A_372, %broadcast_in_dim3A_379, %select_n3A_367 : vector<1024x128xi1>, vector<1024x128xf32>
    %lt3A_381 = arith.cmpf olt, %max3A_373, %min3A_370 : vector<1024x128xf32>
    %select_n3A_382 = arith.select %lt3A_381, %select_n3A_376, %select_n3A_369 : vector<1024x128xi1>, vector<1024x128xf32>
    %min3A_383 = arith.minimumf %min3A_370, %max3A_373 : vector<1024x128xf32>
    %slice3A_384 = vector.extract_strided_slice %sub3A {offsets = [0, 3712], sizes = [1024, 128], strides = [1, 1]} : vector<1024x4096xf32> to vector<1024x128xf32>
    %lt3A_385 = arith.cmpf olt, %slice3A_384, %min3A_377 : vector<1024x128xf32>
    %max3A_386 = arith.maximumf %min3A_377, %slice3A_384 : vector<1024x128xf32>
    %jit3A_387 = arith.constant 2.900000e+01 : f32
    %broadcast_in_dim3A_388 = vector.broadcast %jit3A_387 : f32 to vector<1024x128xf32>
    %select_n3A_389 = arith.select %lt3A_385, %select_n3A_380, %broadcast_in_dim3A_388 : vector<1024x128xi1>, vector<1024x128xf32>
    %min3A_390 = arith.minimumf %min3A_377, %slice3A_384 : vector<1024x128xf32>
    %jit3A_391 = arith.constant 2.900000e+01 : f32
    %broadcast_in_dim3A_392 = vector.broadcast %jit3A_391 : f32 to vector<1024x128xf32>
    %select_n3A_393 = arith.select %lt3A_385, %broadcast_in_dim3A_392, %select_n3A_380 : vector<1024x128xi1>, vector<1024x128xf32>
    %lt3A_394 = arith.cmpf olt, %max3A_386, %min3A_383 : vector<1024x128xf32>
    %select_n3A_395 = arith.select %lt3A_394, %select_n3A_389, %select_n3A_382 : vector<1024x128xi1>, vector<1024x128xf32>
    %min3A_396 = arith.minimumf %min3A_383, %max3A_386 : vector<1024x128xf32>
    %slice3A_397 = vector.extract_strided_slice %sub3A {offsets = [0, 3840], sizes = [1024, 128], strides = [1, 1]} : vector<1024x4096xf32> to vector<1024x128xf32>
    %lt3A_398 = arith.cmpf olt, %slice3A_397, %min3A_390 : vector<1024x128xf32>
    %max3A_399 = arith.maximumf %min3A_390, %slice3A_397 : vector<1024x128xf32>
    %jit3A_400 = arith.constant 3.000000e+01 : f32
    %broadcast_in_dim3A_401 = vector.broadcast %jit3A_400 : f32 to vector<1024x128xf32>
    %select_n3A_402 = arith.select %lt3A_398, %select_n3A_393, %broadcast_in_dim3A_401 : vector<1024x128xi1>, vector<1024x128xf32>
    %min3A_403 = arith.minimumf %min3A_390, %slice3A_397 : vector<1024x128xf32>
    %jit3A_404 = arith.constant 3.000000e+01 : f32
    %broadcast_in_dim3A_405 = vector.broadcast %jit3A_404 : f32 to vector<1024x128xf32>
    %select_n3A_406 = arith.select %lt3A_398, %broadcast_in_dim3A_405, %select_n3A_393 : vector<1024x128xi1>, vector<1024x128xf32>
    %lt3A_407 = arith.cmpf olt, %max3A_399, %min3A_396 : vector<1024x128xf32>
    %select_n3A_408 = arith.select %lt3A_407, %select_n3A_402, %select_n3A_395 : vector<1024x128xi1>, vector<1024x128xf32>
    %min3A_409 = arith.minimumf %min3A_396, %max3A_399 : vector<1024x128xf32>
    %slice3A_410 = vector.extract_strided_slice %sub3A {offsets = [0, 3968], sizes = [1024, 128], strides = [1, 1]} : vector<1024x4096xf32> to vector<1024x128xf32>
    %lt3A_411 = arith.cmpf olt, %slice3A_410, %min3A_403 : vector<1024x128xf32>
    %max3A_412 = arith.maximumf %min3A_403, %slice3A_410 : vector<1024x128xf32>
    %jit3A_413 = arith.constant 3.100000e+01 : f32
    %broadcast_in_dim3A_414 = vector.broadcast %jit3A_413 : f32 to vector<1024x128xf32>
    %select_n3A_415 = arith.select %lt3A_411, %select_n3A_406, %broadcast_in_dim3A_414 : vector<1024x128xi1>, vector<1024x128xf32>
    %min3A_416 = arith.minimumf %min3A_403, %slice3A_410 : vector<1024x128xf32>
    %jit3A_417 = arith.constant 3.100000e+01 : f32
    %broadcast_in_dim3A_418 = vector.broadcast %jit3A_417 : f32 to vector<1024x128xf32>
    %select_n3A_419 = arith.select %lt3A_411, %broadcast_in_dim3A_418, %select_n3A_406 : vector<1024x128xi1>, vector<1024x128xf32>
    %lt3A_420 = arith.cmpf olt, %max3A_412, %min3A_409 : vector<1024x128xf32>
    %select_n3A_421 = arith.select %lt3A_420, %select_n3A_415, %select_n3A_408 : vector<1024x128xi1>, vector<1024x128xf32>
    %min3A_422 = arith.minimumf %min3A_409, %max3A_412 : vector<1024x128xf32>
    %mul3A_423 = arith.constant 1.280000e+02 : f32
    %mul3A_424 = vector.broadcast %mul3A_423 : f32 to vector<1024x128xf32>
    %mul3A_425 = arith.mulf %select_n3A_419, %mul3A_424 : vector<1024x128xf32>
    %add3A_426 = vector.broadcast %convert_element_type3A : vector<1x128xf32> to vector<1024x128xf32>
    %add3A_427 = arith.addf %mul3A_425, %add3A_426 : vector<1024x128xf32>
    %mul3A_428 = arith.constant 1.280000e+02 : f32
    %mul3A_429 = vector.broadcast %mul3A_428 : f32 to vector<1024x128xf32>
    %mul3A_430 = arith.mulf %select_n3A_421, %mul3A_429 : vector<1024x128xf32>
    %add3A_431 = vector.broadcast %convert_element_type3A : vector<1x128xf32> to vector<1024x128xf32>
    %add3A_432 = arith.addf %mul3A_430, %add3A_431 : vector<1024x128xf32>
    %concatenate3A = tpu.concatenate %min3A_204, %min3A_210, %min3A_416, %min3A_422 in 1 : vector<1024x128xf32>, vector<1024x128xf32>, vector<1024x128xf32>, vector<1024x128xf32> -> vector<1024x512xf32>
    %concatenate3A_433 = tpu.concatenate %add3A_215, %add3A_220, %add3A_427, %add3A_432 in 1 : vector<1024x128xf32>, vector<1024x128xf32>, vector<1024x128xf32>, vector<1024x128xf32> -> vector<1024x512xf32>
    %convert_element_type3A_434 = arith.fptosi %concatenate3A_433 : vector<1024x512xf32> to vector<1024x512xi32>
    %reduce_min3A = arith.constant dense<0x7F800000> : vector<1024xf32>
    %reduce_min3A_435 = vector.multi_reduction <minimumf>, %concatenate3A, %reduce_min3A [1] : vector<1024x512xf32> to vector<1024xf32>
    %broadcast_in_dim3A_436 = vector.shape_cast %reduce_min3A_435 : vector<1024xf32> to vector<1024x1xf32>
    %eq3A = vector.broadcast %broadcast_in_dim3A_436 : vector<1024x1xf32> to vector<1024x512xf32>
    %eq3A_437 = arith.cmpf oeq, %concatenate3A, %eq3A : vector<1024x512xf32>
    %jit3A_438 = arith.constant 1.07374182E+9 : f32
    %broadcast_in_dim3A_439 = vector.broadcast %jit3A_438 : f32 to vector<1024x512xf32>
    %select_n3A_440 = arith.select %eq3A_437, %concatenate3A_433, %broadcast_in_dim3A_439 : vector<1024x512xi1>, vector<1024x512xf32>
    %reduce_min3A_441 = arith.constant dense<0x7F800000> : vector<1024xf32>
    %reduce_min3A_442 = vector.multi_reduction <minimumf>, %select_n3A_440, %reduce_min3A_441 [1] : vector<1024x512xf32> to vector<1024xf32>
    %broadcast_in_dim3A_443 = vector.shape_cast %reduce_min3A_442 : vector<1024xf32> to vector<1024x1xf32>
    %convert_element_type3A_444 = arith.fptosi %broadcast_in_dim3A_443 : vector<1024x1xf32> to vector<1024x1xi32>
    %max3A_445 = arith.constant 0.000000e+00 : f32
    %max3A_446 = vector.broadcast %max3A_445 : f32 to vector<1024x1xf32>
    %max3A_447 = arith.maximumf %broadcast_in_dim3A_436, %max3A_446 : vector<1024x1xf32>
    %sqrt3A = math.sqrt %max3A_447 : vector<1024x1xf32>
    %add3A_448 = arith.constant 9.99999993E-9 : f32
    %add3A_449 = vector.broadcast %add3A_448 : f32 to vector<1024x1xf32>
    %add3A_450 = arith.addf %sqrt3A, %add3A_449 : vector<1024x1xf32>
    %eq3A_451 = vector.broadcast %convert_element_type3A_444 : vector<1024x1xi32> to vector<1024x512xi32>
    %eq3A_452 = arith.cmpi eq, %convert_element_type3A_434, %eq3A_451 : vector<1024x512xi32>
    %jit3A_453 = arith.constant 0x7F800000 : f32
    %broadcast_in_dim3A_454 = vector.broadcast %jit3A_453 : f32 to vector<1024x512xf32>
    %select_n3A_455 = arith.select %eq3A_452, %broadcast_in_dim3A_454, %concatenate3A : vector<1024x512xi1>, vector<1024x512xf32>
    %reduce_min3A_456 = arith.constant dense<0x7F800000> : vector<1024xf32>
    %reduce_min3A_457 = vector.multi_reduction <minimumf>, %select_n3A_455, %reduce_min3A_456 [1] : vector<1024x512xf32> to vector<1024xf32>
    %broadcast_in_dim3A_458 = vector.shape_cast %reduce_min3A_457 : vector<1024xf32> to vector<1024x1xf32>
    %eq3A_459 = vector.broadcast %broadcast_in_dim3A_458 : vector<1024x1xf32> to vector<1024x512xf32>
    %eq3A_460 = arith.cmpf oeq, %select_n3A_455, %eq3A_459 : vector<1024x512xf32>
    %jit3A_461 = arith.constant 1.07374182E+9 : f32
    %broadcast_in_dim3A_462 = vector.broadcast %jit3A_461 : f32 to vector<1024x512xf32>
    %select_n3A_463 = arith.select %eq3A_460, %concatenate3A_433, %broadcast_in_dim3A_462 : vector<1024x512xi1>, vector<1024x512xf32>
    %reduce_min3A_464 = arith.constant dense<0x7F800000> : vector<1024xf32>
    %reduce_min3A_465 = vector.multi_reduction <minimumf>, %select_n3A_463, %reduce_min3A_464 [1] : vector<1024x512xf32> to vector<1024xf32>
    %broadcast_in_dim3A_466 = vector.shape_cast %reduce_min3A_465 : vector<1024xf32> to vector<1024x1xf32>
    %convert_element_type3A_467 = arith.fptosi %broadcast_in_dim3A_466 : vector<1024x1xf32> to vector<1024x1xi32>
    %max3A_468 = arith.constant 0.000000e+00 : f32
    %max3A_469 = vector.broadcast %max3A_468 : f32 to vector<1024x1xf32>
    %max3A_470 = arith.maximumf %broadcast_in_dim3A_458, %max3A_469 : vector<1024x1xf32>
    %sqrt3A_471 = math.sqrt %max3A_470 : vector<1024x1xf32>
    %add3A_472 = arith.constant 9.99999993E-9 : f32
    %add3A_473 = vector.broadcast %add3A_472 : f32 to vector<1024x1xf32>
    %add3A_474 = arith.addf %sqrt3A_471, %add3A_473 : vector<1024x1xf32>
    %eq3A_475 = vector.broadcast %convert_element_type3A_467 : vector<1024x1xi32> to vector<1024x512xi32>
    %eq3A_476 = arith.cmpi eq, %convert_element_type3A_434, %eq3A_475 : vector<1024x512xi32>
    %jit3A_477 = arith.constant 0x7F800000 : f32
    %broadcast_in_dim3A_478 = vector.broadcast %jit3A_477 : f32 to vector<1024x512xf32>
    %select_n3A_479 = arith.select %eq3A_476, %broadcast_in_dim3A_478, %select_n3A_455 : vector<1024x512xi1>, vector<1024x512xf32>
    %reduce_min3A_480 = arith.constant dense<0x7F800000> : vector<1024xf32>
    %reduce_min3A_481 = vector.multi_reduction <minimumf>, %select_n3A_479, %reduce_min3A_480 [1] : vector<1024x512xf32> to vector<1024xf32>
    %broadcast_in_dim3A_482 = vector.shape_cast %reduce_min3A_481 : vector<1024xf32> to vector<1024x1xf32>
    %eq3A_483 = vector.broadcast %broadcast_in_dim3A_482 : vector<1024x1xf32> to vector<1024x512xf32>
    %eq3A_484 = arith.cmpf oeq, %select_n3A_479, %eq3A_483 : vector<1024x512xf32>
    %jit3A_485 = arith.constant 1.07374182E+9 : f32
    %broadcast_in_dim3A_486 = vector.broadcast %jit3A_485 : f32 to vector<1024x512xf32>
    %select_n3A_487 = arith.select %eq3A_484, %concatenate3A_433, %broadcast_in_dim3A_486 : vector<1024x512xi1>, vector<1024x512xf32>
    %reduce_min3A_488 = arith.constant dense<0x7F800000> : vector<1024xf32>
    %reduce_min3A_489 = vector.multi_reduction <minimumf>, %select_n3A_487, %reduce_min3A_488 [1] : vector<1024x512xf32> to vector<1024xf32>
    %broadcast_in_dim3A_490 = vector.shape_cast %reduce_min3A_489 : vector<1024xf32> to vector<1024x1xf32>
    %convert_element_type3A_491 = arith.fptosi %broadcast_in_dim3A_490 : vector<1024x1xf32> to vector<1024x1xi32>
    %max3A_492 = arith.constant 0.000000e+00 : f32
    %max3A_493 = vector.broadcast %max3A_492 : f32 to vector<1024x1xf32>
    %max3A_494 = arith.maximumf %broadcast_in_dim3A_482, %max3A_493 : vector<1024x1xf32>
    %sqrt3A_495 = math.sqrt %max3A_494 : vector<1024x1xf32>
    %add3A_496 = arith.constant 9.99999993E-9 : f32
    %add3A_497 = vector.broadcast %add3A_496 : f32 to vector<1024x1xf32>
    %add3A_498 = arith.addf %sqrt3A_495, %add3A_497 : vector<1024x1xf32>
    %div3A = arith.constant 1.000000e+00 : f32
    %div3A_499 = vector.broadcast %div3A : f32 to vector<1024x1xf32>
    %div3A_500 = arith.divf %div3A_499, %add3A_450 : vector<1024x1xf32>
    %div3A_501 = arith.constant 1.000000e+00 : f32
    %div3A_502 = vector.broadcast %div3A_501 : f32 to vector<1024x1xf32>
    %div3A_503 = arith.divf %div3A_502, %add3A_474 : vector<1024x1xf32>
    %div3A_504 = arith.constant 1.000000e+00 : f32
    %div3A_505 = vector.broadcast %div3A_504 : f32 to vector<1024x1xf32>
    %div3A_506 = arith.divf %div3A_505, %add3A_498 : vector<1024x1xf32>
    %add3A_507 = arith.addf %div3A_500, %div3A_503 : vector<1024x1xf32>
    %add3A_508 = arith.addf %add3A_507, %div3A_506 : vector<1024x1xf32>
    %div3A_509 = arith.divf %div3A_500, %add3A_508 : vector<1024x1xf32>
    %div3A_510 = arith.divf %div3A_503, %add3A_508 : vector<1024x1xf32>
    %div3A_511 = arith.divf %div3A_506, %add3A_508 : vector<1024x1xf32>
    %broadcast_in_dim3A_512 = arith.constant 0 : i32
    %broadcast_in_dim3A_513 = vector.broadcast %broadcast_in_dim3A_512 : i32 to vector<1024x1xi32>
    %broadcast_in_dim3A_514 = arith.constant 0.000000e+00 : f32
    %broadcast_in_dim3A_515 = vector.broadcast %broadcast_in_dim3A_514 : f32 to vector<1024x1xf32>
    %concatenate3A_516 = tpu.concatenate %convert_element_type3A_444, %convert_element_type3A_467, %convert_element_type3A_491, %broadcast_in_dim3A_513, %broadcast_in_dim3A_513, %broadcast_in_dim3A_513, %broadcast_in_dim3A_513, %broadcast_in_dim3A_513 in 1 : vector<1024x1xi32>, vector<1024x1xi32>, vector<1024x1xi32>, vector<1024x1xi32>, vector<1024x1xi32>, vector<1024x1xi32>, vector<1024x1xi32>, vector<1024x1xi32> -> vector<1024x8xi32>
    %transpose3A = tpu.transpose %concatenate3A_516, [1, 0] : vector<1024x8xi32> -> vector<8x1024xi32>
    %swap3A = arith.constant 0 : index
    %swap3A_517 = arith.constant 0 : index
    %swap3A_518 = vector.load %arg4[%swap3A, %swap3A_517] : memref<8x1024xi32, #tpu.memory_space<vmem>>, vector<8x1024xi32>
    tpu.vector_store %arg4[%swap3A, %swap3A_517], %transpose3A {strides = array<i32>} : memref<8x1024xi32, #tpu.memory_space<vmem>>, vector<8x1024xi32>,
    %concatenate3A_519 = tpu.concatenate %div3A_509, %div3A_510, %div3A_511, %broadcast_in_dim3A_515, %broadcast_in_dim3A_515, %broadcast_in_dim3A_515, %broadcast_in_dim3A_515, %broadcast_in_dim3A_515 in 1 : vector<1024x1xf32>, vector<1024x1xf32>, vector<1024x1xf32>, vector<1024x1xf32>, vector<1024x1xf32>, vector<1024x1xf32>, vector<1024x1xf32>, vector<1024x1xf32> -> vector<1024x8xf32>
    %swap3A_520 = arith.constant 0 : index
    %swap3A_521 = arith.constant 0 : index
    %swap3A_522 = vector.load %arg5[%swap3A_520, %swap3A_521] : memref<1024x8xf32, #tpu.memory_space<vmem>>, vector<1024x8xf32>
    tpu.vector_store %arg5[%swap3A_520, %swap3A_521], %concatenate3A_519 {strides = array<i32>} : memref<1024x8xf32, #tpu.memory_space<vmem>>, vector<1024x8xf32>,
    return
  }
  func.func @transform_0(%arg0: i32) -> (i32, i32) {
    %add3A = arith.constant 8 : i32
    %add3A_0 = arith.addi %arg0, %add3A : i32
    %c0_i32 = arith.constant 0 : i32
    %c0_i32_1 = arith.constant 0 : i32
    return %add3A_0, %c0_i32 : i32, i32
  }
  func.func @transform_1(%arg0: i32) -> (i32, i32) {
    %c0_i32 = arith.constant 0 : i32
    %c0_i32_0 = arith.constant 0 : i32
    %c0_i32_1 = arith.constant 0 : i32
    return %c0_i32, %c0_i32_0 : i32, i32
  }
  func.func @transform_2(%arg0: i32) -> (i32, i32) {
    %c0_i32 = arith.constant 0 : i32
    %c0_i32_0 = arith.constant 0 : i32
    %c0_i32_1 = arith.constant 0 : i32
    return %c0_i32, %c0_i32_0 : i32, i32
  }
  func.func @transform_3(%arg0: i32) -> (i32, i32) {
    %c0_i32 = arith.constant 0 : i32
    %c0_i32_0 = arith.constant 0 : i32
    return %c0_i32, %arg0 : i32, i32
  }
  func.func @transform_4(%arg0: i32) -> (i32, i32) {
    %c0_i32 = arith.constant 0 : i32
    %c0_i32_0 = arith.constant 0 : i32
    return %arg0, %c0_i32 : i32, i32
  }
}

module attributes {stable_mosaic.version = 14 : i64} {
  func.func @topk_body(%arg0: i32, %arg1: memref<1024x3xf32, #tpu.memory_space<vmem>>, %arg2: memref<4096x3xf32, #tpu.memory_space<vmem>>, %arg3: memref<1x4096xf32, #tpu.memory_space<vmem>>, %arg4: memref<8x1024xi32, #tpu.memory_space<vmem>>, %arg5: memref<1024x8xf32, #tpu.memory_space<vmem>>) attributes {dimension_semantics = [#tpu.dimension_semantics<arbitrary>], iteration_bounds = array<i64: 8>, scalar_prefetch = 0 : i64, scratch_operands = 0 : i64, tpu.core_type = #tpu.core_type<tc>, window_params = [{transform_indices = @transform_0, window_bounds = array<i64: 1024, 3>}, {pipeline_mode = #tpu.pipeline_mode<synchronous>, transform_indices = @transform_1, window_bounds = array<i64: 4096, 3>}, {pipeline_mode = #tpu.pipeline_mode<synchronous>, transform_indices = @transform_2, window_bounds = array<i64: 1, 4096>}, {transform_indices = @transform_3, window_bounds = array<i64: 8, 1024>}, {transform_indices = @transform_4, window_bounds = array<i64: 1024, 8>}]} {
    %get3A = arith.constant 0 : index
    %get3A_0 = arith.constant 0 : index
    %get3A_1 = vector.load %arg1[%get3A, %get3A_0] : memref<1024x3xf32, #tpu.memory_space<vmem>>, vector<1024x3xf32>
    %get3A_2 = arith.constant 0 : index
    %get3A_3 = arith.constant 0 : index
    %get3A_4 = vector.load %arg2[%get3A_2, %get3A_3] : memref<4096x3xf32, #tpu.memory_space<vmem>>, vector<4096x3xf32>
    %get3A_5 = arith.constant 0 : index
    %get3A_6 = arith.constant 0 : index
    %get3A_7 = vector.load %arg3[%get3A_5, %get3A_6] : memref<1x4096xf32, #tpu.memory_space<vmem>>, vector<1x4096xf32>
    %dot_general3A = arith.constant dense<0.000000e+00> : vector<1024x4096xf32>
    %dot_general3A_8 = tpu.matmul %get3A_1, %get3A_4, %dot_general3A {dimension_numbers = #tpu.dot_dimension_numbers<[1], [1], [0], [0], [0, 0, 1, 0], [], []>, transpose_lhs_hint = false} : vector<1024x3xf32>, vector<4096x3xf32>, vector<1024x4096xf32> -> vector<1024x4096xf32>
    %mul3A = arith.mulf %get3A_1, %get3A_1 : vector<1024x3xf32>
    %reduce_sum3A = arith.constant dense<0.000000e+00> : vector<1024xf32>
    %reduce_sum3A_9 = vector.multi_reduction <add>, %mul3A, %reduce_sum3A [1] : vector<1024x3xf32> to vector<1024xf32>
    %broadcast_in_dim3A = vector.shape_cast %reduce_sum3A_9 : vector<1024xf32> to vector<1024x1xf32>
    %add3A = vector.broadcast %broadcast_in_dim3A : vector<1024x1xf32> to vector<1024x4096xf32>
    %add3A_10 = vector.broadcast %get3A_7 : vector<1x4096xf32> to vector<1024x4096xf32>
    %add3A_11 = arith.addf %add3A, %add3A_10 : vector<1024x4096xf32>
    %mul3A_12 = arith.constant 2.000000e+00 : f32
    %mul3A_13 = vector.broadcast %mul3A_12 : f32 to vector<1024x4096xf32>
    %mul3A_14 = arith.mulf %mul3A_13, %dot_general3A_8 : vector<1024x4096xf32>
    %sub3A = arith.subf %add3A_11, %mul3A_14 : vector<1024x4096xf32>
    %iota3A = tpu.iota {dimensions = array<i32: 1>} : vector<1x128xi32>
    %convert_element_type3A = arith.sitofp %iota3A : vector<1x128xi32> to vector<1x128xf32>
    %slice3A = vector.extract_strided_slice %sub3A {offsets = [0, 0], sizes = [1024, 128], strides = [1, 1]} : vector<1024x4096xf32> to vector<1024x128xf32>
    %broadcast_in_dim3A_15 = arith.constant 0.000000e+00 : f32
    %broadcast_in_dim3A_16 = vector.broadcast %broadcast_in_dim3A_15 : f32 to vector<1024x128xf32>
    %broadcast_in_dim3A_17 = arith.constant 0x7F800000 : f32
    %broadcast_in_dim3A_18 = vector.broadcast %broadcast_in_dim3A_17 : f32 to vector<1024x128xf32>
    %broadcast_in_dim3A_19 = arith.constant 0.000000e+00 : f32
    %broadcast_in_dim3A_20 = vector.broadcast %broadcast_in_dim3A_19 : f32 to vector<1024x128xf32>
    %slice3A_21 = vector.extract_strided_slice %sub3A {offsets = [0, 128], sizes = [1024, 128], strides = [1, 1]} : vector<1024x4096xf32> to vector<1024x128xf32>
    %lt3A = arith.cmpf olt, %slice3A_21, %slice3A : vector<1024x128xf32>
    %max3A = arith.maximumf %slice3A, %slice3A_21 : vector<1024x128xf32>
    %jit3A = arith.constant 1.000000e+00 : f32
    %broadcast_in_dim3A_22 = vector.broadcast %jit3A : f32 to vector<1024x128xf32>
    %select_n3A = arith.select %lt3A, %broadcast_in_dim3A_16, %broadcast_in_dim3A_22 : vector<1024x128xi1>, vector<1024x128xf32>
    %min3A = arith.minimumf %slice3A, %slice3A_21 : vector<1024x128xf32>
    %jit3A_23 = arith.constant 1.000000e+00 : f32
    %broadcast_in_dim3A_24 = vector.broadcast %jit3A_23 : f32 to vector<1024x128xf32>
    %select_n3A_25 = arith.select %lt3A, %broadcast_in_dim3A_24, %broadcast_in_dim3A_16 : vector<1024x128xi1>, vector<1024x128xf32>
    %lt3A_26 = arith.cmpf olt, %max3A, %broadcast_in_dim3A_18 : vector<1024x128xf32>
    %select_n3A_27 = arith.select %lt3A_26, %select_n3A, %broadcast_in_dim3A_20 : vector<1024x128xi1>, vector<1024x128xf32>
    %min3A_28 = arith.minimumf %broadcast_in_dim3A_18, %max3A : vector<1024x128xf32>
    %slice3A_29 = vector.extract_strided_slice %sub3A {offsets = [0, 256], sizes = [1024, 128], strides = [1, 1]} : vector<1024x4096xf32> to vector<1024x128xf32>
    %lt3A_30 = arith.cmpf olt, %slice3A_29, %min3A : vector<1024x128xf32>
    %max3A_31 = arith.maximumf %min3A, %slice3A_29 : vector<1024x128xf32>
    %jit3A_32 = arith.constant 2.000000e+00 : f32
    %broadcast_in_dim3A_33 = vector.broadcast %jit3A_32 : f32 to vector<1024x128xf32>
    %select_n3A_34 = arith.select %lt3A_30, %select_n3A_25, %broadcast_in_dim3A_33 : vector<1024x128xi1>, vector<1024x128xf32>
    %min3A_35 = arith.minimumf %min3A, %slice3A_29 : vector<1024x128xf32>
    %jit3A_36 = arith.constant 2.000000e+00 : f32
    %broadcast_in_dim3A_37 = vector.broadcast %jit3A_36 : f32 to vector<1024x128xf32>
    %select_n3A_38 = arith.select %lt3A_30, %broadcast_in_dim3A_37, %select_n3A_25 : vector<1024x128xi1>, vector<1024x128xf32>
    %lt3A_39 = arith.cmpf olt, %max3A_31, %min3A_28 : vector<1024x128xf32>
    %select_n3A_40 = arith.select %lt3A_39, %select_n3A_34, %select_n3A_27 : vector<1024x128xi1>, vector<1024x128xf32>
    %min3A_41 = arith.minimumf %min3A_28, %max3A_31 : vector<1024x128xf32>
    %slice3A_42 = vector.extract_strided_slice %sub3A {offsets = [0, 384], sizes = [1024, 128], strides = [1, 1]} : vector<1024x4096xf32> to vector<1024x128xf32>
    %lt3A_43 = arith.cmpf olt, %slice3A_42, %min3A_35 : vector<1024x128xf32>
    %max3A_44 = arith.maximumf %min3A_35, %slice3A_42 : vector<1024x128xf32>
    %jit3A_45 = arith.constant 3.000000e+00 : f32
    %broadcast_in_dim3A_46 = vector.broadcast %jit3A_45 : f32 to vector<1024x128xf32>
    %select_n3A_47 = arith.select %lt3A_43, %select_n3A_38, %broadcast_in_dim3A_46 : vector<1024x128xi1>, vector<1024x128xf32>
    %min3A_48 = arith.minimumf %min3A_35, %slice3A_42 : vector<1024x128xf32>
    %jit3A_49 = arith.constant 3.000000e+00 : f32
    %broadcast_in_dim3A_50 = vector.broadcast %jit3A_49 : f32 to vector<1024x128xf32>
    %select_n3A_51 = arith.select %lt3A_43, %broadcast_in_dim3A_50, %select_n3A_38 : vector<1024x128xi1>, vector<1024x128xf32>
    %lt3A_52 = arith.cmpf olt, %max3A_44, %min3A_41 : vector<1024x128xf32>
    %select_n3A_53 = arith.select %lt3A_52, %select_n3A_47, %select_n3A_40 : vector<1024x128xi1>, vector<1024x128xf32>
    %min3A_54 = arith.minimumf %min3A_41, %max3A_44 : vector<1024x128xf32>
    %slice3A_55 = vector.extract_strided_slice %sub3A {offsets = [0, 512], sizes = [1024, 128], strides = [1, 1]} : vector<1024x4096xf32> to vector<1024x128xf32>
    %lt3A_56 = arith.cmpf olt, %slice3A_55, %min3A_48 : vector<1024x128xf32>
    %max3A_57 = arith.maximumf %min3A_48, %slice3A_55 : vector<1024x128xf32>
    %jit3A_58 = arith.constant 4.000000e+00 : f32
    %broadcast_in_dim3A_59 = vector.broadcast %jit3A_58 : f32 to vector<1024x128xf32>
    %select_n3A_60 = arith.select %lt3A_56, %select_n3A_51, %broadcast_in_dim3A_59 : vector<1024x128xi1>, vector<1024x128xf32>
    %min3A_61 = arith.minimumf %min3A_48, %slice3A_55 : vector<1024x128xf32>
    %jit3A_62 = arith.constant 4.000000e+00 : f32
    %broadcast_in_dim3A_63 = vector.broadcast %jit3A_62 : f32 to vector<1024x128xf32>
    %select_n3A_64 = arith.select %lt3A_56, %broadcast_in_dim3A_63, %select_n3A_51 : vector<1024x128xi1>, vector<1024x128xf32>
    %lt3A_65 = arith.cmpf olt, %max3A_57, %min3A_54 : vector<1024x128xf32>
    %select_n3A_66 = arith.select %lt3A_65, %select_n3A_60, %select_n3A_53 : vector<1024x128xi1>, vector<1024x128xf32>
    %min3A_67 = arith.minimumf %min3A_54, %max3A_57 : vector<1024x128xf32>
    %slice3A_68 = vector.extract_strided_slice %sub3A {offsets = [0, 640], sizes = [1024, 128], strides = [1, 1]} : vector<1024x4096xf32> to vector<1024x128xf32>
    %lt3A_69 = arith.cmpf olt, %slice3A_68, %min3A_61 : vector<1024x128xf32>
    %max3A_70 = arith.maximumf %min3A_61, %slice3A_68 : vector<1024x128xf32>
    %jit3A_71 = arith.constant 5.000000e+00 : f32
    %broadcast_in_dim3A_72 = vector.broadcast %jit3A_71 : f32 to vector<1024x128xf32>
    %select_n3A_73 = arith.select %lt3A_69, %select_n3A_64, %broadcast_in_dim3A_72 : vector<1024x128xi1>, vector<1024x128xf32>
    %min3A_74 = arith.minimumf %min3A_61, %slice3A_68 : vector<1024x128xf32>
    %jit3A_75 = arith.constant 5.000000e+00 : f32
    %broadcast_in_dim3A_76 = vector.broadcast %jit3A_75 : f32 to vector<1024x128xf32>
    %select_n3A_77 = arith.select %lt3A_69, %broadcast_in_dim3A_76, %select_n3A_64 : vector<1024x128xi1>, vector<1024x128xf32>
    %lt3A_78 = arith.cmpf olt, %max3A_70, %min3A_67 : vector<1024x128xf32>
    %select_n3A_79 = arith.select %lt3A_78, %select_n3A_73, %select_n3A_66 : vector<1024x128xi1>, vector<1024x128xf32>
    %min3A_80 = arith.minimumf %min3A_67, %max3A_70 : vector<1024x128xf32>
    %slice3A_81 = vector.extract_strided_slice %sub3A {offsets = [0, 768], sizes = [1024, 128], strides = [1, 1]} : vector<1024x4096xf32> to vector<1024x128xf32>
    %lt3A_82 = arith.cmpf olt, %slice3A_81, %min3A_74 : vector<1024x128xf32>
    %max3A_83 = arith.maximumf %min3A_74, %slice3A_81 : vector<1024x128xf32>
    %jit3A_84 = arith.constant 6.000000e+00 : f32
    %broadcast_in_dim3A_85 = vector.broadcast %jit3A_84 : f32 to vector<1024x128xf32>
    %select_n3A_86 = arith.select %lt3A_82, %select_n3A_77, %broadcast_in_dim3A_85 : vector<1024x128xi1>, vector<1024x128xf32>
    %min3A_87 = arith.minimumf %min3A_74, %slice3A_81 : vector<1024x128xf32>
    %jit3A_88 = arith.constant 6.000000e+00 : f32
    %broadcast_in_dim3A_89 = vector.broadcast %jit3A_88 : f32 to vector<1024x128xf32>
    %select_n3A_90 = arith.select %lt3A_82, %broadcast_in_dim3A_89, %select_n3A_77 : vector<1024x128xi1>, vector<1024x128xf32>
    %lt3A_91 = arith.cmpf olt, %max3A_83, %min3A_80 : vector<1024x128xf32>
    %select_n3A_92 = arith.select %lt3A_91, %select_n3A_86, %select_n3A_79 : vector<1024x128xi1>, vector<1024x128xf32>
    %min3A_93 = arith.minimumf %min3A_80, %max3A_83 : vector<1024x128xf32>
    %slice3A_94 = vector.extract_strided_slice %sub3A {offsets = [0, 896], sizes = [1024, 128], strides = [1, 1]} : vector<1024x4096xf32> to vector<1024x128xf32>
    %lt3A_95 = arith.cmpf olt, %slice3A_94, %min3A_87 : vector<1024x128xf32>
    %max3A_96 = arith.maximumf %min3A_87, %slice3A_94 : vector<1024x128xf32>
    %jit3A_97 = arith.constant 7.000000e+00 : f32
    %broadcast_in_dim3A_98 = vector.broadcast %jit3A_97 : f32 to vector<1024x128xf32>
    %select_n3A_99 = arith.select %lt3A_95, %select_n3A_90, %broadcast_in_dim3A_98 : vector<1024x128xi1>, vector<1024x128xf32>
    %min3A_100 = arith.minimumf %min3A_87, %slice3A_94 : vector<1024x128xf32>
    %jit3A_101 = arith.constant 7.000000e+00 : f32
    %broadcast_in_dim3A_102 = vector.broadcast %jit3A_101 : f32 to vector<1024x128xf32>
    %select_n3A_103 = arith.select %lt3A_95, %broadcast_in_dim3A_102, %select_n3A_90 : vector<1024x128xi1>, vector<1024x128xf32>
    %lt3A_104 = arith.cmpf olt, %max3A_96, %min3A_93 : vector<1024x128xf32>
    %select_n3A_105 = arith.select %lt3A_104, %select_n3A_99, %select_n3A_92 : vector<1024x128xi1>, vector<1024x128xf32>
    %min3A_106 = arith.minimumf %min3A_93, %max3A_96 : vector<1024x128xf32>
    %slice3A_107 = vector.extract_strided_slice %sub3A {offsets = [0, 1024], sizes = [1024, 128], strides = [1, 1]} : vector<1024x4096xf32> to vector<1024x128xf32>
    %lt3A_108 = arith.cmpf olt, %slice3A_107, %min3A_100 : vector<1024x128xf32>
    %max3A_109 = arith.maximumf %min3A_100, %slice3A_107 : vector<1024x128xf32>
    %jit3A_110 = arith.constant 8.000000e+00 : f32
    %broadcast_in_dim3A_111 = vector.broadcast %jit3A_110 : f32 to vector<1024x128xf32>
    %select_n3A_112 = arith.select %lt3A_108, %select_n3A_103, %broadcast_in_dim3A_111 : vector<1024x128xi1>, vector<1024x128xf32>
    %min3A_113 = arith.minimumf %min3A_100, %slice3A_107 : vector<1024x128xf32>
    %jit3A_114 = arith.constant 8.000000e+00 : f32
    %broadcast_in_dim3A_115 = vector.broadcast %jit3A_114 : f32 to vector<1024x128xf32>
    %select_n3A_116 = arith.select %lt3A_108, %broadcast_in_dim3A_115, %select_n3A_103 : vector<1024x128xi1>, vector<1024x128xf32>
    %lt3A_117 = arith.cmpf olt, %max3A_109, %min3A_106 : vector<1024x128xf32>
    %select_n3A_118 = arith.select %lt3A_117, %select_n3A_112, %select_n3A_105 : vector<1024x128xi1>, vector<1024x128xf32>
    %min3A_119 = arith.minimumf %min3A_106, %max3A_109 : vector<1024x128xf32>
    %slice3A_120 = vector.extract_strided_slice %sub3A {offsets = [0, 1152], sizes = [1024, 128], strides = [1, 1]} : vector<1024x4096xf32> to vector<1024x128xf32>
    %lt3A_121 = arith.cmpf olt, %slice3A_120, %min3A_113 : vector<1024x128xf32>
    %max3A_122 = arith.maximumf %min3A_113, %slice3A_120 : vector<1024x128xf32>
    %jit3A_123 = arith.constant 9.000000e+00 : f32
    %broadcast_in_dim3A_124 = vector.broadcast %jit3A_123 : f32 to vector<1024x128xf32>
    %select_n3A_125 = arith.select %lt3A_121, %select_n3A_116, %broadcast_in_dim3A_124 : vector<1024x128xi1>, vector<1024x128xf32>
    %min3A_126 = arith.minimumf %min3A_113, %slice3A_120 : vector<1024x128xf32>
    %jit3A_127 = arith.constant 9.000000e+00 : f32
    %broadcast_in_dim3A_128 = vector.broadcast %jit3A_127 : f32 to vector<1024x128xf32>
    %select_n3A_129 = arith.select %lt3A_121, %broadcast_in_dim3A_128, %select_n3A_116 : vector<1024x128xi1>, vector<1024x128xf32>
    %lt3A_130 = arith.cmpf olt, %max3A_122, %min3A_119 : vector<1024x128xf32>
    %select_n3A_131 = arith.select %lt3A_130, %select_n3A_125, %select_n3A_118 : vector<1024x128xi1>, vector<1024x128xf32>
    %min3A_132 = arith.minimumf %min3A_119, %max3A_122 : vector<1024x128xf32>
    %slice3A_133 = vector.extract_strided_slice %sub3A {offsets = [0, 1280], sizes = [1024, 128], strides = [1, 1]} : vector<1024x4096xf32> to vector<1024x128xf32>
    %lt3A_134 = arith.cmpf olt, %slice3A_133, %min3A_126 : vector<1024x128xf32>
    %max3A_135 = arith.maximumf %min3A_126, %slice3A_133 : vector<1024x128xf32>
    %jit3A_136 = arith.constant 1.000000e+01 : f32
    %broadcast_in_dim3A_137 = vector.broadcast %jit3A_136 : f32 to vector<1024x128xf32>
    %select_n3A_138 = arith.select %lt3A_134, %select_n3A_129, %broadcast_in_dim3A_137 : vector<1024x128xi1>, vector<1024x128xf32>
    %min3A_139 = arith.minimumf %min3A_126, %slice3A_133 : vector<1024x128xf32>
    %jit3A_140 = arith.constant 1.000000e+01 : f32
    %broadcast_in_dim3A_141 = vector.broadcast %jit3A_140 : f32 to vector<1024x128xf32>
    %select_n3A_142 = arith.select %lt3A_134, %broadcast_in_dim3A_141, %select_n3A_129 : vector<1024x128xi1>, vector<1024x128xf32>
    %lt3A_143 = arith.cmpf olt, %max3A_135, %min3A_132 : vector<1024x128xf32>
    %select_n3A_144 = arith.select %lt3A_143, %select_n3A_138, %select_n3A_131 : vector<1024x128xi1>, vector<1024x128xf32>
    %min3A_145 = arith.minimumf %min3A_132, %max3A_135 : vector<1024x128xf32>
    %slice3A_146 = vector.extract_strided_slice %sub3A {offsets = [0, 1408], sizes = [1024, 128], strides = [1, 1]} : vector<1024x4096xf32> to vector<1024x128xf32>
    %lt3A_147 = arith.cmpf olt, %slice3A_146, %min3A_139 : vector<1024x128xf32>
    %max3A_148 = arith.maximumf %min3A_139, %slice3A_146 : vector<1024x128xf32>
    %jit3A_149 = arith.constant 1.100000e+01 : f32
    %broadcast_in_dim3A_150 = vector.broadcast %jit3A_149 : f32 to vector<1024x128xf32>
    %select_n3A_151 = arith.select %lt3A_147, %select_n3A_142, %broadcast_in_dim3A_150 : vector<1024x128xi1>, vector<1024x128xf32>
    %min3A_152 = arith.minimumf %min3A_139, %slice3A_146 : vector<1024x128xf32>
    %jit3A_153 = arith.constant 1.100000e+01 : f32
    %broadcast_in_dim3A_154 = vector.broadcast %jit3A_153 : f32 to vector<1024x128xf32>
    %select_n3A_155 = arith.select %lt3A_147, %broadcast_in_dim3A_154, %select_n3A_142 : vector<1024x128xi1>, vector<1024x128xf32>
    %lt3A_156 = arith.cmpf olt, %max3A_148, %min3A_145 : vector<1024x128xf32>
    %select_n3A_157 = arith.select %lt3A_156, %select_n3A_151, %select_n3A_144 : vector<1024x128xi1>, vector<1024x128xf32>
    %min3A_158 = arith.minimumf %min3A_145, %max3A_148 : vector<1024x128xf32>
    %slice3A_159 = vector.extract_strided_slice %sub3A {offsets = [0, 1536], sizes = [1024, 128], strides = [1, 1]} : vector<1024x4096xf32> to vector<1024x128xf32>
    %lt3A_160 = arith.cmpf olt, %slice3A_159, %min3A_152 : vector<1024x128xf32>
    %max3A_161 = arith.maximumf %min3A_152, %slice3A_159 : vector<1024x128xf32>
    %jit3A_162 = arith.constant 1.200000e+01 : f32
    %broadcast_in_dim3A_163 = vector.broadcast %jit3A_162 : f32 to vector<1024x128xf32>
    %select_n3A_164 = arith.select %lt3A_160, %select_n3A_155, %broadcast_in_dim3A_163 : vector<1024x128xi1>, vector<1024x128xf32>
    %min3A_165 = arith.minimumf %min3A_152, %slice3A_159 : vector<1024x128xf32>
    %jit3A_166 = arith.constant 1.200000e+01 : f32
    %broadcast_in_dim3A_167 = vector.broadcast %jit3A_166 : f32 to vector<1024x128xf32>
    %select_n3A_168 = arith.select %lt3A_160, %broadcast_in_dim3A_167, %select_n3A_155 : vector<1024x128xi1>, vector<1024x128xf32>
    %lt3A_169 = arith.cmpf olt, %max3A_161, %min3A_158 : vector<1024x128xf32>
    %select_n3A_170 = arith.select %lt3A_169, %select_n3A_164, %select_n3A_157 : vector<1024x128xi1>, vector<1024x128xf32>
    %min3A_171 = arith.minimumf %min3A_158, %max3A_161 : vector<1024x128xf32>
    %slice3A_172 = vector.extract_strided_slice %sub3A {offsets = [0, 1664], sizes = [1024, 128], strides = [1, 1]} : vector<1024x4096xf32> to vector<1024x128xf32>
    %lt3A_173 = arith.cmpf olt, %slice3A_172, %min3A_165 : vector<1024x128xf32>
    %max3A_174 = arith.maximumf %min3A_165, %slice3A_172 : vector<1024x128xf32>
    %jit3A_175 = arith.constant 1.300000e+01 : f32
    %broadcast_in_dim3A_176 = vector.broadcast %jit3A_175 : f32 to vector<1024x128xf32>
    %select_n3A_177 = arith.select %lt3A_173, %select_n3A_168, %broadcast_in_dim3A_176 : vector<1024x128xi1>, vector<1024x128xf32>
    %min3A_178 = arith.minimumf %min3A_165, %slice3A_172 : vector<1024x128xf32>
    %jit3A_179 = arith.constant 1.300000e+01 : f32
    %broadcast_in_dim3A_180 = vector.broadcast %jit3A_179 : f32 to vector<1024x128xf32>
    %select_n3A_181 = arith.select %lt3A_173, %broadcast_in_dim3A_180, %select_n3A_168 : vector<1024x128xi1>, vector<1024x128xf32>
    %lt3A_182 = arith.cmpf olt, %max3A_174, %min3A_171 : vector<1024x128xf32>
    %select_n3A_183 = arith.select %lt3A_182, %select_n3A_177, %select_n3A_170 : vector<1024x128xi1>, vector<1024x128xf32>
    %min3A_184 = arith.minimumf %min3A_171, %max3A_174 : vector<1024x128xf32>
    %slice3A_185 = vector.extract_strided_slice %sub3A {offsets = [0, 1792], sizes = [1024, 128], strides = [1, 1]} : vector<1024x4096xf32> to vector<1024x128xf32>
    %lt3A_186 = arith.cmpf olt, %slice3A_185, %min3A_178 : vector<1024x128xf32>
    %max3A_187 = arith.maximumf %min3A_178, %slice3A_185 : vector<1024x128xf32>
    %jit3A_188 = arith.constant 1.400000e+01 : f32
    %broadcast_in_dim3A_189 = vector.broadcast %jit3A_188 : f32 to vector<1024x128xf32>
    %select_n3A_190 = arith.select %lt3A_186, %select_n3A_181, %broadcast_in_dim3A_189 : vector<1024x128xi1>, vector<1024x128xf32>
    %min3A_191 = arith.minimumf %min3A_178, %slice3A_185 : vector<1024x128xf32>
    %jit3A_192 = arith.constant 1.400000e+01 : f32
    %broadcast_in_dim3A_193 = vector.broadcast %jit3A_192 : f32 to vector<1024x128xf32>
    %select_n3A_194 = arith.select %lt3A_186, %broadcast_in_dim3A_193, %select_n3A_181 : vector<1024x128xi1>, vector<1024x128xf32>
    %lt3A_195 = arith.cmpf olt, %max3A_187, %min3A_184 : vector<1024x128xf32>
    %select_n3A_196 = arith.select %lt3A_195, %select_n3A_190, %select_n3A_183 : vector<1024x128xi1>, vector<1024x128xf32>
    %min3A_197 = arith.minimumf %min3A_184, %max3A_187 : vector<1024x128xf32>
    %slice3A_198 = vector.extract_strided_slice %sub3A {offsets = [0, 1920], sizes = [1024, 128], strides = [1, 1]} : vector<1024x4096xf32> to vector<1024x128xf32>
    %lt3A_199 = arith.cmpf olt, %slice3A_198, %min3A_191 : vector<1024x128xf32>
    %max3A_200 = arith.maximumf %min3A_191, %slice3A_198 : vector<1024x128xf32>
    %jit3A_201 = arith.constant 1.500000e+01 : f32
    %broadcast_in_dim3A_202 = vector.broadcast %jit3A_201 : f32 to vector<1024x128xf32>
    %select_n3A_203 = arith.select %lt3A_199, %select_n3A_194, %broadcast_in_dim3A_202 : vector<1024x128xi1>, vector<1024x128xf32>
    %min3A_204 = arith.minimumf %min3A_191, %slice3A_198 : vector<1024x128xf32>
    %jit3A_205 = arith.constant 1.500000e+01 : f32
    %broadcast_in_dim3A_206 = vector.broadcast %jit3A_205 : f32 to vector<1024x128xf32>
    %select_n3A_207 = arith.select %lt3A_199, %broadcast_in_dim3A_206, %select_n3A_194 : vector<1024x128xi1>, vector<1024x128xf32>
    %lt3A_208 = arith.cmpf olt, %max3A_200, %min3A_197 : vector<1024x128xf32>
    %select_n3A_209 = arith.select %lt3A_208, %select_n3A_203, %select_n3A_196 : vector<1024x128xi1>, vector<1024x128xf32>
    %min3A_210 = arith.minimumf %min3A_197, %max3A_200 : vector<1024x128xf32>
    %mul3A_211 = arith.constant 1.280000e+02 : f32
    %mul3A_212 = vector.broadcast %mul3A_211 : f32 to vector<1024x128xf32>
    %mul3A_213 = arith.mulf %select_n3A_207, %mul3A_212 : vector<1024x128xf32>
    %add3A_214 = vector.broadcast %convert_element_type3A : vector<1x128xf32> to vector<1024x128xf32>
    %add3A_215 = arith.addf %mul3A_213, %add3A_214 : vector<1024x128xf32>
    %mul3A_216 = arith.constant 1.280000e+02 : f32
    %mul3A_217 = vector.broadcast %mul3A_216 : f32 to vector<1024x128xf32>
    %mul3A_218 = arith.mulf %select_n3A_209, %mul3A_217 : vector<1024x128xf32>
    %add3A_219 = vector.broadcast %convert_element_type3A : vector<1x128xf32> to vector<1024x128xf32>
    %add3A_220 = arith.addf %mul3A_218, %add3A_219 : vector<1024x128xf32>
    %slice3A_221 = vector.extract_strided_slice %sub3A {offsets = [0, 2048], sizes = [1024, 128], strides = [1, 1]} : vector<1024x4096xf32> to vector<1024x128xf32>
    %broadcast_in_dim3A_222 = arith.constant 1.600000e+01 : f32
    %broadcast_in_dim3A_223 = vector.broadcast %broadcast_in_dim3A_222 : f32 to vector<1024x128xf32>
    %broadcast_in_dim3A_224 = arith.constant 0x7F800000 : f32
    %broadcast_in_dim3A_225 = vector.broadcast %broadcast_in_dim3A_224 : f32 to vector<1024x128xf32>
    %broadcast_in_dim3A_226 = arith.constant 0.000000e+00 : f32
    %broadcast_in_dim3A_227 = vector.broadcast %broadcast_in_dim3A_226 : f32 to vector<1024x128xf32>
    %slice3A_228 = vector.extract_strided_slice %sub3A {offsets = [0, 2176], sizes = [1024, 128], strides = [1, 1]} : vector<1024x4096xf32> to vector<1024x128xf32>
    %lt3A_229 = arith.cmpf olt, %slice3A_228, %slice3A_221 : vector<1024x128xf32>
    %max3A_230 = arith.maximumf %slice3A_221, %slice3A_228 : vector<1024x128xf32>
    %jit3A_231 = arith.constant 1.700000e+01 : f32
    %broadcast_in_dim3A_232 = vector.broadcast %jit3A_231 : f32 to vector<1024x128xf32>
    %select_n3A_233 = arith.select %lt3A_229, %broadcast_in_dim3A_223, %broadcast_in_dim3A_232 : vector<1024x128xi1>, vector<1024x128xf32>
    %min3A_234 = arith.minimumf %slice3A_221, %slice3A_228 : vector<1024x128xf32>
    %jit3A_235 = arith.constant 1.700000e+01 : f32
    %broadcast_in_dim3A_236 = vector.broadcast %jit3A_235 : f32 to vector<1024x128xf32>
    %select_n3A_237 = arith.select %lt3A_229, %broadcast_in_dim3A_236, %broadcast_in_dim3A_223 : vector<1024x128xi1>, vector<1024x128xf32>
    %lt3A_238 = arith.cmpf olt, %max3A_230, %broadcast_in_dim3A_225 : vector<1024x128xf32>
    %select_n3A_239 = arith.select %lt3A_238, %select_n3A_233, %broadcast_in_dim3A_227 : vector<1024x128xi1>, vector<1024x128xf32>
    %min3A_240 = arith.minimumf %broadcast_in_dim3A_225, %max3A_230 : vector<1024x128xf32>
    %slice3A_241 = vector.extract_strided_slice %sub3A {offsets = [0, 2304], sizes = [1024, 128], strides = [1, 1]} : vector<1024x4096xf32> to vector<1024x128xf32>
    %lt3A_242 = arith.cmpf olt, %slice3A_241, %min3A_234 : vector<1024x128xf32>
    %max3A_243 = arith.maximumf %min3A_234, %slice3A_241 : vector<1024x128xf32>
    %jit3A_244 = arith.constant 1.800000e+01 : f32
    %broadcast_in_dim3A_245 = vector.broadcast %jit3A_244 : f32 to vector<1024x128xf32>
    %select_n3A_246 = arith.select %lt3A_242, %select_n3A_237, %broadcast_in_dim3A_245 : vector<1024x128xi1>, vector<1024x128xf32>
    %min3A_247 = arith.minimumf %min3A_234, %slice3A_241 : vector<1024x128xf32>
    %jit3A_248 = arith.constant 1.800000e+01 : f32
    %broadcast_in_dim3A_249 = vector.broadcast %jit3A_248 : f32 to vector<1024x128xf32>
    %select_n3A_250 = arith.select %lt3A_242, %broadcast_in_dim3A_249, %select_n3A_237 : vector<1024x128xi1>, vector<1024x128xf32>
    %lt3A_251 = arith.cmpf olt, %max3A_243, %min3A_240 : vector<1024x128xf32>
    %select_n3A_252 = arith.select %lt3A_251, %select_n3A_246, %select_n3A_239 : vector<1024x128xi1>, vector<1024x128xf32>
    %min3A_253 = arith.minimumf %min3A_240, %max3A_243 : vector<1024x128xf32>
    %slice3A_254 = vector.extract_strided_slice %sub3A {offsets = [0, 2432], sizes = [1024, 128], strides = [1, 1]} : vector<1024x4096xf32> to vector<1024x128xf32>
    %lt3A_255 = arith.cmpf olt, %slice3A_254, %min3A_247 : vector<1024x128xf32>
    %max3A_256 = arith.maximumf %min3A_247, %slice3A_254 : vector<1024x128xf32>
    %jit3A_257 = arith.constant 1.900000e+01 : f32
    %broadcast_in_dim3A_258 = vector.broadcast %jit3A_257 : f32 to vector<1024x128xf32>
    %select_n3A_259 = arith.select %lt3A_255, %select_n3A_250, %broadcast_in_dim3A_258 : vector<1024x128xi1>, vector<1024x128xf32>
    %min3A_260 = arith.minimumf %min3A_247, %slice3A_254 : vector<1024x128xf32>
    %jit3A_261 = arith.constant 1.900000e+01 : f32
    %broadcast_in_dim3A_262 = vector.broadcast %jit3A_261 : f32 to vector<1024x128xf32>
    %select_n3A_263 = arith.select %lt3A_255, %broadcast_in_dim3A_262, %select_n3A_250 : vector<1024x128xi1>, vector<1024x128xf32>
    %lt3A_264 = arith.cmpf olt, %max3A_256, %min3A_253 : vector<1024x128xf32>
    %select_n3A_265 = arith.select %lt3A_264, %select_n3A_259, %select_n3A_252 : vector<1024x128xi1>, vector<1024x128xf32>
    %min3A_266 = arith.minimumf %min3A_253, %max3A_256 : vector<1024x128xf32>
    %slice3A_267 = vector.extract_strided_slice %sub3A {offsets = [0, 2560], sizes = [1024, 128], strides = [1, 1]} : vector<1024x4096xf32> to vector<1024x128xf32>
    %lt3A_268 = arith.cmpf olt, %slice3A_267, %min3A_260 : vector<1024x128xf32>
    %max3A_269 = arith.maximumf %min3A_260, %slice3A_267 : vector<1024x128xf32>
    %jit3A_270 = arith.constant 2.000000e+01 : f32
    %broadcast_in_dim3A_271 = vector.broadcast %jit3A_270 : f32 to vector<1024x128xf32>
    %select_n3A_272 = arith.select %lt3A_268, %select_n3A_263, %broadcast_in_dim3A_271 : vector<1024x128xi1>, vector<1024x128xf32>
    %min3A_273 = arith.minimumf %min3A_260, %slice3A_267 : vector<1024x128xf32>
    %jit3A_274 = arith.constant 2.000000e+01 : f32
    %broadcast_in_dim3A_275 = vector.broadcast %jit3A_274 : f32 to vector<1024x128xf32>
    %select_n3A_276 = arith.select %lt3A_268, %broadcast_in_dim3A_275, %select_n3A_263 : vector<1024x128xi1>, vector<1024x128xf32>
    %lt3A_277 = arith.cmpf olt, %max3A_269, %min3A_266 : vector<1024x128xf32>
    %select_n3A_278 = arith.select %lt3A_277, %select_n3A_272, %select_n3A_265 : vector<1024x128xi1>, vector<1024x128xf32>
    %min3A_279 = arith.minimumf %min3A_266, %max3A_269 : vector<1024x128xf32>
    %slice3A_280 = vector.extract_strided_slice %sub3A {offsets = [0, 2688], sizes = [1024, 128], strides = [1, 1]} : vector<1024x4096xf32> to vector<1024x128xf32>
    %lt3A_281 = arith.cmpf olt, %slice3A_280, %min3A_273 : vector<1024x128xf32>
    %max3A_282 = arith.maximumf %min3A_273, %slice3A_280 : vector<1024x128xf32>
    %jit3A_283 = arith.constant 2.100000e+01 : f32
    %broadcast_in_dim3A_284 = vector.broadcast %jit3A_283 : f32 to vector<1024x128xf32>
    %select_n3A_285 = arith.select %lt3A_281, %select_n3A_276, %broadcast_in_dim3A_284 : vector<1024x128xi1>, vector<1024x128xf32>
    %min3A_286 = arith.minimumf %min3A_273, %slice3A_280 : vector<1024x128xf32>
    %jit3A_287 = arith.constant 2.100000e+01 : f32
    %broadcast_in_dim3A_288 = vector.broadcast %jit3A_287 : f32 to vector<1024x128xf32>
    %select_n3A_289 = arith.select %lt3A_281, %broadcast_in_dim3A_288, %select_n3A_276 : vector<1024x128xi1>, vector<1024x128xf32>
    %lt3A_290 = arith.cmpf olt, %max3A_282, %min3A_279 : vector<1024x128xf32>
    %select_n3A_291 = arith.select %lt3A_290, %select_n3A_285, %select_n3A_278 : vector<1024x128xi1>, vector<1024x128xf32>
    %min3A_292 = arith.minimumf %min3A_279, %max3A_282 : vector<1024x128xf32>
    %slice3A_293 = vector.extract_strided_slice %sub3A {offsets = [0, 2816], sizes = [1024, 128], strides = [1, 1]} : vector<1024x4096xf32> to vector<1024x128xf32>
    %lt3A_294 = arith.cmpf olt, %slice3A_293, %min3A_286 : vector<1024x128xf32>
    %max3A_295 = arith.maximumf %min3A_286, %slice3A_293 : vector<1024x128xf32>
    %jit3A_296 = arith.constant 2.200000e+01 : f32
    %broadcast_in_dim3A_297 = vector.broadcast %jit3A_296 : f32 to vector<1024x128xf32>
    %select_n3A_298 = arith.select %lt3A_294, %select_n3A_289, %broadcast_in_dim3A_297 : vector<1024x128xi1>, vector<1024x128xf32>
    %min3A_299 = arith.minimumf %min3A_286, %slice3A_293 : vector<1024x128xf32>
    %jit3A_300 = arith.constant 2.200000e+01 : f32
    %broadcast_in_dim3A_301 = vector.broadcast %jit3A_300 : f32 to vector<1024x128xf32>
    %select_n3A_302 = arith.select %lt3A_294, %broadcast_in_dim3A_301, %select_n3A_289 : vector<1024x128xi1>, vector<1024x128xf32>
    %lt3A_303 = arith.cmpf olt, %max3A_295, %min3A_292 : vector<1024x128xf32>
    %select_n3A_304 = arith.select %lt3A_303, %select_n3A_298, %select_n3A_291 : vector<1024x128xi1>, vector<1024x128xf32>
    %min3A_305 = arith.minimumf %min3A_292, %max3A_295 : vector<1024x128xf32>
    %slice3A_306 = vector.extract_strided_slice %sub3A {offsets = [0, 2944], sizes = [1024, 128], strides = [1, 1]} : vector<1024x4096xf32> to vector<1024x128xf32>
    %lt3A_307 = arith.cmpf olt, %slice3A_306, %min3A_299 : vector<1024x128xf32>
    %max3A_308 = arith.maximumf %min3A_299, %slice3A_306 : vector<1024x128xf32>
    %jit3A_309 = arith.constant 2.300000e+01 : f32
    %broadcast_in_dim3A_310 = vector.broadcast %jit3A_309 : f32 to vector<1024x128xf32>
    %select_n3A_311 = arith.select %lt3A_307, %select_n3A_302, %broadcast_in_dim3A_310 : vector<1024x128xi1>, vector<1024x128xf32>
    %min3A_312 = arith.minimumf %min3A_299, %slice3A_306 : vector<1024x128xf32>
    %jit3A_313 = arith.constant 2.300000e+01 : f32
    %broadcast_in_dim3A_314 = vector.broadcast %jit3A_313 : f32 to vector<1024x128xf32>
    %select_n3A_315 = arith.select %lt3A_307, %broadcast_in_dim3A_314, %select_n3A_302 : vector<1024x128xi1>, vector<1024x128xf32>
    %lt3A_316 = arith.cmpf olt, %max3A_308, %min3A_305 : vector<1024x128xf32>
    %select_n3A_317 = arith.select %lt3A_316, %select_n3A_311, %select_n3A_304 : vector<1024x128xi1>, vector<1024x128xf32>
    %min3A_318 = arith.minimumf %min3A_305, %max3A_308 : vector<1024x128xf32>
    %slice3A_319 = vector.extract_strided_slice %sub3A {offsets = [0, 3072], sizes = [1024, 128], strides = [1, 1]} : vector<1024x4096xf32> to vector<1024x128xf32>
    %lt3A_320 = arith.cmpf olt, %slice3A_319, %min3A_312 : vector<1024x128xf32>
    %max3A_321 = arith.maximumf %min3A_312, %slice3A_319 : vector<1024x128xf32>
    %jit3A_322 = arith.constant 2.400000e+01 : f32
    %broadcast_in_dim3A_323 = vector.broadcast %jit3A_322 : f32 to vector<1024x128xf32>
    %select_n3A_324 = arith.select %lt3A_320, %select_n3A_315, %broadcast_in_dim3A_323 : vector<1024x128xi1>, vector<1024x128xf32>
    %min3A_325 = arith.minimumf %min3A_312, %slice3A_319 : vector<1024x128xf32>
    %jit3A_326 = arith.constant 2.400000e+01 : f32
    %broadcast_in_dim3A_327 = vector.broadcast %jit3A_326 : f32 to vector<1024x128xf32>
    %select_n3A_328 = arith.select %lt3A_320, %broadcast_in_dim3A_327, %select_n3A_315 : vector<1024x128xi1>, vector<1024x128xf32>
    %lt3A_329 = arith.cmpf olt, %max3A_321, %min3A_318 : vector<1024x128xf32>
    %select_n3A_330 = arith.select %lt3A_329, %select_n3A_324, %select_n3A_317 : vector<1024x128xi1>, vector<1024x128xf32>
    %min3A_331 = arith.minimumf %min3A_318, %max3A_321 : vector<1024x128xf32>
    %slice3A_332 = vector.extract_strided_slice %sub3A {offsets = [0, 3200], sizes = [1024, 128], strides = [1, 1]} : vector<1024x4096xf32> to vector<1024x128xf32>
    %lt3A_333 = arith.cmpf olt, %slice3A_332, %min3A_325 : vector<1024x128xf32>
    %max3A_334 = arith.maximumf %min3A_325, %slice3A_332 : vector<1024x128xf32>
    %jit3A_335 = arith.constant 2.500000e+01 : f32
    %broadcast_in_dim3A_336 = vector.broadcast %jit3A_335 : f32 to vector<1024x128xf32>
    %select_n3A_337 = arith.select %lt3A_333, %select_n3A_328, %broadcast_in_dim3A_336 : vector<1024x128xi1>, vector<1024x128xf32>
    %min3A_338 = arith.minimumf %min3A_325, %slice3A_332 : vector<1024x128xf32>
    %jit3A_339 = arith.constant 2.500000e+01 : f32
    %broadcast_in_dim3A_340 = vector.broadcast %jit3A_339 : f32 to vector<1024x128xf32>
    %select_n3A_341 = arith.select %lt3A_333, %broadcast_in_dim3A_340, %select_n3A_328 : vector<1024x128xi1>, vector<1024x128xf32>
    %lt3A_342 = arith.cmpf olt, %max3A_334, %min3A_331 : vector<1024x128xf32>
    %select_n3A_343 = arith.select %lt3A_342, %select_n3A_337, %select_n3A_330 : vector<1024x128xi1>, vector<1024x128xf32>
    %min3A_344 = arith.minimumf %min3A_331, %max3A_334 : vector<1024x128xf32>
    %slice3A_345 = vector.extract_strided_slice %sub3A {offsets = [0, 3328], sizes = [1024, 128], strides = [1, 1]} : vector<1024x4096xf32> to vector<1024x128xf32>
    %lt3A_346 = arith.cmpf olt, %slice3A_345, %min3A_338 : vector<1024x128xf32>
    %max3A_347 = arith.maximumf %min3A_338, %slice3A_345 : vector<1024x128xf32>
    %jit3A_348 = arith.constant 2.600000e+01 : f32
    %broadcast_in_dim3A_349 = vector.broadcast %jit3A_348 : f32 to vector<1024x128xf32>
    %select_n3A_350 = arith.select %lt3A_346, %select_n3A_341, %broadcast_in_dim3A_349 : vector<1024x128xi1>, vector<1024x128xf32>
    %min3A_351 = arith.minimumf %min3A_338, %slice3A_345 : vector<1024x128xf32>
    %jit3A_352 = arith.constant 2.600000e+01 : f32
    %broadcast_in_dim3A_353 = vector.broadcast %jit3A_352 : f32 to vector<1024x128xf32>
    %select_n3A_354 = arith.select %lt3A_346, %broadcast_in_dim3A_353, %select_n3A_341 : vector<1024x128xi1>, vector<1024x128xf32>
    %lt3A_355 = arith.cmpf olt, %max3A_347, %min3A_344 : vector<1024x128xf32>
    %select_n3A_356 = arith.select %lt3A_355, %select_n3A_350, %select_n3A_343 : vector<1024x128xi1>, vector<1024x128xf32>
    %min3A_357 = arith.minimumf %min3A_344, %max3A_347 : vector<1024x128xf32>
    %slice3A_358 = vector.extract_strided_slice %sub3A {offsets = [0, 3456], sizes = [1024, 128], strides = [1, 1]} : vector<1024x4096xf32> to vector<1024x128xf32>
    %lt3A_359 = arith.cmpf olt, %slice3A_358, %min3A_351 : vector<1024x128xf32>
    %max3A_360 = arith.maximumf %min3A_351, %slice3A_358 : vector<1024x128xf32>
    %jit3A_361 = arith.constant 2.700000e+01 : f32
    %broadcast_in_dim3A_362 = vector.broadcast %jit3A_361 : f32 to vector<1024x128xf32>
    %select_n3A_363 = arith.select %lt3A_359, %select_n3A_354, %broadcast_in_dim3A_362 : vector<1024x128xi1>, vector<1024x128xf32>
    %min3A_364 = arith.minimumf %min3A_351, %slice3A_358 : vector<1024x128xf32>
    %jit3A_365 = arith.constant 2.700000e+01 : f32
    %broadcast_in_dim3A_366 = vector.broadcast %jit3A_365 : f32 to vector<1024x128xf32>
    %select_n3A_367 = arith.select %lt3A_359, %broadcast_in_dim3A_366, %select_n3A_354 : vector<1024x128xi1>, vector<1024x128xf32>
    %lt3A_368 = arith.cmpf olt, %max3A_360, %min3A_357 : vector<1024x128xf32>
    %select_n3A_369 = arith.select %lt3A_368, %select_n3A_363, %select_n3A_356 : vector<1024x128xi1>, vector<1024x128xf32>
    %min3A_370 = arith.minimumf %min3A_357, %max3A_360 : vector<1024x128xf32>
    %slice3A_371 = vector.extract_strided_slice %sub3A {offsets = [0, 3584], sizes = [1024, 128], strides = [1, 1]} : vector<1024x4096xf32> to vector<1024x128xf32>
    %lt3A_372 = arith.cmpf olt, %slice3A_371, %min3A_364 : vector<1024x128xf32>
    %max3A_373 = arith.maximumf %min3A_364, %slice3A_371 : vector<1024x128xf32>
    %jit3A_374 = arith.constant 2.800000e+01 : f32
    %broadcast_in_dim3A_375 = vector.broadcast %jit3A_374 : f32 to vector<1024x128xf32>
    %select_n3A_376 = arith.select %lt3A_372, %select_n3A_367, %broadcast_in_dim3A_375 : vector<1024x128xi1>, vector<1024x128xf32>
    %min3A_377 = arith.minimumf %min3A_364, %slice3A_371 : vector<1024x128xf32>
    %jit3A_378 = arith.constant 2.800000e+01 : f32
    %broadcast_in_dim3A_379 = vector.broadcast %jit3A_378 : f32 to vector<1024x128xf32>
    %select_n3A_380 = arith.select %lt3A_372, %broadcast_in_dim3A_379, %select_n3A_367 : vector<1024x128xi1>, vector<1024x128xf32>
    %lt3A_381 = arith.cmpf olt, %max3A_373, %min3A_370 : vector<1024x128xf32>
    %select_n3A_382 = arith.select %lt3A_381, %select_n3A_376, %select_n3A_369 : vector<1024x128xi1>, vector<1024x128xf32>
    %min3A_383 = arith.minimumf %min3A_370, %max3A_373 : vector<1024x128xf32>
    %slice3A_384 = vector.extract_strided_slice %sub3A {offsets = [0, 3712], sizes = [1024, 128], strides = [1, 1]} : vector<1024x4096xf32> to vector<1024x128xf32>
    %lt3A_385 = arith.cmpf olt, %slice3A_384, %min3A_377 : vector<1024x128xf32>
    %max3A_386 = arith.maximumf %min3A_377, %slice3A_384 : vector<1024x128xf32>
    %jit3A_387 = arith.constant 2.900000e+01 : f32
    %broadcast_in_dim3A_388 = vector.broadcast %jit3A_387 : f32 to vector<1024x128xf32>
    %select_n3A_389 = arith.select %lt3A_385, %select_n3A_380, %broadcast_in_dim3A_388 : vector<1024x128xi1>, vector<1024x128xf32>
    %min3A_390 = arith.minimumf %min3A_377, %slice3A_384 : vector<1024x128xf32>
    %jit3A_391 = arith.constant 2.900000e+01 : f32
    %broadcast_in_dim3A_392 = vector.broadcast %jit3A_391 : f32 to vector<1024x128xf32>
    %select_n3A_393 = arith.select %lt3A_385, %broadcast_in_dim3A_392, %select_n3A_380 : vector<1024x128xi1>, vector<1024x128xf32>
    %lt3A_394 = arith.cmpf olt, %max3A_386, %min3A_383 : vector<1024x128xf32>
    %select_n3A_395 = arith.select %lt3A_394, %select_n3A_389, %select_n3A_382 : vector<1024x128xi1>, vector<1024x128xf32>
    %min3A_396 = arith.minimumf %min3A_383, %max3A_386 : vector<1024x128xf32>
    %slice3A_397 = vector.extract_strided_slice %sub3A {offsets = [0, 3840], sizes = [1024, 128], strides = [1, 1]} : vector<1024x4096xf32> to vector<1024x128xf32>
    %lt3A_398 = arith.cmpf olt, %slice3A_397, %min3A_390 : vector<1024x128xf32>
    %max3A_399 = arith.maximumf %min3A_390, %slice3A_397 : vector<1024x128xf32>
    %jit3A_400 = arith.constant 3.000000e+01 : f32
    %broadcast_in_dim3A_401 = vector.broadcast %jit3A_400 : f32 to vector<1024x128xf32>
    %select_n3A_402 = arith.select %lt3A_398, %select_n3A_393, %broadcast_in_dim3A_401 : vector<1024x128xi1>, vector<1024x128xf32>
    %min3A_403 = arith.minimumf %min3A_390, %slice3A_397 : vector<1024x128xf32>
    %jit3A_404 = arith.constant 3.000000e+01 : f32
    %broadcast_in_dim3A_405 = vector.broadcast %jit3A_404 : f32 to vector<1024x128xf32>
    %select_n3A_406 = arith.select %lt3A_398, %broadcast_in_dim3A_405, %select_n3A_393 : vector<1024x128xi1>, vector<1024x128xf32>
    %lt3A_407 = arith.cmpf olt, %max3A_399, %min3A_396 : vector<1024x128xf32>
    %select_n3A_408 = arith.select %lt3A_407, %select_n3A_402, %select_n3A_395 : vector<1024x128xi1>, vector<1024x128xf32>
    %min3A_409 = arith.minimumf %min3A_396, %max3A_399 : vector<1024x128xf32>
    %slice3A_410 = vector.extract_strided_slice %sub3A {offsets = [0, 3968], sizes = [1024, 128], strides = [1, 1]} : vector<1024x4096xf32> to vector<1024x128xf32>
    %lt3A_411 = arith.cmpf olt, %slice3A_410, %min3A_403 : vector<1024x128xf32>
    %max3A_412 = arith.maximumf %min3A_403, %slice3A_410 : vector<1024x128xf32>
    %jit3A_413 = arith.constant 3.100000e+01 : f32
    %broadcast_in_dim3A_414 = vector.broadcast %jit3A_413 : f32 to vector<1024x128xf32>
    %select_n3A_415 = arith.select %lt3A_411, %select_n3A_406, %broadcast_in_dim3A_414 : vector<1024x128xi1>, vector<1024x128xf32>
    %min3A_416 = arith.minimumf %min3A_403, %slice3A_410 : vector<1024x128xf32>
    %jit3A_417 = arith.constant 3.100000e+01 : f32
    %broadcast_in_dim3A_418 = vector.broadcast %jit3A_417 : f32 to vector<1024x128xf32>
    %select_n3A_419 = arith.select %lt3A_411, %broadcast_in_dim3A_418, %select_n3A_406 : vector<1024x128xi1>, vector<1024x128xf32>
    %lt3A_420 = arith.cmpf olt, %max3A_412, %min3A_409 : vector<1024x128xf32>
    %select_n3A_421 = arith.select %lt3A_420, %select_n3A_415, %select_n3A_408 : vector<1024x128xi1>, vector<1024x128xf32>
    %min3A_422 = arith.minimumf %min3A_409, %max3A_412 : vector<1024x128xf32>
    %mul3A_423 = arith.constant 1.280000e+02 : f32
    %mul3A_424 = vector.broadcast %mul3A_423 : f32 to vector<1024x128xf32>
    %mul3A_425 = arith.mulf %select_n3A_419, %mul3A_424 : vector<1024x128xf32>
    %add3A_426 = vector.broadcast %convert_element_type3A : vector<1x128xf32> to vector<1024x128xf32>
    %add3A_427 = arith.addf %mul3A_425, %add3A_426 : vector<1024x128xf32>
    %mul3A_428 = arith.constant 1.280000e+02 : f32
    %mul3A_429 = vector.broadcast %mul3A_428 : f32 to vector<1024x128xf32>
    %mul3A_430 = arith.mulf %select_n3A_421, %mul3A_429 : vector<1024x128xf32>
    %add3A_431 = vector.broadcast %convert_element_type3A : vector<1x128xf32> to vector<1024x128xf32>
    %add3A_432 = arith.addf %mul3A_430, %add3A_431 : vector<1024x128xf32>
    %concatenate3A = tpu.concatenate %min3A_204, %min3A_210, %min3A_416, %min3A_422 in 1 : vector<1024x128xf32>, vector<1024x128xf32>, vector<1024x128xf32>, vector<1024x128xf32> -> vector<1024x512xf32>
    %concatenate3A_433 = tpu.concatenate %add3A_215, %add3A_220, %add3A_427, %add3A_432 in 1 : vector<1024x128xf32>, vector<1024x128xf32>, vector<1024x128xf32>, vector<1024x128xf32> -> vector<1024x512xf32>
    %convert_element_type3A_434 = arith.fptosi %concatenate3A_433 : vector<1024x512xf32> to vector<1024x512xi32>
    %reduce_min3A = arith.constant dense<0x7F800000> : vector<1024xf32>
    %reduce_min3A_435 = vector.multi_reduction <minimumf>, %concatenate3A, %reduce_min3A [1] : vector<1024x512xf32> to vector<1024xf32>
    %broadcast_in_dim3A_436 = vector.shape_cast %reduce_min3A_435 : vector<1024xf32> to vector<1024x1xf32>
    %eq3A = vector.broadcast %broadcast_in_dim3A_436 : vector<1024x1xf32> to vector<1024x512xf32>
    %eq3A_437 = arith.cmpf oeq, %concatenate3A, %eq3A : vector<1024x512xf32>
    %jit3A_438 = arith.constant 1.07374182E+9 : f32
    %broadcast_in_dim3A_439 = vector.broadcast %jit3A_438 : f32 to vector<1024x512xf32>
    %select_n3A_440 = arith.select %eq3A_437, %concatenate3A_433, %broadcast_in_dim3A_439 : vector<1024x512xi1>, vector<1024x512xf32>
    %reduce_min3A_441 = arith.constant dense<0x7F800000> : vector<1024xf32>
    %reduce_min3A_442 = vector.multi_reduction <minimumf>, %select_n3A_440, %reduce_min3A_441 [1] : vector<1024x512xf32> to vector<1024xf32>
    %broadcast_in_dim3A_443 = vector.shape_cast %reduce_min3A_442 : vector<1024xf32> to vector<1024x1xf32>
    %convert_element_type3A_444 = arith.fptosi %broadcast_in_dim3A_443 : vector<1024x1xf32> to vector<1024x1xi32>
    %max3A_445 = arith.constant 0.000000e+00 : f32
    %max3A_446 = vector.broadcast %max3A_445 : f32 to vector<1024x1xf32>
    %max3A_447 = arith.maximumf %broadcast_in_dim3A_436, %max3A_446 : vector<1024x1xf32>
    %sqrt3A = math.sqrt %max3A_447 : vector<1024x1xf32>
    %add3A_448 = arith.constant 9.99999993E-9 : f32
    %add3A_449 = vector.broadcast %add3A_448 : f32 to vector<1024x1xf32>
    %add3A_450 = arith.addf %sqrt3A, %add3A_449 : vector<1024x1xf32>
    %eq3A_451 = vector.broadcast %convert_element_type3A_444 : vector<1024x1xi32> to vector<1024x512xi32>
    %eq3A_452 = arith.cmpi eq, %convert_element_type3A_434, %eq3A_451 : vector<1024x512xi32>
    %jit3A_453 = arith.constant 0x7F800000 : f32
    %broadcast_in_dim3A_454 = vector.broadcast %jit3A_453 : f32 to vector<1024x512xf32>
    %select_n3A_455 = arith.select %eq3A_452, %broadcast_in_dim3A_454, %concatenate3A : vector<1024x512xi1>, vector<1024x512xf32>
    %reduce_min3A_456 = arith.constant dense<0x7F800000> : vector<1024xf32>
    %reduce_min3A_457 = vector.multi_reduction <minimumf>, %select_n3A_455, %reduce_min3A_456 [1] : vector<1024x512xf32> to vector<1024xf32>
    %broadcast_in_dim3A_458 = vector.shape_cast %reduce_min3A_457 : vector<1024xf32> to vector<1024x1xf32>
    %eq3A_459 = vector.broadcast %broadcast_in_dim3A_458 : vector<1024x1xf32> to vector<1024x512xf32>
    %eq3A_460 = arith.cmpf oeq, %select_n3A_455, %eq3A_459 : vector<1024x512xf32>
    %jit3A_461 = arith.constant 1.07374182E+9 : f32
    %broadcast_in_dim3A_462 = vector.broadcast %jit3A_461 : f32 to vector<1024x512xf32>
    %select_n3A_463 = arith.select %eq3A_460, %concatenate3A_433, %broadcast_in_dim3A_462 : vector<1024x512xi1>, vector<1024x512xf32>
    %reduce_min3A_464 = arith.constant dense<0x7F800000> : vector<1024xf32>
    %reduce_min3A_465 = vector.multi_reduction <minimumf>, %select_n3A_463, %reduce_min3A_464 [1] : vector<1024x512xf32> to vector<1024xf32>
    %broadcast_in_dim3A_466 = vector.shape_cast %reduce_min3A_465 : vector<1024xf32> to vector<1024x1xf32>
    %convert_element_type3A_467 = arith.fptosi %broadcast_in_dim3A_466 : vector<1024x1xf32> to vector<1024x1xi32>
    %max3A_468 = arith.constant 0.000000e+00 : f32
    %max3A_469 = vector.broadcast %max3A_468 : f32 to vector<1024x1xf32>
    %max3A_470 = arith.maximumf %broadcast_in_dim3A_458, %max3A_469 : vector<1024x1xf32>
    %sqrt3A_471 = math.sqrt %max3A_470 : vector<1024x1xf32>
    %add3A_472 = arith.constant 9.99999993E-9 : f32
    %add3A_473 = vector.broadcast %add3A_472 : f32 to vector<1024x1xf32>
    %add3A_474 = arith.addf %sqrt3A_471, %add3A_473 : vector<1024x1xf32>
    %eq3A_475 = vector.broadcast %convert_element_type3A_467 : vector<1024x1xi32> to vector<1024x512xi32>
    %eq3A_476 = arith.cmpi eq, %convert_element_type3A_434, %eq3A_475 : vector<1024x512xi32>
    %jit3A_477 = arith.constant 0x7F800000 : f32
    %broadcast_in_dim3A_478 = vector.broadcast %jit3A_477 : f32 to vector<1024x512xf32>
    %select_n3A_479 = arith.select %eq3A_476, %broadcast_in_dim3A_478, %select_n3A_455 : vector<1024x512xi1>, vector<1024x512xf32>
    %reduce_min3A_480 = arith.constant dense<0x7F800000> : vector<1024xf32>
    %reduce_min3A_481 = vector.multi_reduction <minimumf>, %select_n3A_479, %reduce_min3A_480 [1] : vector<1024x512xf32> to vector<1024xf32>
    %broadcast_in_dim3A_482 = vector.shape_cast %reduce_min3A_481 : vector<1024xf32> to vector<1024x1xf32>
    %eq3A_483 = vector.broadcast %broadcast_in_dim3A_482 : vector<1024x1xf32> to vector<1024x512xf32>
    %eq3A_484 = arith.cmpf oeq, %select_n3A_479, %eq3A_483 : vector<1024x512xf32>
    %jit3A_485 = arith.constant 1.07374182E+9 : f32
    %broadcast_in_dim3A_486 = vector.broadcast %jit3A_485 : f32 to vector<1024x512xf32>
    %select_n3A_487 = arith.select %eq3A_484, %concatenate3A_433, %broadcast_in_dim3A_486 : vector<1024x512xi1>, vector<1024x512xf32>
    %reduce_min3A_488 = arith.constant dense<0x7F800000> : vector<1024xf32>
    %reduce_min3A_489 = vector.multi_reduction <minimumf>, %select_n3A_487, %reduce_min3A_488 [1] : vector<1024x512xf32> to vector<1024xf32>
    %broadcast_in_dim3A_490 = vector.shape_cast %reduce_min3A_489 : vector<1024xf32> to vector<1024x1xf32>
    %convert_element_type3A_491 = arith.fptosi %broadcast_in_dim3A_490 : vector<1024x1xf32> to vector<1024x1xi32>
    %max3A_492 = arith.constant 0.000000e+00 : f32
    %max3A_493 = vector.broadcast %max3A_492 : f32 to vector<1024x1xf32>
    %max3A_494 = arith.maximumf %broadcast_in_dim3A_482, %max3A_493 : vector<1024x1xf32>
    %sqrt3A_495 = math.sqrt %max3A_494 : vector<1024x1xf32>
    %add3A_496 = arith.constant 9.99999993E-9 : f32
    %add3A_497 = vector.broadcast %add3A_496 : f32 to vector<1024x1xf32>
    %add3A_498 = arith.addf %sqrt3A_495, %add3A_497 : vector<1024x1xf32>
    %div3A = arith.constant 1.000000e+00 : f32
    %div3A_499 = vector.broadcast %div3A : f32 to vector<1024x1xf32>
    %div3A_500 = arith.divf %div3A_499, %add3A_450 : vector<1024x1xf32>
    %div3A_501 = arith.constant 1.000000e+00 : f32
    %div3A_502 = vector.broadcast %div3A_501 : f32 to vector<1024x1xf32>
    %div3A_503 = arith.divf %div3A_502, %add3A_474 : vector<1024x1xf32>
    %div3A_504 = arith.constant 1.000000e+00 : f32
    %div3A_505 = vector.broadcast %div3A_504 : f32 to vector<1024x1xf32>
    %div3A_506 = arith.divf %div3A_505, %add3A_498 : vector<1024x1xf32>
    %add3A_507 = arith.addf %div3A_500, %div3A_503 : vector<1024x1xf32>
    %add3A_508 = arith.addf %add3A_507, %div3A_506 : vector<1024x1xf32>
    %div3A_509 = arith.divf %div3A_500, %add3A_508 : vector<1024x1xf32>
    %div3A_510 = arith.divf %div3A_503, %add3A_508 : vector<1024x1xf32>
    %div3A_511 = arith.divf %div3A_506, %add3A_508 : vector<1024x1xf32>
    %broadcast_in_dim3A_512 = arith.constant 0 : i32
    %broadcast_in_dim3A_513 = vector.broadcast %broadcast_in_dim3A_512 : i32 to vector<1024x1xi32>
    %broadcast_in_dim3A_514 = arith.constant 0.000000e+00 : f32
    %broadcast_in_dim3A_515 = vector.broadcast %broadcast_in_dim3A_514 : f32 to vector<1024x1xf32>
    %concatenate3A_516 = tpu.concatenate %convert_element_type3A_444, %convert_element_type3A_467, %convert_element_type3A_491, %broadcast_in_dim3A_513, %broadcast_in_dim3A_513, %broadcast_in_dim3A_513, %broadcast_in_dim3A_513, %broadcast_in_dim3A_513 in 1 : vector<1024x1xi32>, vector<1024x1xi32>, vector<1024x1xi32>, vector<1024x1xi32>, vector<1024x1xi32>, vector<1024x1xi32>, vector<1024x1xi32>, vector<1024x1xi32> -> vector<1024x8xi32>
    %transpose3A = tpu.transpose %concatenate3A_516, [1, 0] : vector<1024x8xi32> -> vector<8x1024xi32>
    %swap3A = arith.constant 0 : index
    %swap3A_517 = arith.constant 0 : index
    %swap3A_518 = vector.load %arg4[%swap3A, %swap3A_517] : memref<8x1024xi32, #tpu.memory_space<vmem>>, vector<8x1024xi32>
    tpu.vector_store %arg4[%swap3A, %swap3A_517], %transpose3A {strides = array<i32>} : memref<8x1024xi32, #tpu.memory_space<vmem>>, vector<8x1024xi32>,
    %concatenate3A_519 = tpu.concatenate %div3A_509, %div3A_510, %div3A_511, %broadcast_in_dim3A_515, %broadcast_in_dim3A_515, %broadcast_in_dim3A_515, %broadcast_in_dim3A_515, %broadcast_in_dim3A_515 in 1 : vector<1024x1xf32>, vector<1024x1xf32>, vector<1024x1xf32>, vector<1024x1xf32>, vector<1024x1xf32>, vector<1024x1xf32>, vector<1024x1xf32>, vector<1024x1xf32> -> vector<1024x8xf32>
    %swap3A_520 = arith.constant 0 : index
    %swap3A_521 = arith.constant 0 : index
    %swap3A_522 = vector.load %arg5[%swap3A_520, %swap3A_521] : memref<1024x8xf32, #tpu.memory_space<vmem>>, vector<1024x8xf32>
    tpu.vector_store %arg5[%swap3A_520, %swap3A_521], %concatenate3A_519 {strides = array<i32>} : memref<1024x8xf32, #tpu.memory_space<vmem>>, vector<1024x8xf32>,
    return
  }
  func.func @transform_0(%arg0: i32) -> (i32, i32) {
    %add3A = arith.constant 0 : i32
    %add3A_0 = arith.addi %arg0, %add3A : i32
    %c0_i32 = arith.constant 0 : i32
    %c0_i32_1 = arith.constant 0 : i32
    return %add3A_0, %c0_i32 : i32, i32
  }
  func.func @transform_1(%arg0: i32) -> (i32, i32) {
    %c0_i32 = arith.constant 0 : i32
    %c0_i32_0 = arith.constant 0 : i32
    %c0_i32_1 = arith.constant 0 : i32
    return %c0_i32, %c0_i32_0 : i32, i32
  }
  func.func @transform_2(%arg0: i32) -> (i32, i32) {
    %c0_i32 = arith.constant 0 : i32
    %c0_i32_0 = arith.constant 0 : i32
    %c0_i32_1 = arith.constant 0 : i32
    return %c0_i32, %c0_i32_0 : i32, i32
  }
  func.func @transform_3(%arg0: i32) -> (i32, i32) {
    %c0_i32 = arith.constant 0 : i32
    %c0_i32_0 = arith.constant 0 : i32
    return %c0_i32, %arg0 : i32, i32
  }
  func.func @transform_4(%arg0: i32) -> (i32, i32) {
    %c0_i32 = arith.constant 0 : i32
    %c0_i32_0 = arith.constant 0 : i32
    return %arg0, %c0_i32 : i32, i32
  }
}

module attributes {stable_mosaic.version = 14 : i64} {
  func.func @mlp_body(%arg0: i32, %arg1: memref<1024x128xf32, #tpu.memory_space<vmem>>, %arg2: memref<1024x128xf32, #tpu.memory_space<vmem>>, %arg3: memref<1024x128xf32, #tpu.memory_space<vmem>>, %arg4: memref<1024x128xf32, #tpu.memory_space<vmem>>, %arg5: memref<1024x8xf32, #tpu.memory_space<vmem>>, %arg6: memref<128x128xf32, #tpu.memory_space<vmem>>, %arg7: memref<128x128xf32, #tpu.memory_space<vmem>>, %arg8: memref<1x128xf32, #tpu.memory_space<vmem>>, %arg9: memref<128x128xf32, #tpu.memory_space<vmem>>, %arg10: memref<1x128xf32, #tpu.memory_space<vmem>>, %arg11: memref<1024x128xf32, #tpu.memory_space<vmem>>) attributes {dimension_semantics = [#tpu.dimension_semantics<arbitrary>], iteration_bounds = array<i64: 8>, scalar_prefetch = 0 : i64, scratch_operands = 0 : i64, tpu.core_type = #tpu.core_type<tc>, window_params = [{transform_indices = @transform_0, window_bounds = array<i64: 1024, 128>}, {transform_indices = @transform_1, window_bounds = array<i64: 1024, 128>}, {transform_indices = @transform_2, window_bounds = array<i64: 1024, 128>}, {transform_indices = @transform_3, window_bounds = array<i64: 1024, 128>}, {transform_indices = @transform_4, window_bounds = array<i64: 1024, 8>}, {pipeline_mode = #tpu.pipeline_mode<synchronous>, transform_indices = @transform_5, window_bounds = array<i64: 128, 128>}, {pipeline_mode = #tpu.pipeline_mode<synchronous>, transform_indices = @transform_6, window_bounds = array<i64: 128, 128>}, {pipeline_mode = #tpu.pipeline_mode<synchronous>, transform_indices = @transform_7, window_bounds = array<i64: 1, 128>}, {pipeline_mode = #tpu.pipeline_mode<synchronous>, transform_indices = @transform_8, window_bounds = array<i64: 128, 128>}, {pipeline_mode = #tpu.pipeline_mode<synchronous>, transform_indices = @transform_9, window_bounds = array<i64: 1, 128>}, {transform_indices = @transform_10, window_bounds = array<i64: 1024, 128>}]} {
    %get3A = arith.constant 0 : index
    %get3A_0 = arith.constant 0 : index
    %get3A_1 = vector.load %arg5[%get3A, %get3A_0] : memref<1024x8xf32, #tpu.memory_space<vmem>>, vector<1024x8xf32>
    %get3A_2 = arith.constant 0 : index
    %get3A_3 = arith.constant 0 : index
    %get3A_4 = vector.load %arg1[%get3A_2, %get3A_3] : memref<1024x128xf32, #tpu.memory_space<vmem>>, vector<1024x128xf32>
    %slice3A = vector.extract_strided_slice %get3A_1 {offsets = [0, 0], sizes = [1024, 1], strides = [1, 1]} : vector<1024x8xf32> to vector<1024x1xf32>
    %mul3A = vector.broadcast %slice3A : vector<1024x1xf32> to vector<1024x128xf32>
    %mul3A_5 = arith.mulf %get3A_4, %mul3A : vector<1024x128xf32>
    %get3A_6 = arith.constant 0 : index
    %get3A_7 = arith.constant 0 : index
    %get3A_8 = vector.load %arg2[%get3A_6, %get3A_7] : memref<1024x128xf32, #tpu.memory_space<vmem>>, vector<1024x128xf32>
    %slice3A_9 = vector.extract_strided_slice %get3A_1 {offsets = [0, 1], sizes = [1024, 1], strides = [1, 1]} : vector<1024x8xf32> to vector<1024x1xf32>
    %mul3A_10 = vector.broadcast %slice3A_9 : vector<1024x1xf32> to vector<1024x128xf32>
    %mul3A_11 = arith.mulf %get3A_8, %mul3A_10 : vector<1024x128xf32>
    %add3A = arith.addf %mul3A_5, %mul3A_11 : vector<1024x128xf32>
    %get3A_12 = arith.constant 0 : index
    %get3A_13 = arith.constant 0 : index
    %get3A_14 = vector.load %arg3[%get3A_12, %get3A_13] : memref<1024x128xf32, #tpu.memory_space<vmem>>, vector<1024x128xf32>
    %slice3A_15 = vector.extract_strided_slice %get3A_1 {offsets = [0, 2], sizes = [1024, 1], strides = [1, 1]} : vector<1024x8xf32> to vector<1024x1xf32>
    %mul3A_16 = vector.broadcast %slice3A_15 : vector<1024x1xf32> to vector<1024x128xf32>
    %mul3A_17 = arith.mulf %get3A_14, %mul3A_16 : vector<1024x128xf32>
    %add3A_18 = arith.addf %add3A, %mul3A_17 : vector<1024x128xf32>
    %get3A_19 = arith.constant 0 : index
    %get3A_20 = arith.constant 0 : index
    %get3A_21 = vector.load %arg6[%get3A_19, %get3A_20] : memref<128x128xf32, #tpu.memory_space<vmem>>, vector<128x128xf32>
    %dot_general3A = arith.constant dense<0.000000e+00> : vector<1024x128xf32>
    %dot_general3A_22 = tpu.matmul %add3A_18, %get3A_21, %dot_general3A {dimension_numbers = #tpu.dot_dimension_numbers<[1], [0], [0], [1], [0, 0, 1, 1], [], []>, transpose_lhs_hint = false} : vector<1024x128xf32>, vector<128x128xf32>, vector<1024x128xf32> -> vector<1024x128xf32>
    %get3A_23 = arith.constant 0 : index
    %get3A_24 = arith.constant 0 : index
    %get3A_25 = vector.load %arg4[%get3A_23, %get3A_24] : memref<1024x128xf32, #tpu.memory_space<vmem>>, vector<1024x128xf32>
    %get3A_26 = arith.constant 0 : index
    %get3A_27 = arith.constant 0 : index
    %get3A_28 = vector.load %arg7[%get3A_26, %get3A_27] : memref<128x128xf32, #tpu.memory_space<vmem>>, vector<128x128xf32>
    %dot_general3A_29 = arith.constant dense<0.000000e+00> : vector<1024x128xf32>
    %dot_general3A_30 = tpu.matmul %get3A_25, %get3A_28, %dot_general3A_29 {dimension_numbers = #tpu.dot_dimension_numbers<[1], [0], [0], [1], [0, 0, 1, 1], [], []>, transpose_lhs_hint = false} : vector<1024x128xf32>, vector<128x128xf32>, vector<1024x128xf32> -> vector<1024x128xf32>
    %add3A_31 = arith.addf %dot_general3A_22, %dot_general3A_30 : vector<1024x128xf32>
    %get3A_32 = arith.constant 0 : index
    %get3A_33 = arith.constant 0 : index
    %get3A_34 = vector.load %arg8[%get3A_32, %get3A_33] : memref<1x128xf32, #tpu.memory_space<vmem>>, vector<1x128xf32>
    %add3A_35 = vector.broadcast %get3A_34 : vector<1x128xf32> to vector<1024x128xf32>
    %add3A_36 = arith.addf %add3A_31, %add3A_35 : vector<1024x128xf32>
    %max3A = arith.constant 0.000000e+00 : f32
    %max3A_37 = vector.broadcast %max3A : f32 to vector<1024x128xf32>
    %max3A_38 = arith.maximumf %add3A_36, %max3A_37 : vector<1024x128xf32>
    %get3A_39 = arith.constant 0 : index
    %get3A_40 = arith.constant 0 : index
    %get3A_41 = vector.load %arg9[%get3A_39, %get3A_40] : memref<128x128xf32, #tpu.memory_space<vmem>>, vector<128x128xf32>
    %dot_general3A_42 = arith.constant dense<0.000000e+00> : vector<1024x128xf32>
    %dot_general3A_43 = tpu.matmul %max3A_38, %get3A_41, %dot_general3A_42 {dimension_numbers = #tpu.dot_dimension_numbers<[1], [0], [0], [1], [0, 0, 1, 1], [], []>, transpose_lhs_hint = false} : vector<1024x128xf32>, vector<128x128xf32>, vector<1024x128xf32> -> vector<1024x128xf32>
    %get3A_44 = arith.constant 0 : index
    %get3A_45 = arith.constant 0 : index
    %get3A_46 = vector.load %arg10[%get3A_44, %get3A_45] : memref<1x128xf32, #tpu.memory_space<vmem>>, vector<1x128xf32>
    %add3A_47 = vector.broadcast %get3A_46 : vector<1x128xf32> to vector<1024x128xf32>
    %add3A_48 = arith.addf %dot_general3A_43, %add3A_47 : vector<1024x128xf32>
    %swap3A = arith.constant 0 : index
    %swap3A_49 = arith.constant 0 : index
    %swap3A_50 = vector.load %arg11[%swap3A, %swap3A_49] : memref<1024x128xf32, #tpu.memory_space<vmem>>, vector<1024x128xf32>
    tpu.vector_store %arg11[%swap3A, %swap3A_49], %add3A_48 {strides = array<i32>} : memref<1024x128xf32, #tpu.memory_space<vmem>>, vector<1024x128xf32>,
    return
  }
  func.func @transform_0(%arg0: i32) -> (i32, i32) {
    %c0_i32 = arith.constant 0 : i32
    %c0_i32_0 = arith.constant 0 : i32
    return %arg0, %c0_i32 : i32, i32
  }
  func.func @transform_1(%arg0: i32) -> (i32, i32) {
    %c0_i32 = arith.constant 0 : i32
    %c0_i32_0 = arith.constant 0 : i32
    return %arg0, %c0_i32 : i32, i32
  }
  func.func @transform_2(%arg0: i32) -> (i32, i32) {
    %c0_i32 = arith.constant 0 : i32
    %c0_i32_0 = arith.constant 0 : i32
    return %arg0, %c0_i32 : i32, i32
  }
  func.func @transform_3(%arg0: i32) -> (i32, i32) {
    %add3A = arith.constant 8 : i32
    %add3A_0 = arith.addi %arg0, %add3A : i32
    %c0_i32 = arith.constant 0 : i32
    %c0_i32_1 = arith.constant 0 : i32
    return %add3A_0, %c0_i32 : i32, i32
  }
  func.func @transform_4(%arg0: i32) -> (i32, i32) {
    %c0_i32 = arith.constant 0 : i32
    %c0_i32_0 = arith.constant 0 : i32
    return %arg0, %c0_i32 : i32, i32
  }
  func.func @transform_5(%arg0: i32) -> (i32, i32) {
    %c0_i32 = arith.constant 0 : i32
    %c0_i32_0 = arith.constant 0 : i32
    %c0_i32_1 = arith.constant 0 : i32
    return %c0_i32, %c0_i32_0 : i32, i32
  }
  func.func @transform_6(%arg0: i32) -> (i32, i32) {
    %c0_i32 = arith.constant 0 : i32
    %c0_i32_0 = arith.constant 0 : i32
    %c0_i32_1 = arith.constant 0 : i32
    return %c0_i32, %c0_i32_0 : i32, i32
  }
  func.func @transform_7(%arg0: i32) -> (i32, i32) {
    %c0_i32 = arith.constant 0 : i32
    %c0_i32_0 = arith.constant 0 : i32
    %c0_i32_1 = arith.constant 0 : i32
    return %c0_i32, %c0_i32_0 : i32, i32
  }
  func.func @transform_8(%arg0: i32) -> (i32, i32) {
    %c0_i32 = arith.constant 0 : i32
    %c0_i32_0 = arith.constant 0 : i32
    %c0_i32_1 = arith.constant 0 : i32
    return %c0_i32, %c0_i32_0 : i32, i32
  }
  func.func @transform_9(%arg0: i32) -> (i32, i32) {
    %c0_i32 = arith.constant 0 : i32
    %c0_i32_0 = arith.constant 0 : i32
    %c0_i32_1 = arith.constant 0 : i32
    return %c0_i32, %c0_i32_0 : i32, i32
  }
  func.func @transform_10(%arg0: i32) -> (i32, i32) {
    %c0_i32 = arith.constant 0 : i32
    %c0_i32_0 = arith.constant 0 : i32
    return %arg0, %c0_i32 : i32, i32
  }
}

module attributes {stable_mosaic.version = 14 : i64} {
  func.func @mlp_body(%arg0: i32, %arg1: memref<1024x128xf32, #tpu.memory_space<vmem>>, %arg2: memref<1024x128xf32, #tpu.memory_space<vmem>>, %arg3: memref<1024x128xf32, #tpu.memory_space<vmem>>, %arg4: memref<1024x128xf32, #tpu.memory_space<vmem>>, %arg5: memref<1024x8xf32, #tpu.memory_space<vmem>>, %arg6: memref<128x128xf32, #tpu.memory_space<vmem>>, %arg7: memref<128x128xf32, #tpu.memory_space<vmem>>, %arg8: memref<1x128xf32, #tpu.memory_space<vmem>>, %arg9: memref<128x128xf32, #tpu.memory_space<vmem>>, %arg10: memref<1x128xf32, #tpu.memory_space<vmem>>, %arg11: memref<1024x128xf32, #tpu.memory_space<vmem>>) attributes {dimension_semantics = [#tpu.dimension_semantics<arbitrary>], iteration_bounds = array<i64: 8>, scalar_prefetch = 0 : i64, scratch_operands = 0 : i64, tpu.core_type = #tpu.core_type<tc>, window_params = [{transform_indices = @transform_0, window_bounds = array<i64: 1024, 128>}, {transform_indices = @transform_1, window_bounds = array<i64: 1024, 128>}, {transform_indices = @transform_2, window_bounds = array<i64: 1024, 128>}, {transform_indices = @transform_3, window_bounds = array<i64: 1024, 128>}, {transform_indices = @transform_4, window_bounds = array<i64: 1024, 8>}, {pipeline_mode = #tpu.pipeline_mode<synchronous>, transform_indices = @transform_5, window_bounds = array<i64: 128, 128>}, {pipeline_mode = #tpu.pipeline_mode<synchronous>, transform_indices = @transform_6, window_bounds = array<i64: 128, 128>}, {pipeline_mode = #tpu.pipeline_mode<synchronous>, transform_indices = @transform_7, window_bounds = array<i64: 1, 128>}, {pipeline_mode = #tpu.pipeline_mode<synchronous>, transform_indices = @transform_8, window_bounds = array<i64: 128, 128>}, {pipeline_mode = #tpu.pipeline_mode<synchronous>, transform_indices = @transform_9, window_bounds = array<i64: 1, 128>}, {transform_indices = @transform_10, window_bounds = array<i64: 1024, 128>}]} {
    %get3A = arith.constant 0 : index
    %get3A_0 = arith.constant 0 : index
    %get3A_1 = vector.load %arg5[%get3A, %get3A_0] : memref<1024x8xf32, #tpu.memory_space<vmem>>, vector<1024x8xf32>
    %get3A_2 = arith.constant 0 : index
    %get3A_3 = arith.constant 0 : index
    %get3A_4 = vector.load %arg1[%get3A_2, %get3A_3] : memref<1024x128xf32, #tpu.memory_space<vmem>>, vector<1024x128xf32>
    %slice3A = vector.extract_strided_slice %get3A_1 {offsets = [0, 0], sizes = [1024, 1], strides = [1, 1]} : vector<1024x8xf32> to vector<1024x1xf32>
    %mul3A = vector.broadcast %slice3A : vector<1024x1xf32> to vector<1024x128xf32>
    %mul3A_5 = arith.mulf %get3A_4, %mul3A : vector<1024x128xf32>
    %get3A_6 = arith.constant 0 : index
    %get3A_7 = arith.constant 0 : index
    %get3A_8 = vector.load %arg2[%get3A_6, %get3A_7] : memref<1024x128xf32, #tpu.memory_space<vmem>>, vector<1024x128xf32>
    %slice3A_9 = vector.extract_strided_slice %get3A_1 {offsets = [0, 1], sizes = [1024, 1], strides = [1, 1]} : vector<1024x8xf32> to vector<1024x1xf32>
    %mul3A_10 = vector.broadcast %slice3A_9 : vector<1024x1xf32> to vector<1024x128xf32>
    %mul3A_11 = arith.mulf %get3A_8, %mul3A_10 : vector<1024x128xf32>
    %add3A = arith.addf %mul3A_5, %mul3A_11 : vector<1024x128xf32>
    %get3A_12 = arith.constant 0 : index
    %get3A_13 = arith.constant 0 : index
    %get3A_14 = vector.load %arg3[%get3A_12, %get3A_13] : memref<1024x128xf32, #tpu.memory_space<vmem>>, vector<1024x128xf32>
    %slice3A_15 = vector.extract_strided_slice %get3A_1 {offsets = [0, 2], sizes = [1024, 1], strides = [1, 1]} : vector<1024x8xf32> to vector<1024x1xf32>
    %mul3A_16 = vector.broadcast %slice3A_15 : vector<1024x1xf32> to vector<1024x128xf32>
    %mul3A_17 = arith.mulf %get3A_14, %mul3A_16 : vector<1024x128xf32>
    %add3A_18 = arith.addf %add3A, %mul3A_17 : vector<1024x128xf32>
    %get3A_19 = arith.constant 0 : index
    %get3A_20 = arith.constant 0 : index
    %get3A_21 = vector.load %arg6[%get3A_19, %get3A_20] : memref<128x128xf32, #tpu.memory_space<vmem>>, vector<128x128xf32>
    %dot_general3A = arith.constant dense<0.000000e+00> : vector<1024x128xf32>
    %dot_general3A_22 = tpu.matmul %add3A_18, %get3A_21, %dot_general3A {dimension_numbers = #tpu.dot_dimension_numbers<[1], [0], [0], [1], [0, 0, 1, 1], [], []>, transpose_lhs_hint = false} : vector<1024x128xf32>, vector<128x128xf32>, vector<1024x128xf32> -> vector<1024x128xf32>
    %get3A_23 = arith.constant 0 : index
    %get3A_24 = arith.constant 0 : index
    %get3A_25 = vector.load %arg4[%get3A_23, %get3A_24] : memref<1024x128xf32, #tpu.memory_space<vmem>>, vector<1024x128xf32>
    %get3A_26 = arith.constant 0 : index
    %get3A_27 = arith.constant 0 : index
    %get3A_28 = vector.load %arg7[%get3A_26, %get3A_27] : memref<128x128xf32, #tpu.memory_space<vmem>>, vector<128x128xf32>
    %dot_general3A_29 = arith.constant dense<0.000000e+00> : vector<1024x128xf32>
    %dot_general3A_30 = tpu.matmul %get3A_25, %get3A_28, %dot_general3A_29 {dimension_numbers = #tpu.dot_dimension_numbers<[1], [0], [0], [1], [0, 0, 1, 1], [], []>, transpose_lhs_hint = false} : vector<1024x128xf32>, vector<128x128xf32>, vector<1024x128xf32> -> vector<1024x128xf32>
    %add3A_31 = arith.addf %dot_general3A_22, %dot_general3A_30 : vector<1024x128xf32>
    %get3A_32 = arith.constant 0 : index
    %get3A_33 = arith.constant 0 : index
    %get3A_34 = vector.load %arg8[%get3A_32, %get3A_33] : memref<1x128xf32, #tpu.memory_space<vmem>>, vector<1x128xf32>
    %add3A_35 = vector.broadcast %get3A_34 : vector<1x128xf32> to vector<1024x128xf32>
    %add3A_36 = arith.addf %add3A_31, %add3A_35 : vector<1024x128xf32>
    %max3A = arith.constant 0.000000e+00 : f32
    %max3A_37 = vector.broadcast %max3A : f32 to vector<1024x128xf32>
    %max3A_38 = arith.maximumf %add3A_36, %max3A_37 : vector<1024x128xf32>
    %get3A_39 = arith.constant 0 : index
    %get3A_40 = arith.constant 0 : index
    %get3A_41 = vector.load %arg9[%get3A_39, %get3A_40] : memref<128x128xf32, #tpu.memory_space<vmem>>, vector<128x128xf32>
    %dot_general3A_42 = arith.constant dense<0.000000e+00> : vector<1024x128xf32>
    %dot_general3A_43 = tpu.matmul %max3A_38, %get3A_41, %dot_general3A_42 {dimension_numbers = #tpu.dot_dimension_numbers<[1], [0], [0], [1], [0, 0, 1, 1], [], []>, transpose_lhs_hint = false} : vector<1024x128xf32>, vector<128x128xf32>, vector<1024x128xf32> -> vector<1024x128xf32>
    %get3A_44 = arith.constant 0 : index
    %get3A_45 = arith.constant 0 : index
    %get3A_46 = vector.load %arg10[%get3A_44, %get3A_45] : memref<1x128xf32, #tpu.memory_space<vmem>>, vector<1x128xf32>
    %add3A_47 = vector.broadcast %get3A_46 : vector<1x128xf32> to vector<1024x128xf32>
    %add3A_48 = arith.addf %dot_general3A_43, %add3A_47 : vector<1024x128xf32>
    %swap3A = arith.constant 0 : index
    %swap3A_49 = arith.constant 0 : index
    %swap3A_50 = vector.load %arg11[%swap3A, %swap3A_49] : memref<1024x128xf32, #tpu.memory_space<vmem>>, vector<1024x128xf32>
    tpu.vector_store %arg11[%swap3A, %swap3A_49], %add3A_48 {strides = array<i32>} : memref<1024x128xf32, #tpu.memory_space<vmem>>, vector<1024x128xf32>,
    return
  }
  func.func @transform_0(%arg0: i32) -> (i32, i32) {
    %c0_i32 = arith.constant 0 : i32
    %c0_i32_0 = arith.constant 0 : i32
    return %arg0, %c0_i32 : i32, i32
  }
  func.func @transform_1(%arg0: i32) -> (i32, i32) {
    %c0_i32 = arith.constant 0 : i32
    %c0_i32_0 = arith.constant 0 : i32
    return %arg0, %c0_i32 : i32, i32
  }
  func.func @transform_2(%arg0: i32) -> (i32, i32) {
    %c0_i32 = arith.constant 0 : i32
    %c0_i32_0 = arith.constant 0 : i32
    return %arg0, %c0_i32 : i32, i32
  }
  func.func @transform_3(%arg0: i32) -> (i32, i32) {
    %add3A = arith.constant 0 : i32
    %add3A_0 = arith.addi %arg0, %add3A : i32
    %c0_i32 = arith.constant 0 : i32
    %c0_i32_1 = arith.constant 0 : i32
    return %add3A_0, %c0_i32 : i32, i32
  }
  func.func @transform_4(%arg0: i32) -> (i32, i32) {
    %c0_i32 = arith.constant 0 : i32
    %c0_i32_0 = arith.constant 0 : i32
    return %arg0, %c0_i32 : i32, i32
  }
  func.func @transform_5(%arg0: i32) -> (i32, i32) {
    %c0_i32 = arith.constant 0 : i32
    %c0_i32_0 = arith.constant 0 : i32
    %c0_i32_1 = arith.constant 0 : i32
    return %c0_i32, %c0_i32_0 : i32, i32
  }
  func.func @transform_6(%arg0: i32) -> (i32, i32) {
    %c0_i32 = arith.constant 0 : i32
    %c0_i32_0 = arith.constant 0 : i32
    %c0_i32_1 = arith.constant 0 : i32
    return %c0_i32, %c0_i32_0 : i32, i32
  }
  func.func @transform_7(%arg0: i32) -> (i32, i32) {
    %c0_i32 = arith.constant 0 : i32
    %c0_i32_0 = arith.constant 0 : i32
    %c0_i32_1 = arith.constant 0 : i32
    return %c0_i32, %c0_i32_0 : i32, i32
  }
  func.func @transform_8(%arg0: i32) -> (i32, i32) {
    %c0_i32 = arith.constant 0 : i32
    %c0_i32_0 = arith.constant 0 : i32
    %c0_i32_1 = arith.constant 0 : i32
    return %c0_i32, %c0_i32_0 : i32, i32
  }
  func.func @transform_9(%arg0: i32) -> (i32, i32) {
    %c0_i32 = arith.constant 0 : i32
    %c0_i32_0 = arith.constant 0 : i32
    %c0_i32_1 = arith.constant 0 : i32
    return %c0_i32, %c0_i32_0 : i32, i32
  }
  func.func @transform_10(%arg0: i32) -> (i32, i32) {
    %c0_i32 = arith.constant 0 : i32
    %c0_i32_0 = arith.constant 0 : i32
    return %arg0, %c0_i32 : i32, i32
  }
}

</mosaic_0001>

<sc_bundles>
// kernel: kernel.11.cloned.1.call-start
scs
__scs_entry_jumppad:
0x0: {  	(pc) =	sbr.rel $0x88, $3  }
0x1: {  	(tag) =	ssettag $0x0;
	lr =	simm.s32 $0x1  }
0x2: {  	[smem:$0x3F99] =	sst lr;
	_ =	strace $0xD0000000  }
0x3: {  	_ = 	snop  }
0x4: {  	_ = 	snop  }
0x5: {  	_ = 	snop  }
0x6: {  	_ = 	snop  }
0x7: {  	_ = 	snop  }
__scs_overlays_trampoline_lowered:
0x8: {  	[smem:$0x3FA8] =	sst s0  }
0x9: {  	[smem:$0x3FA9] =	sst s1  }
0xa: {  	[smem:$0x3FAA] =	sst s2  }
0xb: {  	[smem:$0x3FAB] =	sst s3  }
0xc: {  	[smem:$0x3FAC] =	sst s4  }
0xd: {  	[smem:$0x3FAD] =	sst s5  }
0xe: {  	[smem:$0x3FAE] =	sst s6  }
0xf: {  	[smem:$0x3FAF] =	sst s7  }
0x10: {  	[smem:$0x3FB0] =	sst s8  }
0x11: {  	[smem:$0x3FB1] =	sst s9;
	s0 =	simm.s32 @!p0 $0x0  }
0x12: {  	s1 =	sld [smem:$0x3F97];
	s0 =	simm.s32 @p0 $0x1  }
0x13: {  	[smem:$0x3FB2] =	sst s0;
	s0 =	simm.s32 @!p1 $0x0  }
0x14: {  	s2 =	sld [smem:$0x3F96];
	s0 =	simm.s32 @p1 $0x1  }
0x15: {  	[smem:$0x3FB3] =	sst s0;
	s0 =	simm.s32 @!p2 $0x0  }
0x16: {  	s3 =	sld [smem:$0x3FDB];
	s0 =	simm.s32 @p2 $0x1  }
0x17: {  	s4 =	simm.s32 $0x1BF5;
	[smem:$0x3FB5] =	sst s0  }
0x18: {  	s0 =	sld [smem:$0x3F98];
	_ =	swait.ge [sflag:s4], $0x0  }
0x19: {  	s7 =	sld [smem:$0x3F99]  }
0x1a: {  	s8 =	sadd.s32 $0xFFFFE003, lr  }
0x1b: {  	s9 =	sadd.s32 $0xFFFFFEF7, lr;
	s5 =	simm.s32 $0xFFFFFFFF;
	p2 =	slt.u32 s8, $0xFFFFF086  }
0x1c: {  	p1 =	slt.u32 s9, $0xF7A;
	s5 =	simm.s32 @!p2 $0x0  }
0x1d: {  	s5 =	simm.s32 @p1 $0x1;
	p0 =	seq.s32 s7, s2  }
0x1e: {  	s7 =	smul.u32 @!p0 $0xF7A, s2;
	p2 =	seq.s32 @!p0 s5, $0x0  }
0x1f: {  	s9 =	smul.u32 $0xF7A, s1;
	s8 =	simm.s32 @!p0 $0x1BF5;
	p2 =	por !p2, p0  }
0x20: {  	[sflag:s8] =	ssyncset.s32 @!p0 $0xFFFFF086;
	s6 =	sadd.s32 @!p0 s3, s7;
	s7 =	simm.s32 @!p0 $0x108  }
0x21: {  	s3 =	sadd.s32 s3, s9;
	s6 =	sadd.s32 @!p0 $0x88, s6;
	s7 =	simm.s32 @p2 $0x1082  }
0x22: {  	[simem:s7], [sflag:s8] =	dma.local @!p0 [hbm:s6], $0xF7A  }
0x23: {  	s9 =	sor.u32 $0xD0000000, s2;
	s6 =	simm.s32 $0x108;
	_ =	swait.ge @!p0 [sflag:s8], $0x0  }
0x24: {  	s3 =	sadd.s32 $0x88, s3;
	s6 =	simm.s32 @!p1 $0x1082;
	[sflag:s4] =	ssyncset.s32 $0xFFFFF086  }
0x25: {  	[simem:s6], [sflag:s4] =	dma.local [hbm:s3], $0xF7A  }
0x26: {  	[smem:$0x3F99] =	sst s1;
	(tag) =	ssettag s2;
	_ =	strace s9  }
0x27: {  	s1 =	sld [smem:$0x3FA9]  }
0x28: {  	s2 =	sld [smem:$0x3FAA]  }
0x29: {  	s4 =	sld [smem:$0x3FAC]  }
0x2a: {  	p0 =	seq.s32 s5, $0x0;
	s5 =	sld [smem:$0x3FAD]  }
0x2b: {  	s6 =	sld [smem:$0x3FAE]  }
0x2c: {  	s7 =	sld [smem:$0x3FAF]  }
0x2d: {  	s3 =	simm.s32 $0x108;
	s8 =	sld [smem:$0x3FB0]  }
0x2e: {  	s3 =	simm.s32 @!p0 $0x1082;
	s9 =	sld [smem:$0x3FB1]  }
0x2f: {  	lr =	sadd.s32 s0, s3;
	s0 =	sld [smem:$0x3FA8]  }
0x30: {  	s3 =	sld [smem:$0x3FAB]  }
0x31: {  	[smem:$0x3FB4] =	sst s10  }
0x32: {  	s10 =	sld [smem:$0x3FB2];
	_ =	sdelay $0x3  }
0x33: {  	p0 =	seq.s32 s10, $0x1;
	s10 =	sld [smem:$0x3FB4];
	_ =	sdelay $0x3  }
0x34: {  	[smem:$0x3FB4] =	sst s10  }
0x35: {  	s10 =	sld [smem:$0x3FB3];
	_ =	sdelay $0x3  }
0x36: {  	p1 =	seq.s32 s10, $0x1;
	s10 =	sld [smem:$0x3FB4];
	_ =	sdelay $0x3  }
0x37: {  	[smem:$0x3FB4] =	sst s10  }
0x38: {  	s10 =	sld [smem:$0x3FB5]  }
0x39: {  	_ = 	snop;
	(pc) =	sbr.ind lr, $3  }
0x3a: {  	_ = 	snop  }
0x3b: {  	_ = 	snop  }
0x3c: {  	p2 =	seq.s32 s10, $0x1;
	s10 =	sld [smem:$0x3FB4]  }
0x3d: {  	_ =	shalt  }
0x3e: {  	_ =	shalt  }
0x3f: {  	_ =	shalt  }
0x40: {  	_ =	shalt  }
0x41: {  	_ =	shalt  }
0x42: {  	_ =	shalt  }
0x43: {  	_ =	shalt  }
0x44: {  	_ =	shalt  }
0x45: {  	_ =	shalt  }
0x46: {  	_ =	shalt  }
0x47: {  	_ =	shalt  }
0x48: {  	_ =	shalt  }
0x49: {  	_ =	shalt  }
0x4a: {  	_ =	shalt  }
0x4b: {  	_ =	shalt  }
0x4c: {  	_ =	shalt  }
0x4d: {  	_ =	shalt  }
0x4e: {  	_ =	shalt  }
0x4f: {  	_ =	shalt  }
0x50: {  	_ =	shalt  }
0x51: {  	_ =	shalt  }
0x52: {  	_ =	shalt  }
0x53: {  	_ =	shalt  }
0x54: {  	_ =	shalt  }
0x55: {  	_ =	shalt  }
0x56: {  	_ =	shalt  }
0x57: {  	_ =	shalt  }
0x58: {  	_ =	shalt  }
0x59: {  	_ =	shalt  }
0x5a: {  	_ =	shalt  }
0x5b: {  	_ =	shalt  }
0x5c: {  	_ =	shalt  }
0x5d: {  	_ =	shalt  }
0x5e: {  	_ =	shalt  }
0x5f: {  	_ =	shalt  }
0x60: {  	_ =	shalt  }
0x61: {  	_ =	shalt  }
0x62: {  	_ =	shalt  }
0x63: {  	_ =	shalt  }
0x64: {  	_ =	shalt  }
0x65: {  	_ =	shalt  }
0x66: {  	_ =	shalt  }
0x67: {  	_ =	shalt  }
0x68: {  	_ =	shalt  }
0x69: {  	_ =	shalt  }
0x6a: {  	_ =	shalt  }
0x6b: {  	_ =	shalt  }
0x6c: {  	_ =	shalt  }
0x6d: {  	_ =	shalt  }
0x6e: {  	_ =	shalt  }
0x6f: {  	_ =	shalt  }
0x70: {  	_ =	shalt  }
0x71: {  	_ =	shalt  }
0x72: {  	_ =	shalt  }
0x73: {  	_ =	shalt  }
0x74: {  	_ =	shalt  }
0x75: {  	_ =	shalt  }
0x76: {  	_ =	shalt  }
0x77: {  	_ =	shalt  }
0x78: {  	_ =	shalt  }
0x79: {  	_ =	shalt  }
0x7a: {  	_ =	shalt  }
0x7b: {  	_ =	shalt  }
0x7c: {  	_ =	shalt  }
0x7d: {  	_ =	shalt  }
0x7e: {  	_ =	shalt  }
0x7f: {  	_ =	shalt  }
0x80: {  	_ =	shalt  }
0x81: {  	_ =	shalt  }
0x82: {  	_ =	shalt  }
0x83: {  	_ =	shalt  }
0x84: {  	_ =	shalt  }
0x85: {  	_ =	shalt  }
0x86: {  	_ =	shalt  }
0x87: {  	_ =	shalt  }
.Lfunc_end0:
.L_simem_size_0:
called_computation.1_lowered:
.L_overlay_start_0:
0x88: {  	s2 =	sld [smem:$0x3FD9]  }
0x89: {  	s3 =	sld [smem:$0x3FFE];
	_ =	sdelay $0x1  }
0x8a: {  	s1 =	srdreg.scid  }
0x8b: {  	s0 =	sand.u32 $0x1, s1  }
0x8c: {  	s17 =	sshll.u32 s0, $0xA;
	s2 =	sadd.s32 s3, s2  }
0x8d: {  	s2 =	sadd.s32 s2, s17  }
0x8e: {  	[smem:$0x3FC0] =	sst s2  }
0x8f: {  	_ = 	snop  }
0x90: {  	s2 =	sld [smem:$0x3FC9];
	(tm) =	ssettm $0x1  }
0x91: {  	s18 =	sld [smem:$0x3FFB];
	_ =	sdelay $0x3  }
0x92: {  	_ =	strace s18  }
0x93: {  	s3 =	sld [smem:$0x3FFC];
	_ =	sdelay $0x3  }
0x94: {  	_ =	strace s3  }
0x95: {  	s3 =	sld [smem:$0x3FFD];
	_ =	sdelay $0x3  }
0x96: {  	_ =	strace s3  }
0x97: {  	_ =	strace $0x8FFFFFFF  }
0x98: {  	s19 =	sld [smem:$0x3FDB];
	_ =	sdelay $0x1  }
0x99: {  	s4 =	simm.s32 $_scs_section_size  }
0x9a: {  	s5 =	simm.s32 $_size__tile_overlayer_lowered;
	s6 =	simm.s32 $_tile_overlayer_lowered  }
0x9b: {  	s22 =	simm.s32 $0x1BFF;
	s21 =	sshll.u32 s6, $0x1;
	s3 =	sadd.s32 s4, s19  }
0x9c: {  	s7 =	simm.s32 $0x0;
	s20 =	sshll.u32 s5, $0x1;
	s5 =	sadd.s32 s21, s3  }
0x9d: {  	[timem:s7], [sflag:s22] =	dma.local [hbm:s5], s20  }
0x9e: {  	_ =	swait.ge [sflag:s22], s20  }
0x9f: {  	s4 =	ssub.s32 $0x0, s20;
	[sflag:s22] =	ssyncset.done $0x0  }
0xa0: {  	[sflag:s22] =	ssyncadd.s32 s4;
	_ =	sdelay $0x1  }
0xa1: {  	s23 =	simm.s32 $0x1B8B  }
0xa2: {  	_ =	swait.ge [sflag:s23], $0x1  }
0xa3: {  	[sflag:s23] =	ssyncset.done $0x0  }
0xa4: {  	s25 =	simm.s32 $0x1B8E;
	s24 =	sld [smem:$0x3FFE];
	[sflag:s23] =	ssyncadd.s32 $0xFFFFFFFF  }
0xa5: {  	s26 =	simm.s32 $execute0_lowered;
	[smem:$0x3FD2] =	sst s25  }
0xa6: {  	s5 =	sshll.u32 s26, $0x1;
	_ =	strace $0x80000046;
	[dreg:$0x1] =	wrdreg $0xFFFFFFFF  }
0xa7: {  	s28 =	simm.s32 $_size_execute0_lowered;
	s3 =	sadd.s32 s3, s5;
	[dreg:$0x0] =	wrdreg $0x0  }
0xa8: {  	s5 =	sshll.u32 s28, $0x1;
	[dreg:$0x2] =	wrdreg s3  }
0xa9: {  	[dreg:$0x3] =	wrdreg s5  }
0xaa: {  	[dreg:$0x4] =	wrdreg $0xC0  }
0xab: {  	_ =	task [dreg:s7], $0x5FFFF  }
0xac: {  	[dreg:$0x1] =	wrdreg $0xFFFFFFFF  }
0xad: {  	[dreg:$0x0] =	wrdreg $0x60  }
0xae: {  	[dreg:$0x2] =	wrdreg s2  }
0xaf: {  	[dreg:$0x3] =	wrdreg s24  }
0xb0: {  	[dreg:$0x4] =	wrdreg $0xA  }
0xb1: {  	_ =	task.clear_ibuf [dreg:s7], $0x5FFFF;
	_ =	strace $0x90000046  }
0xb2: {  	s29 =	simm.s32 $0xA;
	_ =	strace $0x80000048  }
0xb3: {  	_ =	swait.ge [sflag:s29], $0x1  }
0xb4: {  	[sflag:s29] =	ssyncadd.s32 $0xFFFFFFFF  }
0xb5: {  	_ =	strace $0x90000048  }
0xb6: {  	_ =	sfence  }
0xb7: {  	s30 =	sld [smem:$0x0];
	_ =	sdelay $0x2  }
0xb8: {  	s31 =	sshll.u32 s1, $0xD;
	s1 =	sshrl.u32 s1, $0x2  }
0xb9: {  	s3 =	sand.u32 $0x4000, s31;
	s1 =	sadd.s32 s1, s30  }
0xba: {  	s0 =	sor.u32 s3, s0;
	s1 =	sshll.u32 s1, $0x11  }
0xbb: {  	s0 =	sor.u32 s1, s0  }
0xbc: {  	s0 =	sadd.s32 $0x8F2B, s0  }
0xbd: {  	[sflag:s0] =	ssyncadd.remote.s32 $0x1  }
0xbe: {  	_ =	sfence.sel $0xFFFF  }
0xbf: {  	[dreg:$0x0] =	wrdreg $0xFFFFFFFF;
	(pc) =	sbr.abs _section_cstart, $3  }
0xc0: {  	[dreg:$0x1] =	wrdreg $0xFFFFFFFF  }
0xc1: {  	_ =	task.clear_ibuf [dreg:s7], $0x2FFFF;
	_ =	strace $0x9FFFFFFF  }
0xc2: {  	(tm) =	ssettm $0x7FFFFFFF  }
0xc3: {  	_ =	shalt  }
tec
execute0_lowered:
.L_overlay_start_1:
0x0: {  	(tag) =	ssettag $0x1  }
0x1: {  	s1 =	srdreg.scid;
	s0 =	stileid.u32  }
0x2: {  	s2 =	rddreg [dreg:$0x0];
	s22 =	sand.u32 $0x1, s1;
	s30 =	sshll.u32 s0, $0x1  }
0x3: {  	s21 =	rddreg [dreg:$0x1];
	s14 =	sor.u32 s22, s30  }
0x4: {  	s3 =	simm.s32 $0x0;
	s1 =	rddreg [dreg:$0x2];
	s4 =	sshll.u32 s14, $0x5  }
0x5: {  	[smem:$0x7FF] =	sst s3;
	s8 =	sadd.s32 s4, s21  }
0x6: {  	_ =	strace $0x80000047;
	s4 =	simm.s32 $0x3;
	s5 =	sadd.s32 $0x2A00, s8  }
0x7: {  	[tilespmem:s3], [sflag:$0x3] =	stream.linear.gather [hbm4b:s5+s3], $0x100, $0x38;
	[tilespmem:$0x8300] =	vst v63  }
0x8: {  	_ =	swait.ge [sflag:s4], $0x100  }
0x9: {  	[sflag:s4] =	ssyncset.done $0x0  }
0xa: {  	s7 =	simm.s32 $0x100;
	s6 =	sadd.s32 $0x2E00, s8;
	[sflag:s4] =	ssyncadd.s32 $0xFFFFFF00  }
0xb: {  	[tilespmem:s7], [sflag:$0x3] =	stream.linear.gather [hbm4b:s6+s3], $0x100, $0x38;
	[tilespmem:$0x8300] =	vst v63  }
0xc: {  	_ =	swait.ge [sflag:s4], $0x100  }
0xd: {  	[sflag:s4] =	ssyncset.done $0x0  }
0xe: {  	s9 =	simm.s32 $0x200;
	s8 =	sadd.s32 $0x3200, s8;
	[sflag:s4] =	ssyncadd.s32 $0xFFFFFF00  }
0xf: {  	[tilespmem:s9], [sflag:$0x3] =	stream.linear.gather [hbm4b:s8+s3], $0x100, $0x38;
	[tilespmem:$0x8300] =	vst v63  }
0x10: {  	_ =	swait.ge [sflag:s4], $0x100  }
0x11: {  	[sflag:s4] =	ssyncset.done $0x0  }
0x12: {  	s10 =	simm.s32 $0x80;
	s11 =	simm.s32 $0x300;
	[sflag:s4] =	ssyncadd.s32 $0xFFFFFF00  }
0x13: {  	[tilespmem:s11], [sflag:$0x1] =	stream.indirect.gather [hbm4b:s2+s10], $0x80, s3, s10, $0xb8;
	[tilespmem:$0x8300] =	vst v63  }
0x14: {  	s12 =	simm.s32 $0x4300;
	s13 =	simm.s32 $0x1  }
0x15: {  	[tilespmem:s12], [sflag:$0x2] =	stream.indirect.gather [hbm4b:s2+s10], $0x80, s10, s10, $0xb8;
	[tilespmem:$0x8300] =	vst v63  }
0x16: {  	_ =	swait.ge [sflag:s13], $0x4000  }
0x17: {  	s16 =	sadd.s32 $0x3600, s21;
	s23 =	sshll.u32 s14, $0xC;
	[sflag:s13] =	ssyncset.done $0x0  }
0x18: {  	s14 =	sadd.s32 s16, s23;
	[sflag:s13] =	ssyncadd.s32 $0xFFFFC000  }
0x19: {  	[hbm4b:s14+s3] =	stream.linear.scatter [tilespmem:s11], [sflag:$0x3], $0x4000, $0x38;
	[tilespmem:$0x8300] =	vst v63  }
0x1a: {  	_ =	swait.ge [sflag:s4], $0x4000  }
0x1b: {  	[sflag:s4] =	ssyncset.done $0x0  }
0x1c: {  	s15 =	simm.s32 $0x2;
	[sflag:s4] =	ssyncadd.s32 $0xFFFFC000  }
0x1d: {  	[tilespmem:s11], [sflag:$0x1] =	stream.indirect.gather [hbm4b:s2+s10], $0x80, s7, s10, $0xb8;
	[tilespmem:$0x8300] =	vst v63  }
0x1e: {  	_ =	swait.ge [sflag:s15], $0x4000  }
0x1f: {  	s24 =	sor.u32 $0x800, s23;
	[sflag:s15] =	ssyncset.done $0x0  }
0x20: {  	s16 =	sadd.s32 s16, s24;
	[sflag:s15] =	ssyncadd.s32 $0xFFFFC000  }
0x21: {  	[hbm4b:s16+s3] =	stream.linear.scatter [tilespmem:s12], [sflag:$0x3], $0x4000, $0x38;
	[tilespmem:$0x8300] =	vst v63  }
0x22: {  	_ =	swait.ge [sflag:s4], $0x4000  }
0x23: {  	[sflag:s4] =	ssyncset.done $0x0  }
0x24: {  	s17 =	simm.s32 $0x180;
	[sflag:s4] =	ssyncadd.s32 $0xFFFFC000  }
0x25: {  	[tilespmem:s12], [sflag:$0x2] =	stream.indirect.gather [hbm4b:s2+s10], $0x80, s17, s10, $0xb8;
	[tilespmem:$0x8300] =	vst v63  }
0x26: {  	_ =	swait.ge [sflag:s13], $0x4000  }
0x27: {  	s19 =	sadd.s32 $0x23600, s21;
	[sflag:s13] =	ssyncset.done $0x0  }
0x28: {  	s18 =	sadd.s32 s19, s23;
	[sflag:s13] =	ssyncadd.s32 $0xFFFFC000  }
0x29: {  	[hbm4b:s18+s3] =	stream.linear.scatter [tilespmem:s11], [sflag:$0x3], $0x4000, $0x38;
	[tilespmem:$0x8300] =	vst v63  }
0x2a: {  	_ =	swait.ge [sflag:s4], $0x4000  }
0x2b: {  	[sflag:s4] =	ssyncset.done $0x0  }
0x2c: {  	[sflag:s4] =	ssyncadd.s32 $0xFFFFC000  }
0x2d: {  	[tilespmem:s11], [sflag:$0x1] =	stream.indirect.gather [hbm4b:s2+s10], $0x80, s9, s10, $0xb8;
	[tilespmem:$0x8300] =	vst v63  }
0x2e: {  	_ =	swait.ge [sflag:s15], $0x4000  }
0x2f: {  	[sflag:s15] =	ssyncset.done $0x0  }
0x30: {  	s19 =	sadd.s32 s19, s24;
	[sflag:s15] =	ssyncadd.s32 $0xFFFFC000  }
0x31: {  	[hbm4b:s19+s3] =	stream.linear.scatter [tilespmem:s12], [sflag:$0x3], $0x4000, $0x38;
	[tilespmem:$0x8300] =	vst v63  }
0x32: {  	_ =	swait.ge [sflag:s4], $0x4000  }
0x33: {  	[sflag:s4] =	ssyncset.done $0x0  }
0x34: {  	s20 =	simm.s32 $0x280;
	[sflag:s4] =	ssyncadd.s32 $0xFFFFC000  }
0x35: {  	[tilespmem:s12], [sflag:$0x2] =	stream.indirect.gather [hbm4b:s2+s10], $0x80, s20, s10, $0xb8;
	[tilespmem:$0x8300] =	vst v63  }
0x36: {  	_ =	swait.ge [sflag:s13], $0x4000  }
0x37: {  	s25 =	sadd.s32 $0x43600, s21;
	[sflag:s13] =	ssyncset.done $0x0  }
0x38: {  	s22 =	ssub.s32 $0x2, s22;
	s21 =	sadd.s32 s25, s23;
	[sflag:s13] =	ssyncadd.s32 $0xFFFFC000  }
0x39: {  	[hbm4b:s21+s3] =	stream.linear.scatter [tilespmem:s11], [sflag:$0x3], $0x4000, $0x38;
	[tilespmem:$0x8300] =	vst v63  }
0x3a: {  	s31 =	sshrl.u32 s22, $0x1;
	_ =	swait.ge [sflag:s4], $0x4000  }
0x3b: {  	s23 =	ssub.s32 s22, s31;
	[sflag:s4] =	ssyncset.done $0x0  }
0x3c: {  	s23 =	smax.u32 s23, $0x1;
	[sflag:s4] =	ssyncadd.s32 $0xFFFFC000  }
0x3d: {  	p0 =	sne.s32 s23, $0x1;
	_ =	swait.ge [sflag:s15], $0x4000  }
.Ltmp0:
0x3e: {  	[sflag:s15] =	ssyncset.done $0x0;
	(pc) =	sbr.rel @!p0 .LBB2_2-.Ltmp0, $4  }
0x3f: {  	s22 =	sadd.s32 s25, s24;
	[sflag:s15] =	ssyncadd.s32 $0xFFFFC000  }
0x40: {  	[hbm4b:s22+s3] =	stream.linear.scatter [tilespmem:s12], [sflag:$0x3], $0x4000, $0x38;
	[tilespmem:$0x8300] =	vst v63  }
0x41: {  	_ =	swait.ge [sflag:s4], $0x4000  }
0x42: {  	s23 =	sadd.s32 $0xFFFFFFFF, s23;
	[sflag:s4] =	ssyncset.done $0x0  }
.LBB2_1:
0x43: {  	p0 =	sne.s32 s23, $0x1;
	s23 =	sadd.s32 $0xFFFFFFFF, s23;
	[sflag:s4] =	ssyncadd.s32 $0xFFFFC000  }
0x44: {  	[tilespmem:s3], [sflag:$0x3] =	stream.linear.gather [hbm4b:s5+s3], $0x100, $0x38;
	[tilespmem:$0x8300] =	vst v63  }
0x45: {  	_ =	swait.ge [sflag:s4], $0x100  }
0x46: {  	[sflag:s4] =	ssyncset.done $0x0  }
0x47: {  	[sflag:s4] =	ssyncadd.s32 $0xFFFFFF00  }
0x48: {  	[tilespmem:s7], [sflag:$0x3] =	stream.linear.gather [hbm4b:s6+s3], $0x100, $0x38;
	[tilespmem:$0x8300] =	vst v63  }
0x49: {  	_ =	swait.ge [sflag:s4], $0x100  }
0x4a: {  	[sflag:s4] =	ssyncset.done $0x0  }
0x4b: {  	[sflag:s4] =	ssyncadd.s32 $0xFFFFFF00  }
0x4c: {  	[tilespmem:s9], [sflag:$0x3] =	stream.linear.gather [hbm4b:s8+s3], $0x100, $0x38;
	[tilespmem:$0x8300] =	vst v63  }
0x4d: {  	_ =	swait.ge [sflag:s4], $0x100  }
0x4e: {  	[sflag:s4] =	ssyncset.done $0x0  }
0x4f: {  	[sflag:s4] =	ssyncadd.s32 $0xFFFFFF00  }
0x50: {  	[tilespmem:s11], [sflag:$0x1] =	stream.indirect.gather [hbm4b:s2+s10], $0x80, s3, s10, $0xb8;
	[tilespmem:$0x8300] =	vst v63  }
0x51: {  	_ = 	snop  }
0x52: {  	[tilespmem:s12], [sflag:$0x2] =	stream.indirect.gather [hbm4b:s2+s10], $0x80, s10, s10, $0xb8;
	[tilespmem:$0x8300] =	vst v63  }
0x53: {  	_ =	swait.ge [sflag:s13], $0x4000  }
0x54: {  	[sflag:s13] =	ssyncset.done $0x0  }
0x55: {  	[sflag:s13] =	ssyncadd.s32 $0xFFFFC000  }
0x56: {  	[hbm4b:s14+s3] =	stream.linear.scatter [tilespmem:s11], [sflag:$0x3], $0x4000, $0x38;
	[tilespmem:$0x8300] =	vst v63  }
0x57: {  	_ =	swait.ge [sflag:s4], $0x4000  }
0x58: {  	[sflag:s4] =	ssyncset.done $0x0  }
0x59: {  	[sflag:s4] =	ssyncadd.s32 $0xFFFFC000  }
0x5a: {  	[tilespmem:s11], [sflag:$0x1] =	stream.indirect.gather [hbm4b:s2+s10], $0x80, s7, s10, $0xb8;
	[tilespmem:$0x8300] =	vst v63  }
0x5b: {  	_ =	swait.ge [sflag:s15], $0x4000  }
0x5c: {  	[sflag:s15] =	ssyncset.done $0x0  }
0x5d: {  	[sflag:s15] =	ssyncadd.s32 $0xFFFFC000  }
0x5e: {  	[hbm4b:s16+s3] =	stream.linear.scatter [tilespmem:s12], [sflag:$0x3], $0x4000, $0x38;
	[tilespmem:$0x8300] =	vst v63  }
0x5f: {  	_ =	swait.ge [sflag:s4], $0x4000  }
0x60: {  	[sflag:s4] =	ssyncset.done $0x0  }
0x61: {  	[sflag:s4] =	ssyncadd.s32 $0xFFFFC000  }
0x62: {  	[tilespmem:s12], [sflag:$0x2] =	stream.indirect.gather [hbm4b:s2+s10], $0x80, s17, s10, $0xb8;
	[tilespmem:$0x8300] =	vst v63  }
0x63: {  	_ =	swait.ge [sflag:s13], $0x4000  }
0x64: {  	[sflag:s13] =	ssyncset.done $0x0  }
0x65: {  	[sflag:s13] =	ssyncadd.s32 $0xFFFFC000  }
0x66: {  	[hbm4b:s18+s3] =	stream.linear.scatter [tilespmem:s11], [sflag:$0x3], $0x4000, $0x38;
	[tilespmem:$0x8300] =	vst v63  }
0x67: {  	_ =	swait.ge [sflag:s4], $0x4000  }
0x68: {  	[sflag:s4] =	ssyncset.done $0x0  }
0x69: {  	[sflag:s4] =	ssyncadd.s32 $0xFFFFC000  }
0x6a: {  	[tilespmem:s11], [sflag:$0x1] =	stream.indirect.gather [hbm4b:s2+s10], $0x80, s9, s10, $0xb8;
	[tilespmem:$0x8300] =	vst v63  }
0x6b: {  	_ =	swait.ge [sflag:s15], $0x4000  }
0x6c: {  	[sflag:s15] =	ssyncset.done $0x0  }
0x6d: {  	[sflag:s15] =	ssyncadd.s32 $0xFFFFC000  }
0x6e: {  	[hbm4b:s19+s3] =	stream.linear.scatter [tilespmem:s12], [sflag:$0x3], $0x4000, $0x38;
	[tilespmem:$0x8300] =	vst v63  }
0x6f: {  	_ =	swait.ge [sflag:s4], $0x4000  }
0x70: {  	[sflag:s4] =	ssyncset.done $0x0  }
0x71: {  	[sflag:s4] =	ssyncadd.s32 $0xFFFFC000  }
0x72: {  	[tilespmem:s12], [sflag:$0x2] =	stream.indirect.gather [hbm4b:s2+s10], $0x80, s20, s10, $0xb8;
	[tilespmem:$0x8300] =	vst v63  }
0x73: {  	_ =	swait.ge [sflag:s13], $0x4000  }
0x74: {  	[sflag:s13] =	ssyncset.done $0x0  }
0x75: {  	[sflag:s13] =	ssyncadd.s32 $0xFFFFC000  }
0x76: {  	[hbm4b:s21+s3] =	stream.linear.scatter [tilespmem:s11], [sflag:$0x3], $0x4000, $0x38;
	[tilespmem:$0x8300] =	vst v63  }
0x77: {  	_ =	swait.ge [sflag:s4], $0x4000  }
0x78: {  	[sflag:s4] =	ssyncset.done $0x0  }
0x79: {  	[sflag:s4] =	ssyncadd.s32 $0xFFFFC000  }
0x7a: {  	_ =	swait.ge [sflag:s15], $0x4000  }
.Ltmp1:
0x7b: {  	[sflag:s15] =	ssyncset.done $0x0;
	(pc) =	sbr.rel @p0 .LBB2_1-.Ltmp1, $4  }
0x7c: {  	[sflag:s15] =	ssyncadd.s32 $0xFFFFC000  }
0x7d: {  	[hbm4b:s22+s3] =	stream.linear.scatter [tilespmem:s12], [sflag:$0x3], $0x4000, $0x38;
	[tilespmem:$0x8300] =	vst v63  }
0x7e: {  	_ =	swait.ge [sflag:s4], $0x4000  }
0x7f: {  	[sflag:s4] =	ssyncset.done $0x0  }
.LBB2_2:
0x80: {  	[sflag:s4] =	ssyncadd.s32 $0xFFFFC000  }
0x81: {  	_ =	sfence.sel $0x180000  }
0x82: {  	[bflag:$0x0] =	sbarrier.arrive $0xFFFF  }
0x83: {  	p0 =	sne.s32 s0, $0x0;
	_ =	strace $0x90000047  }
0x84: {  	s0 =	sadd.s32 @!p0 $0x100000, s1;
	[bflag:$0x2] =	sbarrier.arrive $0xFFFF  }
0x85: {  	[sflag:s0] =	ssyncadd.tile.s32 @!p0 $0x1;
	_ =	shalt  }
.Lfunc_end2:
_tile_overlayer_lowered:
.L_overlay_start_2:
0x86: {  	(tag) =	ssettag $0x2  }
0x87: {  	s0 =	rddreg [dreg:$0x0];
	s2 =	stileid.u32  }
0x88: {  	s1 =	rddreg [dreg:$0x1];
	p0 =	sne.s32 s2, $0x0  }
0x89: {  	s3 =	rddreg [dreg:$0x2];
	[bflag:$0x3] =	sbarrier.arrive $0xFFFF;
	s2 =	simm.s32 @!p0 $0x1C03  }
0x8a: {  	[timem:s3], [sflag:s2] =	dma.local @!p0 [hbm:s0], s1  }
0x8b: {  	s0 =	simm.s32 @!p0 $0x3  }
0x8c: {  	_ =	swait.ge @!p0 [sflag:s0], s1  }
0x8d: {  	s1 =	ssub.s32 @!p0 $0x0, s1;
	[sflag:s0] =	ssyncset.done @!p0 $0x0  }
0x8e: {  	[sflag:s0] =	ssyncadd.s32 @!p0 s1  }
0x8f: {  	[bflag:$0x3] =	sbarrier.arrive $0xFFFF  }
0x90: {  	_ =	shalt  }

// kernel: kernel.8.cloned.1.call-start
scs
__scs_entry_jumppad:
0x0: {  	(pc) =	sbr.rel $0x88, $3  }
0x1: {  	(tag) =	ssettag $0x0;
	lr =	simm.s32 $0x1  }
0x2: {  	[smem:$0x3F99] =	sst lr;
	_ =	strace $0xD0000000  }
0x3: {  	_ = 	snop  }
0x4: {  	_ = 	snop  }
0x5: {  	_ = 	snop  }
0x6: {  	_ = 	snop  }
0x7: {  	_ = 	snop  }
__scs_overlays_trampoline_lowered:
0x8: {  	[smem:$0x3FA8] =	sst s0  }
0x9: {  	[smem:$0x3FA9] =	sst s1  }
0xa: {  	[smem:$0x3FAA] =	sst s2  }
0xb: {  	[smem:$0x3FAB] =	sst s3  }
0xc: {  	[smem:$0x3FAC] =	sst s4  }
0xd: {  	[smem:$0x3FAD] =	sst s5  }
0xe: {  	[smem:$0x3FAE] =	sst s6  }
0xf: {  	[smem:$0x3FAF] =	sst s7  }
0x10: {  	[smem:$0x3FB0] =	sst s8  }
0x11: {  	[smem:$0x3FB1] =	sst s9;
	s0 =	simm.s32 @!p0 $0x0  }
0x12: {  	s1 =	sld [smem:$0x3F97];
	s0 =	simm.s32 @p0 $0x1  }
0x13: {  	[smem:$0x3FB2] =	sst s0;
	s0 =	simm.s32 @!p1 $0x0  }
0x14: {  	s2 =	sld [smem:$0x3F96];
	s0 =	simm.s32 @p1 $0x1  }
0x15: {  	[smem:$0x3FB3] =	sst s0;
	s0 =	simm.s32 @!p2 $0x0  }
0x16: {  	s3 =	sld [smem:$0x3FDB];
	s0 =	simm.s32 @p2 $0x1  }
0x17: {  	s4 =	simm.s32 $0x1BF5;
	[smem:$0x3FB5] =	sst s0  }
0x18: {  	s0 =	sld [smem:$0x3F98];
	_ =	swait.ge [sflag:s4], $0x0  }
0x19: {  	s7 =	sld [smem:$0x3F99]  }
0x1a: {  	s8 =	sadd.s32 $0xFFFFE003, lr  }
0x1b: {  	s9 =	sadd.s32 $0xFFFFFEF7, lr;
	s5 =	simm.s32 $0xFFFFFFFF;
	p2 =	slt.u32 s8, $0xFFFFF086  }
0x1c: {  	p1 =	slt.u32 s9, $0xF7A;
	s5 =	simm.s32 @!p2 $0x0  }
0x1d: {  	s5 =	simm.s32 @p1 $0x1;
	p0 =	seq.s32 s7, s2  }
0x1e: {  	s7 =	smul.u32 @!p0 $0xF7A, s2;
	p2 =	seq.s32 @!p0 s5, $0x0  }
0x1f: {  	s9 =	smul.u32 $0xF7A, s1;
	s8 =	simm.s32 @!p0 $0x1BF5;
	p2 =	por !p2, p0  }
0x20: {  	[sflag:s8] =	ssyncset.s32 @!p0 $0xFFFFF086;
	s6 =	sadd.s32 @!p0 s3, s7;
	s7 =	simm.s32 @!p0 $0x108  }
0x21: {  	s3 =	sadd.s32 s3, s9;
	s6 =	sadd.s32 @!p0 $0x88, s6;
	s7 =	simm.s32 @p2 $0x1082  }
0x22: {  	[simem:s7], [sflag:s8] =	dma.local @!p0 [hbm:s6], $0xF7A  }
0x23: {  	s9 =	sor.u32 $0xD0000000, s2;
	s6 =	simm.s32 $0x108;
	_ =	swait.ge @!p0 [sflag:s8], $0x0  }
0x24: {  	s3 =	sadd.s32 $0x88, s3;
	s6 =	simm.s32 @!p1 $0x1082;
	[sflag:s4] =	ssyncset.s32 $0xFFFFF086  }
0x25: {  	[simem:s6], [sflag:s4] =	dma.local [hbm:s3], $0xF7A  }
0x26: {  	[smem:$0x3F99] =	sst s1;
	(tag) =	ssettag s2;
	_ =	strace s9  }
0x27: {  	s1 =	sld [smem:$0x3FA9]  }
0x28: {  	s2 =	sld [smem:$0x3FAA]  }
0x29: {  	s4 =	sld [smem:$0x3FAC]  }
0x2a: {  	p0 =	seq.s32 s5, $0x0;
	s5 =	sld [smem:$0x3FAD]  }
0x2b: {  	s6 =	sld [smem:$0x3FAE]  }
0x2c: {  	s7 =	sld [smem:$0x3FAF]  }
0x2d: {  	s3 =	simm.s32 $0x108;
	s8 =	sld [smem:$0x3FB0]  }
0x2e: {  	s3 =	simm.s32 @!p0 $0x1082;
	s9 =	sld [smem:$0x3FB1]  }
0x2f: {  	lr =	sadd.s32 s0, s3;
	s0 =	sld [smem:$0x3FA8]  }
0x30: {  	s3 =	sld [smem:$0x3FAB]  }
0x31: {  	[smem:$0x3FB4] =	sst s10  }
0x32: {  	s10 =	sld [smem:$0x3FB2];
	_ =	sdelay $0x3  }
0x33: {  	p0 =	seq.s32 s10, $0x1;
	s10 =	sld [smem:$0x3FB4];
	_ =	sdelay $0x3  }
0x34: {  	[smem:$0x3FB4] =	sst s10  }
0x35: {  	s10 =	sld [smem:$0x3FB3];
	_ =	sdelay $0x3  }
0x36: {  	p1 =	seq.s32 s10, $0x1;
	s10 =	sld [smem:$0x3FB4];
	_ =	sdelay $0x3  }
0x37: {  	[smem:$0x3FB4] =	sst s10  }
0x38: {  	s10 =	sld [smem:$0x3FB5]  }
0x39: {  	_ = 	snop;
	(pc) =	sbr.ind lr, $3  }
0x3a: {  	_ = 	snop  }
0x3b: {  	_ = 	snop  }
0x3c: {  	p2 =	seq.s32 s10, $0x1;
	s10 =	sld [smem:$0x3FB4]  }
0x3d: {  	_ =	shalt  }
0x3e: {  	_ =	shalt  }
0x3f: {  	_ =	shalt  }
0x40: {  	_ =	shalt  }
0x41: {  	_ =	shalt  }
0x42: {  	_ =	shalt  }
0x43: {  	_ =	shalt  }
0x44: {  	_ =	shalt  }
0x45: {  	_ =	shalt  }
0x46: {  	_ =	shalt  }
0x47: {  	_ =	shalt  }
0x48: {  	_ =	shalt  }
0x49: {  	_ =	shalt  }
0x4a: {  	_ =	shalt  }
0x4b: {  	_ =	shalt  }
0x4c: {  	_ =	shalt  }
0x4d: {  	_ =	shalt  }
0x4e: {  	_ =	shalt  }
0x4f: {  	_ =	shalt  }
0x50: {  	_ =	shalt  }
0x51: {  	_ =	shalt  }
0x52: {  	_ =	shalt  }
0x53: {  	_ =	shalt  }
0x54: {  	_ =	shalt  }
0x55: {  	_ =	shalt  }
0x56: {  	_ =	shalt  }
0x57: {  	_ =	shalt  }
0x58: {  	_ =	shalt  }
0x59: {  	_ =	shalt  }
0x5a: {  	_ =	shalt  }
0x5b: {  	_ =	shalt  }
0x5c: {  	_ =	shalt  }
0x5d: {  	_ =	shalt  }
0x5e: {  	_ =	shalt  }
0x5f: {  	_ =	shalt  }
0x60: {  	_ =	shalt  }
0x61: {  	_ =	shalt  }
0x62: {  	_ =	shalt  }
0x63: {  	_ =	shalt  }
0x64: {  	_ =	shalt  }
0x65: {  	_ =	shalt  }
0x66: {  	_ =	shalt  }
0x67: {  	_ =	shalt  }
0x68: {  	_ =	shalt  }
0x69: {  	_ =	shalt  }
0x6a: {  	_ =	shalt  }
0x6b: {  	_ =	shalt  }
0x6c: {  	_ =	shalt  }
0x6d: {  	_ =	shalt  }
0x6e: {  	_ =	shalt  }
0x6f: {  	_ =	shalt  }
0x70: {  	_ =	shalt  }
0x71: {  	_ =	shalt  }
0x72: {  	_ =	shalt  }
0x73: {  	_ =	shalt  }
0x74: {  	_ =	shalt  }
0x75: {  	_ =	shalt  }
0x76: {  	_ =	shalt  }
0x77: {  	_ =	shalt  }
0x78: {  	_ =	shalt  }
0x79: {  	_ =	shalt  }
0x7a: {  	_ =	shalt  }
0x7b: {  	_ =	shalt  }
0x7c: {  	_ =	shalt  }
0x7d: {  	_ =	shalt  }
0x7e: {  	_ =	shalt  }
0x7f: {  	_ =	shalt  }
0x80: {  	_ =	shalt  }
0x81: {  	_ =	shalt  }
0x82: {  	_ =	shalt  }
0x83: {  	_ =	shalt  }
0x84: {  	_ =	shalt  }
0x85: {  	_ =	shalt  }
0x86: {  	_ =	shalt  }
0x87: {  	_ =	shalt  }
.Lfunc_end0:
.L_simem_size_0:
called_computation_lowered:
.L_overlay_start_0:
0x88: {  	s2 =	sld [smem:$0x3FD9]  }
0x89: {  	s3 =	sld [smem:$0x3FFE];
	_ =	sdelay $0x1  }
0x8a: {  	s1 =	srdreg.scid  }
0x8b: {  	s0 =	sand.u32 $0x1, s1  }
0x8c: {  	s17 =	sshll.u32 s0, $0xA;
	s2 =	sadd.s32 s3, s2  }
0x8d: {  	s2 =	sadd.s32 s2, s17  }
0x8e: {  	[smem:$0x3FC0] =	sst s2  }
0x8f: {  	_ = 	snop  }
0x90: {  	s18 =	sld [smem:$0x3FC9];
	(tm) =	ssettm $0x1  }
0x91: {  	s19 =	sld [smem:$0x3FFB];
	_ =	sdelay $0x3  }
0x92: {  	_ =	strace s19  }
0x93: {  	s2 =	sld [smem:$0x3FFC];
	_ =	sdelay $0x3  }
0x94: {  	_ =	strace s2  }
0x95: {  	s2 =	sld [smem:$0x3FFD];
	_ =	sdelay $0x3  }
0x96: {  	_ =	strace s2  }
0x97: {  	_ =	strace $0x8FFFFFFF  }
0x98: {  	s20 =	sld [smem:$0x3FDB];
	_ =	sdelay $0x1  }
0x99: {  	s4 =	simm.s32 $_scs_section_size  }
0x9a: {  	s5 =	simm.s32 $_size__tile_overlayer_lowered;
	s6 =	simm.s32 $_tile_overlayer_lowered  }
0x9b: {  	s7 =	simm.s32 $0x1BFF;
	s21 =	sshll.u32 s6, $0x1;
	s4 =	sadd.s32 s4, s20  }
0x9c: {  	s22 =	simm.s32 $0x0;
	s5 =	sshll.u32 s5, $0x1;
	s6 =	sadd.s32 s21, s4  }
0x9d: {  	[timem:s22], [sflag:s7] =	dma.local [hbm:s6], s5  }
0x9e: {  	_ =	swait.ge [sflag:s7], s5  }
0x9f: {  	s5 =	ssub.s32 $0x0, s5;
	[sflag:s7] =	ssyncset.done $0x0  }
0xa0: {  	[sflag:s7] =	ssyncadd.s32 s5;
	_ =	sdelay $0x1  }
0xa1: {  	s23 =	simm.s32 $0x1B8B  }
0xa2: {  	_ =	swait.ge [sflag:s23], $0x1  }
0xa3: {  	[sflag:s23] =	ssyncset.done $0x0  }
0xa4: {  	[sflag:s23] =	ssyncadd.s32 $0xFFFFFFFF  }
0xa5: {  	s5 =	sld [smem:$0x0]  }
0xa6: {  	s6 =	sand.u32 $0xFFFFFFFE, s1  }
0xa7: {  	p0 =	sne.s32 s1, s6  }
0xa8: {  	s6 =	sshll.u32 @p0 s6, $0xE  }
0xa9: {  	s6 =	sadd.s32 @p0 $0x11B8D, s6;
	s7 =	sshll.u32 @p0 s5, $0x11  }
0xaa: {  	s6 =	sor.u32 @p0 s7, s6  }
0xab: {  	[sflag:s6] =	ssyncadd.remote.s32 @p0 $0x1;
	_ =	sdelay $0x1  }
0xac: {  	s6 =	simm.s32 @p0 $0x1B8D  }
0xad: {  	_ =	swait.eq @p0 [sflag:s6], $0x1  }
0xae: {  	[sflag:s6] =	ssyncadd.s32 @p0 $0xFFFFFFFF  }
0xaf: {  	s7 =	sshll.u32 @!p0 s1, $0xE  }
0xb0: {  	s7 =	sor.u32 @!p0 $0x4000, s7;
	s6 =	simm.s32 @!p0 $0x1B8D  }
0xb1: {  	s5 =	sshll.u32 @!p0 s5, $0x11;
	s7 =	sadd.s32 @!p0 $0x11B8D, s7;
	_ =	swait.eq @!p0 [sflag:s6], $0x1  }
0xb2: {  	s5 =	sor.u32 @!p0 s5, s7;
	[sflag:s6] =	ssyncadd.s32 @!p0 $0xFFFFFFFF  }
0xb3: {  	s25 =	simm.s32 $0x1B8E;
	s24 =	sld [smem:$0x3FFE];
	[sflag:s5] =	ssyncadd.remote.s32 @!p0 $0x1  }
0xb4: {  	s26 =	simm.s32 $execute0_lowered;
	[smem:$0x3FD2] =	sst s25  }
0xb5: {  	s6 =	sshll.u32 s26, $0x1;
	_ =	strace $0x80000049;
	[dreg:$0x1] =	wrdreg $0xFFFFFFFF  }
0xb6: {  	s28 =	simm.s32 $_size_execute0_lowered;
	s4 =	sadd.s32 s4, s6;
	[dreg:$0x0] =	wrdreg $0x0  }
0xb7: {  	s6 =	sshll.u32 s28, $0x1;
	[dreg:$0x2] =	wrdreg s4  }
0xb8: {  	[dreg:$0x3] =	wrdreg s6  }
0xb9: {  	[dreg:$0x4] =	wrdreg $0xC0  }
0xba: {  	_ =	task [dreg:s22], $0x5FFFF  }
0xbb: {  	[dreg:$0x1] =	wrdreg $0xFFFFFFFF  }
0xbc: {  	[dreg:$0x0] =	wrdreg $0x60  }
0xbd: {  	[dreg:$0x2] =	wrdreg s18  }
0xbe: {  	[dreg:$0x3] =	wrdreg s24  }
0xbf: {  	[dreg:$0x4] =	wrdreg $0x9  }
0xc0: {  	_ =	task.clear_ibuf [dreg:s22], $0x5FFFF;
	_ =	strace $0x90000049  }
0xc1: {  	s29 =	simm.s32 $0x9;
	_ =	strace $0x8000004B  }
0xc2: {  	_ =	swait.ge [sflag:s29], $0x1  }
0xc3: {  	[sflag:s29] =	ssyncadd.s32 $0xFFFFFFFF  }
0xc4: {  	_ =	strace $0x9000004B  }
0xc5: {  	_ =	sfence  }
0xc6: {  	s30 =	sld [smem:$0x0];
	_ =	sdelay $0x2  }
0xc7: {  	s31 =	sshll.u32 s1, $0xD;
	s1 =	sshrl.u32 s1, $0x2  }
0xc8: {  	s4 =	sand.u32 $0x4000, s31;
	s1 =	sadd.s32 s1, s30  }
0xc9: {  	s0 =	sor.u32 s4, s0;
	s1 =	sshll.u32 s1, $0x11  }
0xca: {  	s0 =	sor.u32 s1, s0  }
0xcb: {  	s0 =	sadd.s32 $0x8F2B, s0  }
0xcc: {  	[sflag:s0] =	ssyncadd.remote.s32 $0x1  }
0xcd: {  	_ =	sfence.sel $0xFFFF  }
0xce: {  	[dreg:$0x0] =	wrdreg $0xFFFFFFFF;
	(pc) =	sbr.abs _section_cstart, $3  }
0xcf: {  	[dreg:$0x1] =	wrdreg $0xFFFFFFFF  }
0xd0: {  	_ =	task.clear_ibuf [dreg:s22], $0x2FFFF;
	_ =	strace $0x9FFFFFFF  }
0xd1: {  	(tm) =	ssettm $0x7FFFFFFF  }
tec
execute0_lowered:
.L_overlay_start_1:
0x0: {  	(tag) =	ssettag $0x1  }
0x1: {  	s1 =	srdreg.scid;
	s0 =	stileid.u32  }
0x2: {  	s2 =	rddreg [dreg:$0x0];
	s22 =	sand.u32 $0x1, s1;
	s30 =	sshll.u32 s0, $0x1  }
0x3: {  	s21 =	rddreg [dreg:$0x1];
	s14 =	sor.u32 s22, s30  }
0x4: {  	s3 =	simm.s32 $0x0;
	s1 =	rddreg [dreg:$0x2];
	s4 =	sshll.u32 s14, $0x5  }
0x5: {  	[smem:$0x7FF] =	sst s3;
	s8 =	sadd.s32 s4, s21  }
0x6: {  	_ =	strace $0x8000004A;
	s4 =	simm.s32 $0x3;
	s5 =	sadd.s32 $0x63600, s8  }
0x7: {  	[tilespmem:s3], [sflag:$0x3] =	stream.linear.gather [hbm4b:s5+s3], $0x100, $0x38;
	[tilespmem:$0x8300] =	vst v63  }
0x8: {  	_ =	swait.ge [sflag:s4], $0x100  }
0x9: {  	[sflag:s4] =	ssyncset.done $0x0  }
0xa: {  	s7 =	simm.s32 $0x100;
	s6 =	sadd.s32 $0x63A00, s8;
	[sflag:s4] =	ssyncadd.s32 $0xFFFFFF00  }
0xb: {  	[tilespmem:s7], [sflag:$0x3] =	stream.linear.gather [hbm4b:s6+s3], $0x100, $0x38;
	[tilespmem:$0x8300] =	vst v63  }
0xc: {  	_ =	swait.ge [sflag:s4], $0x100  }
0xd: {  	[sflag:s4] =	ssyncset.done $0x0  }
0xe: {  	s9 =	simm.s32 $0x200;
	s8 =	sadd.s32 $0x63E00, s8;
	[sflag:s4] =	ssyncadd.s32 $0xFFFFFF00  }
0xf: {  	[tilespmem:s9], [sflag:$0x3] =	stream.linear.gather [hbm4b:s8+s3], $0x100, $0x38;
	[tilespmem:$0x8300] =	vst v63  }
0x10: {  	_ =	swait.ge [sflag:s4], $0x100  }
0x11: {  	[sflag:s4] =	ssyncset.done $0x0  }
0x12: {  	s10 =	simm.s32 $0x80;
	s11 =	simm.s32 $0x300;
	[sflag:s4] =	ssyncadd.s32 $0xFFFFFF00  }
0x13: {  	[tilespmem:s11], [sflag:$0x1] =	stream.indirect.gather [hbm4b:s2+s10], $0x80, s3, s10, $0xb8;
	[tilespmem:$0x8300] =	vst v63  }
0x14: {  	s12 =	simm.s32 $0x4300;
	s13 =	simm.s32 $0x1  }
0x15: {  	[tilespmem:s12], [sflag:$0x2] =	stream.indirect.gather [hbm4b:s2+s10], $0x80, s10, s10, $0xb8;
	[tilespmem:$0x8300] =	vst v63  }
0x16: {  	_ =	swait.ge [sflag:s13], $0x4000  }
0x17: {  	s16 =	sadd.s32 $0x64200, s21;
	s23 =	sshll.u32 s14, $0xC;
	[sflag:s13] =	ssyncset.done $0x0  }
0x18: {  	s14 =	sadd.s32 s16, s23;
	[sflag:s13] =	ssyncadd.s32 $0xFFFFC000  }
0x19: {  	[hbm4b:s14+s3] =	stream.linear.scatter [tilespmem:s11], [sflag:$0x3], $0x4000, $0x38;
	[tilespmem:$0x8300] =	vst v63  }
0x1a: {  	_ =	swait.ge [sflag:s4], $0x4000  }
0x1b: {  	[sflag:s4] =	ssyncset.done $0x0  }
0x1c: {  	s15 =	simm.s32 $0x2;
	[sflag:s4] =	ssyncadd.s32 $0xFFFFC000  }
0x1d: {  	[tilespmem:s11], [sflag:$0x1] =	stream.indirect.gather [hbm4b:s2+s10], $0x80, s7, s10, $0xb8;
	[tilespmem:$0x8300] =	vst v63  }
0x1e: {  	_ =	swait.ge [sflag:s15], $0x4000  }
0x1f: {  	s24 =	sor.u32 $0x800, s23;
	[sflag:s15] =	ssyncset.done $0x0  }
0x20: {  	s16 =	sadd.s32 s16, s24;
	[sflag:s15] =	ssyncadd.s32 $0xFFFFC000  }
0x21: {  	[hbm4b:s16+s3] =	stream.linear.scatter [tilespmem:s12], [sflag:$0x3], $0x4000, $0x38;
	[tilespmem:$0x8300] =	vst v63  }
0x22: {  	_ =	swait.ge [sflag:s4], $0x4000  }
0x23: {  	[sflag:s4] =	ssyncset.done $0x0  }
0x24: {  	s17 =	simm.s32 $0x180;
	[sflag:s4] =	ssyncadd.s32 $0xFFFFC000  }
0x25: {  	[tilespmem:s12], [sflag:$0x2] =	stream.indirect.gather [hbm4b:s2+s10], $0x80, s17, s10, $0xb8;
	[tilespmem:$0x8300] =	vst v63  }
0x26: {  	_ =	swait.ge [sflag:s13], $0x4000  }
0x27: {  	s19 =	sadd.s32 $0x84200, s21;
	[sflag:s13] =	ssyncset.done $0x0  }
0x28: {  	s18 =	sadd.s32 s19, s23;
	[sflag:s13] =	ssyncadd.s32 $0xFFFFC000  }
0x29: {  	[hbm4b:s18+s3] =	stream.linear.scatter [tilespmem:s11], [sflag:$0x3], $0x4000, $0x38;
	[tilespmem:$0x8300] =	vst v63  }
0x2a: {  	_ =	swait.ge [sflag:s4], $0x4000  }
0x2b: {  	[sflag:s4] =	ssyncset.done $0x0  }
0x2c: {  	[sflag:s4] =	ssyncadd.s32 $0xFFFFC000  }
0x2d: {  	[tilespmem:s11], [sflag:$0x1] =	stream.indirect.gather [hbm4b:s2+s10], $0x80, s9, s10, $0xb8;
	[tilespmem:$0x8300] =	vst v63  }
0x2e: {  	_ =	swait.ge [sflag:s15], $0x4000  }
0x2f: {  	[sflag:s15] =	ssyncset.done $0x0  }
0x30: {  	s19 =	sadd.s32 s19, s24;
	[sflag:s15] =	ssyncadd.s32 $0xFFFFC000  }
0x31: {  	[hbm4b:s19+s3] =	stream.linear.scatter [tilespmem:s12], [sflag:$0x3], $0x4000, $0x38;
	[tilespmem:$0x8300] =	vst v63  }
0x32: {  	_ =	swait.ge [sflag:s4], $0x4000  }
0x33: {  	[sflag:s4] =	ssyncset.done $0x0  }
0x34: {  	s20 =	simm.s32 $0x280;
	[sflag:s4] =	ssyncadd.s32 $0xFFFFC000  }
0x35: {  	[tilespmem:s12], [sflag:$0x2] =	stream.indirect.gather [hbm4b:s2+s10], $0x80, s20, s10, $0xb8;
	[tilespmem:$0x8300] =	vst v63  }
0x36: {  	_ =	swait.ge [sflag:s13], $0x4000  }
0x37: {  	s25 =	sadd.s32 $0xA4200, s21;
	[sflag:s13] =	ssyncset.done $0x0  }
0x38: {  	s22 =	ssub.s32 $0x2, s22;
	s21 =	sadd.s32 s25, s23;
	[sflag:s13] =	ssyncadd.s32 $0xFFFFC000  }
0x39: {  	[hbm4b:s21+s3] =	stream.linear.scatter [tilespmem:s11], [sflag:$0x3], $0x4000, $0x38;
	[tilespmem:$0x8300] =	vst v63  }
0x3a: {  	s31 =	sshrl.u32 s22, $0x1;
	_ =	swait.ge [sflag:s4], $0x4000  }
0x3b: {  	s23 =	ssub.s32 s22, s31;
	[sflag:s4] =	ssyncset.done $0x0  }
0x3c: {  	s23 =	smax.u32 s23, $0x1;
	[sflag:s4] =	ssyncadd.s32 $0xFFFFC000  }
0x3d: {  	p0 =	sne.s32 s23, $0x1;
	_ =	swait.ge [sflag:s15], $0x4000  }
.Ltmp0:
0x3e: {  	[sflag:s15] =	ssyncset.done $0x0;
	(pc) =	sbr.rel @!p0 .LBB2_2-.Ltmp0, $4  }
0x3f: {  	s22 =	sadd.s32 s25, s24;
	[sflag:s15] =	ssyncadd.s32 $0xFFFFC000  }
0x40: {  	[hbm4b:s22+s3] =	stream.linear.scatter [tilespmem:s12], [sflag:$0x3], $0x4000, $0x38;
	[tilespmem:$0x8300] =	vst v63  }
0x41: {  	_ =	swait.ge [sflag:s4], $0x4000  }
0x42: {  	s23 =	sadd.s32 $0xFFFFFFFF, s23;
	[sflag:s4] =	ssyncset.done $0x0  }
.LBB2_1:
0x43: {  	p0 =	sne.s32 s23, $0x1;
	s23 =	sadd.s32 $0xFFFFFFFF, s23;
	[sflag:s4] =	ssyncadd.s32 $0xFFFFC000  }
0x44: {  	[tilespmem:s3], [sflag:$0x3] =	stream.linear.gather [hbm4b:s5+s3], $0x100, $0x38;
	[tilespmem:$0x8300] =	vst v63  }
0x45: {  	_ =	swait.ge [sflag:s4], $0x100  }
0x46: {  	[sflag:s4] =	ssyncset.done $0x0  }
0x47: {  	[sflag:s4] =	ssyncadd.s32 $0xFFFFFF00  }
0x48: {  	[tilespmem:s7], [sflag:$0x3] =	stream.linear.gather [hbm4b:s6+s3], $0x100, $0x38;
	[tilespmem:$0x8300] =	vst v63  }
0x49: {  	_ =	swait.ge [sflag:s4], $0x100  }
0x4a: {  	[sflag:s4] =	ssyncset.done $0x0  }
0x4b: {  	[sflag:s4] =	ssyncadd.s32 $0xFFFFFF00  }
0x4c: {  	[tilespmem:s9], [sflag:$0x3] =	stream.linear.gather [hbm4b:s8+s3], $0x100, $0x38;
	[tilespmem:$0x8300] =	vst v63  }
0x4d: {  	_ =	swait.ge [sflag:s4], $0x100  }
0x4e: {  	[sflag:s4] =	ssyncset.done $0x0  }
0x4f: {  	[sflag:s4] =	ssyncadd.s32 $0xFFFFFF00  }
0x50: {  	[tilespmem:s11], [sflag:$0x1] =	stream.indirect.gather [hbm4b:s2+s10], $0x80, s3, s10, $0xb8;
	[tilespmem:$0x8300] =	vst v63  }
0x51: {  	_ = 	snop  }
0x52: {  	[tilespmem:s12], [sflag:$0x2] =	stream.indirect.gather [hbm4b:s2+s10], $0x80, s10, s10, $0xb8;
	[tilespmem:$0x8300] =	vst v63  }
0x53: {  	_ =	swait.ge [sflag:s13], $0x4000  }
0x54: {  	[sflag:s13] =	ssyncset.done $0x0  }
0x55: {  	[sflag:s13] =	ssyncadd.s32 $0xFFFFC000  }
0x56: {  	[hbm4b:s14+s3] =	stream.linear.scatter [tilespmem:s11], [sflag:$0x3], $0x4000, $0x38;
	[tilespmem:$0x8300] =	vst v63  }
0x57: {  	_ =	swait.ge [sflag:s4], $0x4000  }
0x58: {  	[sflag:s4] =	ssyncset.done $0x0  }
0x59: {  	[sflag:s4] =	ssyncadd.s32 $0xFFFFC000  }
0x5a: {  	[tilespmem:s11], [sflag:$0x1] =	stream.indirect.gather [hbm4b:s2+s10], $0x80, s7, s10, $0xb8;
	[tilespmem:$0x8300] =	vst v63  }
0x5b: {  	_ =	swait.ge [sflag:s15], $0x4000  }
0x5c: {  	[sflag:s15] =	ssyncset.done $0x0  }
0x5d: {  	[sflag:s15] =	ssyncadd.s32 $0xFFFFC000  }
0x5e: {  	[hbm4b:s16+s3] =	stream.linear.scatter [tilespmem:s12], [sflag:$0x3], $0x4000, $0x38;
	[tilespmem:$0x8300] =	vst v63  }
0x5f: {  	_ =	swait.ge [sflag:s4], $0x4000  }
0x60: {  	[sflag:s4] =	ssyncset.done $0x0  }
0x61: {  	[sflag:s4] =	ssyncadd.s32 $0xFFFFC000  }
0x62: {  	[tilespmem:s12], [sflag:$0x2] =	stream.indirect.gather [hbm4b:s2+s10], $0x80, s17, s10, $0xb8;
	[tilespmem:$0x8300] =	vst v63  }
0x63: {  	_ =	swait.ge [sflag:s13], $0x4000  }
0x64: {  	[sflag:s13] =	ssyncset.done $0x0  }
0x65: {  	[sflag:s13] =	ssyncadd.s32 $0xFFFFC000  }
0x66: {  	[hbm4b:s18+s3] =	stream.linear.scatter [tilespmem:s11], [sflag:$0x3], $0x4000, $0x38;
	[tilespmem:$0x8300] =	vst v63  }
0x67: {  	_ =	swait.ge [sflag:s4], $0x4000  }
0x68: {  	[sflag:s4] =	ssyncset.done $0x0  }
0x69: {  	[sflag:s4] =	ssyncadd.s32 $0xFFFFC000  }
0x6a: {  	[tilespmem:s11], [sflag:$0x1] =	stream.indirect.gather [hbm4b:s2+s10], $0x80, s9, s10, $0xb8;
	[tilespmem:$0x8300] =	vst v63  }
0x6b: {  	_ =	swait.ge [sflag:s15], $0x4000  }
0x6c: {  	[sflag:s15] =	ssyncset.done $0x0  }
0x6d: {  	[sflag:s15] =	ssyncadd.s32 $0xFFFFC000  }
0x6e: {  	[hbm4b:s19+s3] =	stream.linear.scatter [tilespmem:s12], [sflag:$0x3], $0x4000, $0x38;
	[tilespmem:$0x8300] =	vst v63  }
0x6f: {  	_ =	swait.ge [sflag:s4], $0x4000  }
0x70: {  	[sflag:s4] =	ssyncset.done $0x0  }
0x71: {  	[sflag:s4] =	ssyncadd.s32 $0xFFFFC000  }
0x72: {  	[tilespmem:s12], [sflag:$0x2] =	stream.indirect.gather [hbm4b:s2+s10], $0x80, s20, s10, $0xb8;
	[tilespmem:$0x8300] =	vst v63  }
0x73: {  	_ =	swait.ge [sflag:s13], $0x4000  }
0x74: {  	[sflag:s13] =	ssyncset.done $0x0  }
0x75: {  	[sflag:s13] =	ssyncadd.s32 $0xFFFFC000  }
0x76: {  	[hbm4b:s21+s3] =	stream.linear.scatter [tilespmem:s11], [sflag:$0x3], $0x4000, $0x38;
	[tilespmem:$0x8300] =	vst v63  }
0x77: {  	_ =	swait.ge [sflag:s4], $0x4000  }
0x78: {  	[sflag:s4] =	ssyncset.done $0x0  }
0x79: {  	[sflag:s4] =	ssyncadd.s32 $0xFFFFC000  }
0x7a: {  	_ =	swait.ge [sflag:s15], $0x4000  }
.Ltmp1:
0x7b: {  	[sflag:s15] =	ssyncset.done $0x0;
	(pc) =	sbr.rel @p0 .LBB2_1-.Ltmp1, $4  }
0x7c: {  	[sflag:s15] =	ssyncadd.s32 $0xFFFFC000  }
0x7d: {  	[hbm4b:s22+s3] =	stream.linear.scatter [tilespmem:s12], [sflag:$0x3], $0x4000, $0x38;
	[tilespmem:$0x8300] =	vst v63  }
0x7e: {  	_ =	swait.ge [sflag:s4], $0x4000  }
0x7f: {  	[sflag:s4] =	ssyncset.done $0x0  }
.LBB2_2:
0x80: {  	[sflag:s4] =	ssyncadd.s32 $0xFFFFC000  }
0x81: {  	_ =	sfence.sel $0x180000  }
0x82: {  	[bflag:$0x0] =	sbarrier.arrive $0xFFFF  }
0x83: {  	p0 =	sne.s32 s0, $0x0;
	_ =	strace $0x9000004A  }
0x84: {  	s0 =	sadd.s32 @!p0 $0x100000, s1;
	[bflag:$0x2] =	sbarrier.arrive $0xFFFF  }
0x85: {  	[sflag:s0] =	ssyncadd.tile.s32 @!p0 $0x1;
	_ =	shalt  }
.Lfunc_end2:
_tile_overlayer_lowered:
.L_overlay_start_2:
0x86: {  	(tag) =	ssettag $0x2  }
0x87: {  	s0 =	rddreg [dreg:$0x0];
	s2 =	stileid.u32  }
0x88: {  	s1 =	rddreg [dreg:$0x1];
	p0 =	sne.s32 s2, $0x0  }
0x89: {  	s3 =	rddreg [dreg:$0x2];
	[bflag:$0x3] =	sbarrier.arrive $0xFFFF;
	s2 =	simm.s32 @!p0 $0x1C03  }
0x8a: {  	[timem:s3], [sflag:s2] =	dma.local @!p0 [hbm:s0], s1  }
0x8b: {  	s0 =	simm.s32 @!p0 $0x3  }
0x8c: {  	_ =	swait.ge @!p0 [sflag:s0], s1  }
0x8d: {  	s1 =	ssub.s32 @!p0 $0x0, s1;
	[sflag:s0] =	ssyncset.done @!p0 $0x0  }
0x8e: {  	[sflag:s0] =	ssyncadd.s32 @!p0 s1  }
0x8f: {  	[bflag:$0x3] =	sbarrier.arrive $0xFFFF  }
0x90: {  	_ =	shalt  }

</sc_bundles>
